<compile_context>
chip_gen: v7x
topology: tpu7x:2x2x1
jax: 0.10.2.dev20260603
libtpu: 0.0.44.dev20260713+nightly
codegen_flags: <defaults>
</compile_context>

<pallas_src>
import jax
import jax.numpy as jnp
import numpy as np
from jax import lax
from jax.experimental import pallas as pl
from jax.experimental.pallas import tpu as pltpu
from jax.experimental.pallas import tpu_sc as plsc

OUT = 7
C = 256
NPTS = OUT * OUT
NW = 208
GROUP = 104
NPAIR = 104
M = 1024
CANON = 224.0
EPS = float(np.finfo(np.float64).eps)
NC, NS = 2, 16
NTILES = NC * NS
BPT = M // NTILES
OUTW = C * NPTS
R_TAB = 174080
PAD_ROWS = 8


def _idx_kernel(bx_ref, idx_ref, wgt_ref):
    b = bx_ref[...]
    x0 = b[:, 0:1]
    y0 = b[:, 1:2]
    x1 = b[:, 2:3]
    y1 = b[:, 3:4]
    area = (x1 - x0) * (y1 - y0)
    size = jnp.sqrt(area)
    lvlf = jnp.floor(4.0 + jnp.log2(size / CANON + EPS))
    lvl = jnp.clip(lvlf, 2.0, 5.0).astype(jnp.int32) - 2
    scale = 1.0 / (jnp.int32(4) << lvl).astype(jnp.float32)
    w_lvl = jnp.int32(256) >> lvl
    wf = w_lvl.astype(jnp.float32)
    base_lvl = jnp.where(lvl == 0, 0,
               jnp.where(lvl == 1, 131072,
               jnp.where(lvl == 2, 163840, 172032)))
    mrow = lax.broadcasted_iota(jnp.int32, (M, 1), 0)
    bidx = (mrow >= (M // 2)).astype(jnp.int32)
    base = base_lvl + bidx * w_lvl * w_lvl

    a0x = x0 * scale - 0.5
    a1x = x1 * scale - 0.5
    a0y = y0 * scale - 0.5
    a1y = y1 * scale - 0.5
    bw = (a1x - a0x) / float(OUT)
    bh = (a1y - a0y) / float(OUT)

    f = lax.broadcasted_iota(jnp.int32, (M, NW), 1)
    grp1 = f >= GROUP
    fg = f - jnp.where(grp1, GROUP, 0)
    ploc = fg >> 2
    k = fg & 3
    p = ploc + jnp.where(grp1, 24, 0)
    validlane = ploc < jnp.where(grp1, 25, 24)
    i = jnp.floor(p.astype(jnp.float32) * (1.0 / 7.0 + 1e-6)).astype(jnp.int32)
    j = p - 7 * i
    xs = a0x + (j.astype(jnp.float32) + 0.5) * bw
    ys = a0y + (i.astype(jnp.float32) + 0.5) * bh

    vx = (xs > -1.0) & (xs < wf)
    xc = jnp.maximum(xs, 0.0)
    xl = jnp.minimum(jnp.floor(xc).astype(jnp.int32), w_lvl - 1)
    fx = jnp.where(xl >= w_lvl - 1, 0.0, xc - xl.astype(jnp.float32))
    vy = (ys > -1.0) & (ys < wf)
    yc = jnp.maximum(ys, 0.0)
    yl = jnp.minimum(jnp.floor(yc).astype(jnp.int32), w_lvl - 1)
    fy = jnp.where(yl >= w_lvl - 1, 0.0, yc - yl.astype(jnp.float32))

    kx = k & 1
    ky = k >> 1
    wx = jnp.where(vx, jnp.where(kx == 1, fx, 1.0 - fx), 0.0)
    wy = jnp.where(vy, jnp.where(ky == 1, fy, 1.0 - fy), 0.0)
    wgt_ref[...] = jnp.where(validlane, wx * wy, 0.0)

    fp = lax.broadcasted_iota(jnp.int32, (M, NPAIR), 1)
    p2 = fp >> 1
    kp = fp & 1
    vlane2 = fp < 2 * NPTS
    i2 = jnp.floor(p2.astype(jnp.float32) * (1.0 / 7.0 + 1e-6)).astype(jnp.int32)
    j2 = p2 - 7 * i2
    xs2 = a0x + (j2.astype(jnp.float32) + 0.5) * bw
    ys2 = a0y + (i2.astype(jnp.float32) + 0.5) * bh
    xl2 = jnp.minimum(jnp.floor(jnp.maximum(xs2, 0.0)).astype(jnp.int32),
                      w_lvl - 1)
    yl2 = jnp.minimum(jnp.floor(jnp.maximum(ys2, 0.0)).astype(jnp.int32),
                      w_lvl - 1)
    yk2 = jnp.where(kp == 1, jnp.minimum(yl2 + 1, w_lvl - 1), yl2)
    idxp = PAD_ROWS + base + yk2 * w_lvl + xl2
    idx_ref[...] = jnp.where(vlane2, idxp, 0)


def _sc_body(table, idx_hbm, wgt_hbm, out_hbm,
             idx_v, wgt_v, rows_v, stage_v, gsem, osem):
    wid = lax.axis_index("s") * NC + lax.axis_index("c")
    m0 = wid * BPT
    lane = lax.iota(jnp.int32, 16)
    lane49 = lane * NPTS

    def issue_gather(t):
        pltpu.async_copy(table.at[idx_v.at[t & 15]],
                         rows_v.at[pl.ds((t & 1) * NPAIR, NPAIR)],
                         gsem.at[t & 1])

    def drain_gather(t):
        pltpu.make_async_copy(table.at[idx_v.at[t & 15]],
                              rows_v.at[pl.ds((t & 1) * NPAIR, NPAIR)],
                              gsem.at[t & 1]).wait()

    def body(t, carry):
        buf = t & 1
        tl = t & 15

        @pl.when(jnp.logical_and(t != 15, t < BPT - 1))
        def _():
            issue_gather(t + 1)

        drain_gather(t)

        @pl.when(t == 15)
        def _():
            pltpu.sync_copy(idx_hbm.at[pl.ds(m0 + 16, 16)], idx_v)
            issue_gather(16)

        @pl.when(t == 16)
        def _():
            pltpu.sync_copy(wgt_hbm.at[pl.ds((m0 + 16) * NW, 16 * NW)],
                            wgt_v)

        @pl.when(t >= 1)
        def _():
            pltpu.make_async_copy(stage_v, out_hbm.at[m0], osem).wait()

        def pbody(p, c2):
            f0 = jnp.where(p < 24, p * 4, GROUP + (p - 24) * 4)
            wbase = tl * NW + f0
            w0 = plsc.load_gather(wgt_v, [jnp.full((16,), wbase, jnp.int32)])
            w1 = plsc.load_gather(wgt_v, [jnp.full((16,), wbase + 1, jnp.int32)])
            w2 = plsc.load_gather(wgt_v, [jnp.full((16,), wbase + 2, jnp.int32)])
            w3 = plsc.load_gather(wgt_v, [jnp.full((16,), wbase + 3, jnp.int32)])
            ra = buf * NPAIR + 2 * p
            for c in range(16):
                axl = rows_v[ra, pl.ds(c * 16, 16)]
                axh = rows_v[ra, pl.ds(C + c * 16, 16)]
                bxl = rows_v[ra + 1, pl.ds(c * 16, 16)]
                bxh = rows_v[ra + 1, pl.ds(C + c * 16, 16)]
                acc = axl * w0 + axh * w1 + bxl * w2 + bxh * w3
                sidx = lane49 + (c * 16 * NPTS) + p
                plsc.store_scatter(stage_v, [sidx], acc)
            return c2

        lax.fori_loop(0, NPTS, pbody, 0)
        pltpu.async_copy(stage_v, out_hbm.at[m0 + t], osem)
        return carry

    pltpu.sync_copy(idx_hbm.at[pl.ds(m0, 16)], idx_v)
    pltpu.sync_copy(wgt_hbm.at[pl.ds(m0 * NW, 16 * NW)], wgt_v)
    issue_gather(0)
    lax.fori_loop(0, BPT, body, 0)
    pltpu.make_async_copy(stage_v, out_hbm.at[m0], osem).wait()


def _mk_builder(hh, ww, pblk, base8, is_last, fresh):
    hw = hh * ww
    bh = pblk // ww
    """Pallas TC kernel: one FPN level NCHW -> pair-table region.

    Transposes (C, pblk) pixel blocks to (pblk, C) and writes them twice into
    the (R_TAB + PAD_ROWS, 512) table: rows [q0, q0+P) cols [0,256) (pixel q)
    and rows [q0-1, q0+P-1) cols [256,512) (so row r's second half holds
    pixel r+1). Rows below PAD_ROWS are write-only scratch; the very last
    real row's second half is filled by a small sync copy in the last block.
    """
    nb = hw // pblk
    nsteps = N_IMG_ * nb

    def body(*refs):
        if fresh:
            x_ref, tab_out, tb0, tb1, st0, st1, hrow, sem0, sem1 = refs
        else:
            _, x_ref, tab_out, tb0, tb1, st0, st1, hrow, sem0, sem1 = refs
        b = pl.program_id(0)
        pbr = pl.program_id(1)
        pb = nb - 1 - pbr
        step = b * nb + pbr
        par = lax.rem(step, 2)
        q0 = base8 + b * hw + pb * pblk

        def wait_pair(sem):
            pltpu.make_async_copy(
                tb0, tab_out.at[pl.ds(0, pblk), pl.ds(0, C)], sem).wait()
            pltpu.make_async_copy(
                tb0, tab_out.at[pl.ds(0, pblk), pl.ds(0, C)], sem).wait()

        def run(tb, stb, sem):
            @pl.when(step >= 2)
            def _():
                wait_pair(sem)
            arr = x_ref[...][0]
            tval = jnp.concatenate(
                [jnp.transpose(arr[:, y, :], (1, 0)) for y in range(bh)],
                axis=0)
            tb[...] = tval
            stb[pl.ds(0, pblk - 1)] = tval[1:pblk]
            @pl.when(pbr == 0)
            def _():
                stb[pl.ds(pblk - 1, 1)] = tval[pblk - 1:pblk]
            @pl.when(pbr != 0)
            def _():
                stb[pl.ds(pblk - 1, 1)] = hrow[...]
            hrow[...] = tval[0:1]
            pltpu.async_copy(
                tb, tab_out.at[pl.ds(q0, pblk), pl.ds(0, C)], sem)
            pltpu.async_copy(
                stb, tab_out.at[pl.ds(q0, pblk), pl.ds(C, C)], sem)

        @pl.when(par == 0)
        def _():
            run(tb0, st0, sem0)

        @pl.when(par == 1)
        def _():
            run(tb1, st1, sem1)

        lastpar = (nsteps - 1) % 2

        @pl.when(step == nsteps - 1)
        def _():
            wait_pair(sem1 if lastpar else sem0)
            if nsteps >= 2:
                wait_pair(sem0 if lastpar else sem1)

    in_specs = [pl.BlockSpec((1, C, bh, ww),
                             lambda b, pbr: (b, 0, nb - 1 - pbr, 0))]
    aliases = {}
    if not fresh:
        in_specs = [pl.BlockSpec(memory_space=pltpu.MemorySpace.HBM)] + in_specs
        aliases = {0: 0}
    return pl.pallas_call(
        body,
        grid=(N_IMG_, nb),
        in_specs=in_specs,
        out_specs=pl.BlockSpec(memory_space=pltpu.MemorySpace.HBM),
        out_shape=jax.ShapeDtypeStruct((R_TAB + PAD_ROWS, 2 * C),
                                       jnp.float32),
        scratch_shapes=[
            pltpu.VMEM((pblk, C), jnp.float32),
            pltpu.VMEM((pblk, C), jnp.float32),
            pltpu.VMEM((pblk, C), jnp.float32),
            pltpu.VMEM((pblk, C), jnp.float32),
            pltpu.VMEM((1, C), jnp.float32),
            pltpu.SemaphoreType.DMA,
            pltpu.SemaphoreType.DMA,
        ],
        input_output_aliases=aliases,
    )


N_IMG_ = 2
LEVEL_H = (256, 128, 64, 32)
LEVEL_HW = (256 * 256, 128 * 128, 64 * 64, 32 * 32)
LEVEL_BASE = (0, 131072, 163840, 172032)

_CALLS = {}


def _get_calls():
    if not _CALLS:
        mesh = plsc.VectorSubcoreMesh(
            core_axis_name="c", subcore_axis_name="s",
            num_cores=NC, num_subcores=NS)
        _CALLS["sc"] = pl.kernel(
            _sc_body,
            out_type=jax.ShapeDtypeStruct((M, OUTW), jnp.float32),
            mesh=mesh,
            compiler_params=pltpu.CompilerParams(needs_layout_passes=False),
            scratch_types=[
                pltpu.VMEM((16, NPAIR), jnp.int32),
                pltpu.VMEM((16 * NW,), jnp.float32),
                pltpu.VMEM((2 * NPAIR, 2 * C), jnp.float32),
                pltpu.VMEM((OUTW,), jnp.float32),
                pltpu.SemaphoreType.DMA((2,)),
                pltpu.SemaphoreType.DMA,
            ],
        )
        _CALLS["idx"] = pl.pallas_call(
            _idx_kernel,
            out_shape=(jax.ShapeDtypeStruct((M, NPAIR), jnp.int32),
                       jax.ShapeDtypeStruct((M, NW), jnp.float32)),
        )
        _CALLS["build"] = [
            _mk_builder(LEVEL_H[l], LEVEL_H[l], min(2048, LEVEL_HW[l]),
                        LEVEL_BASE[l] + PAD_ROWS, is_last=(l == 3),
                        fresh=(l == 0))
            for l in range(4)
        ]
    return _CALLS["idx"], _CALLS["sc"], _CALLS["build"]


def kernel(x_p2, x_p3, x_p4, x_p5, boxes):
    idx_call, sc_call, build = _get_calls()
    xs = (x_p2, x_p3, x_p4, x_p5)
    table2 = build[0](xs[0])
    for l in (1, 2, 3):
        table2 = build[l](table2, xs[l])
    bx = boxes.reshape(M, 4)
    idx, wgt = idx_call(bx)
    out = sc_call(table2, idx, wgt.reshape(M * NW))
    return out.reshape(M, C, OUT, OUT)

# --- scband reference (transcript-rebuilt; emitter-appended) ---
"""Pipeline reference for scband-roipooler-81733227643399 (READ-ONLY COPY).

The authoritative reference and input builder live on the scoring server;
editing this copy changes nothing except your own understanding.
"""

import jax, jax.numpy as jnp
import numpy as np

IMG = 1024.0
C = 256
OUT = 7
SR = 1
SCALES = (0.25, 0.125, 0.0625, 0.03125)
MIN_LEVEL = 2
MAX_LEVEL = 5
CANON_SIZE = 224.0
CANON_LEVEL = 4
N_IMG = 2
BOXES_PER_IMG = 512


def setup_inputs(seed: int = 0):
    key = jax.random.key(seed)
    ks = jax.random.split(key, 6)
    x_p2 = jax.random.normal(ks[0], (N_IMG, C, 256, 256), dtype=jnp.float32)
    x_p3 = jax.random.normal(ks[1], (N_IMG, C, 128, 128), dtype=jnp.float32)
    x_p4 = jax.random.normal(ks[2], (N_IMG, C, 64, 64), dtype=jnp.float32)
    x_p5 = jax.random.normal(ks[3], (N_IMG, C, 32, 32), dtype=jnp.float32)
    ctr = jax.random.uniform(ks[4], (N_IMG, BOXES_PER_IMG, 2), minval=32.0, maxval=IMG - 32.0)
    wh = jax.random.uniform(ks[5], (N_IMG, BOXES_PER_IMG, 2), minval=16.0, maxval=512.0)
    x0y0 = jnp.clip(ctr - wh * 0.5, 0.0, IMG)
    x1y1 = jnp.clip(ctr + wh * 0.5, 0.0, IMG)
    boxes = jnp.concatenate([x0y0, x1y1], axis=-1).astype(jnp.float32)
    return {"x_p2": x_p2, "x_p3": x_p3, "x_p4": x_p4, "x_p5": x_p5, "boxes": boxes}


def _prep_coord(c, size):
    # ROIAlign coordinate handling: points with c <= -1 or c >= size are invalid (zero)
    valid = (c > -1.0) & (c < float(size))
    c = jnp.maximum(c, 0.0)
    low = jnp.floor(c).astype(jnp.int32)
    low = jnp.minimum(low, size - 1)
    high = jnp.minimum(low + 1, size - 1)
    frac = jnp.where(low >= size - 1, 0.0, c - low.astype(c.dtype))
    return low, high, frac, valid


def _roi_align(feat, rois, spatial_scale):
    # feat: [N, C, H, W]; rois: [M, 5] = (batch_idx, x0, y0, x1, y1); aligned=True (ROIAlignV2)
    N, Cc, H, W = feat.shape
    M = rois.shape[0]
    bidx = rois[:, 0].astype(jnp.int32)
    x0 = rois[:, 1] * spatial_scale - 0.5
    y0 = rois[:, 2] * spatial_scale - 0.5
    x1 = rois[:, 3] * spatial_scale - 0.5
    y1 = rois[:, 4] * spatial_scale - 0.5
    bw = (x1 - x0) / OUT
    bh = (y1 - y0) / OUT
    g = (jnp.arange(OUT * SR, dtype=jnp.float32) + 0.5) / SR
    ys = y0[:, None] + g[None, :] * bh[:, None]  # [M, G]
    xs = x0[:, None] + g[None, :] * bw[:, None]  # [M, G]
    yl, yh, fy, vy = _prep_coord(ys, H)
    xl, xh, fx, vx = _prep_coord(xs, W)
    feat_flat = jnp.transpose(feat, (0, 2, 3, 1)).reshape(N * H * W, Cc)

    def gather(yy, xx):
        idx = (bidx[:, None, None] * H + yy[:, :, None]) * W + xx[:, None, :]
        return feat_flat[idx]  # [M, G, G, C]

    ly = fy[:, :, None]
    hy = 1.0 - ly
    lx = fx[:, None, :]
    hx = 1.0 - lx
    val = (gather(yl, xl) * (hy * hx)[..., None]
           + gather(yl, xh) * (hy * lx)[..., None]
           + gather(yh, xl) * (ly * hx)[..., None]
           + gather(yh, xh) * (ly * lx)[..., None])
    mask = (vy[:, :, None] & vx[:, None, :])[..., None]
    val = jnp.where(mask, val, 0.0)
    val = val.reshape(M, OUT, SR, OUT, SR, Cc).mean(axis=(2, 4))
    return jnp.transpose(val, (0, 3, 1, 2))  # [M, C, OUT, OUT]


def reference(x_p2, x_p3, x_p4, x_p5, boxes):
    feats = [x_p2, x_p3, x_p4, x_p5]
    M = N_IMG * BOXES_PER_IMG
    bidx = jnp.repeat(jnp.arange(N_IMG, dtype=jnp.float32), BOXES_PER_IMG)
    flat = boxes.reshape(M, 4)
    rois = jnp.concatenate([bidx[:, None], flat], axis=1)  # pooler-format boxes [M, 5]
    # assign_boxes_to_levels
    areas = (flat[:, 2] - flat[:, 0]) * (flat[:, 3] - flat[:, 1])
    sizes = jnp.sqrt(areas)
    eps = float(np.finfo(np.float64).eps)
    lvl = jnp.floor(CANON_LEVEL + jnp.log2(sizes / CANON_SIZE + eps))
    lvl = jnp.clip(lvl, MIN_LEVEL, MAX_LEVEL).astype(jnp.int32) - MIN_LEVEL
    out = jnp.zeros((M, C, OUT, OUT), dtype=x_p2.dtype)
    for level, (feat, scale) in enumerate(zip(feats, SCALES)):
        pooled = _roi_align(feat, rois, scale)
        sel = (lvl == level)[:, None, None, None]
        out = jnp.where(sel, pooled, out)
    return out

if __name__ == "__main__":
    import jax
    _d = setup_inputs()
    print(jax.jit(kernel)(*tuple(_d.values())))

</pallas_src>

<mosaic_0001>
#map = affine_map<(d0, d1) -> (0, 0)>
#map1 = affine_map<(d0, d1) -> (0)>
module attributes {stable_mosaic.version = 14 : i64} {
  func.func @_sc_body(%arg0: i32, %arg1: i32, %arg2: memref<174088x512xf32, #tpu.memory_space<hbm>>, %arg3: memref<1024x104xi32, #tpu.memory_space<hbm>>, %arg4: memref<212992xf32, #tpu.memory_space<hbm>>, %arg5: memref<1024x12544xf32, #tpu.memory_space<hbm>>, %arg6: memref<16x104xi32, #tpu.memory_space<vmem>>, %arg7: memref<3328xf32, #tpu.memory_space<vmem>>, %arg8: memref<208x512xf32, #tpu.memory_space<vmem>>, %arg9: memref<12544xf32, #tpu.memory_space<vmem>>, %arg10: memref<2x!tpu.dma_semaphore, #tpu.memory_space<semaphore_mem>>, %arg11: memref<!tpu.dma_semaphore, #tpu.memory_space<semaphore_mem>>) attributes {dimension_semantics = [#tpu.dimension_semantics<core_parallel>, #tpu.dimension_semantics<subcore_parallel>], iteration_bounds = array<i64: 2, 16>, scalar_prefetch = 0 : i64, scratch_operands = 6 : i64, tpu.core_type = #tpu.core_type<sc_vector_subcore>, window_params = [{transform_indices = #map}, {transform_indices = #map}, {transform_indices = #map1}, {transform_indices = #map}]} {
    %mul3A = arith.constant 2 : i32
    %mul3A_0 = arith.muli %arg1, %mul3A : i32
    %add3A = arith.addi %mul3A_0, %arg0 : i32
    %mul3A_1 = arith.constant 32 : i32
    %mul3A_2 = arith.muli %add3A, %mul3A_1 : i32
    %iota3A = tpu.iota {dimensions = array<i32: 0>} : vector<16xi32>
    %mul3A_3 = arith.constant 49 : i32
    %mul3A_4 = vector.broadcast %mul3A_3 : i32 to vector<16xi32>
    %mul3A_5 = arith.muli %iota3A, %mul3A_4 : vector<16xi32>
    "tpu.region"() ({
      %run_scoped3A = tpu.sem_alloc : memref<!tpu.dma_semaphore, #tpu.memory_space<semaphore_mem>>
      %dma_start3A_30 = arith.constant 0 : i32
      %dma_start3A_31 = tpu.memref_slice %arg3[%mul3A_2, %dma_start3A_30] : memref<1024x104xi32, #tpu.memory_space<hbm>> -> memref<16x104xi32, #tpu.memory_space<hbm>>
      %dma_start3A_32 = arith.constant 0 : i32
      %dma_start3A_33 = tpu.memref_slice %arg3[%mul3A_2, %dma_start3A_32] : memref<1024x104xi32, #tpu.memory_space<hbm>> -> memref<16x104xi32, #tpu.memory_space<hbm>>
      tpu.enqueue_dma source(%dma_start3A_33 : memref<16x104xi32, #tpu.memory_space<hbm>>) target(%arg6 : memref<16x104xi32, #tpu.memory_space<vmem>>) target_semaphore(%run_scoped3A : memref<!tpu.dma_semaphore, #tpu.memory_space<semaphore_mem>>)
      %dma_wait3A_34 = arith.constant 0 : i32
      %dma_wait3A_35 = tpu.memref_slice %arg3[%mul3A_2, %dma_wait3A_34] : memref<1024x104xi32, #tpu.memory_space<hbm>> -> memref<16x104xi32, #tpu.memory_space<hbm>>
      %dma_wait3A_36 = arith.constant 0 : i32
      %dma_wait3A_37 = tpu.memref_slice %arg3[%mul3A_2, %dma_wait3A_36] : memref<1024x104xi32, #tpu.memory_space<hbm>> -> memref<16x104xi32, #tpu.memory_space<hbm>>
      tpu.wait_dma2 semaphore(%run_scoped3A : memref<!tpu.dma_semaphore, #tpu.memory_space<semaphore_mem>>) src(%dma_wait3A_37 : memref<16x104xi32, #tpu.memory_space<hbm>>) dst(%arg6 : memref<16x104xi32, #tpu.memory_space<vmem>>)
      tpu.yield
    }) : () -> ()
    %mul3A_6 = arith.constant 208 : i32
    %mul3A_7 = arith.muli %mul3A_2, %mul3A_6 : i32
    "tpu.region"() ({
      %run_scoped3A = tpu.sem_alloc : memref<!tpu.dma_semaphore, #tpu.memory_space<semaphore_mem>>
      %dma_start3A_30 = tpu.memref_slice %arg4[%mul3A_7] : memref<212992xf32, #tpu.memory_space<hbm>> -> memref<3328xf32, #tpu.memory_space<hbm>>
      %dma_start3A_31 = tpu.memref_slice %arg4[%mul3A_7] : memref<212992xf32, #tpu.memory_space<hbm>> -> memref<3328xf32, #tpu.memory_space<hbm>>
      tpu.enqueue_dma source(%dma_start3A_31 : memref<3328xf32, #tpu.memory_space<hbm>>) target(%arg7 : memref<3328xf32, #tpu.memory_space<vmem>>) target_semaphore(%run_scoped3A : memref<!tpu.dma_semaphore, #tpu.memory_space<semaphore_mem>>)
      %dma_wait3A_32 = tpu.memref_slice %arg4[%mul3A_7] : memref<212992xf32, #tpu.memory_space<hbm>> -> memref<3328xf32, #tpu.memory_space<hbm>>
      %dma_wait3A_33 = tpu.memref_slice %arg4[%mul3A_7] : memref<212992xf32, #tpu.memory_space<hbm>> -> memref<3328xf32, #tpu.memory_space<hbm>>
      tpu.wait_dma2 semaphore(%run_scoped3A : memref<!tpu.dma_semaphore, #tpu.memory_space<semaphore_mem>>) src(%dma_wait3A_33 : memref<3328xf32, #tpu.memory_space<hbm>>) dst(%arg7 : memref<3328xf32, #tpu.memory_space<vmem>>)
      tpu.yield
    }) : () -> ()
    %dma_start3A = arith.constant 0 : i32
    %dma_start3A_8 = arith.constant 0 : i32
    %dma_start3A_9 = arith.constant 0 : i32
    %dma_start3A_10 = arith.constant 0 : i32
    %dma_start3A_11 = tpu.memref_slice %arg8[%dma_start3A_9, %dma_start3A_10] : memref<208x512xf32, #tpu.memory_space<vmem>> -> memref<104x512xf32, #tpu.memory_space<vmem>>
    %dma_start3A_12 = arith.constant 0 : i32
    %dma_start3A_13 = tpu.memref_slice %arg6[%dma_start3A, %dma_start3A_12] : memref<16x104xi32, #tpu.memory_space<vmem>> -> memref<1x104xi32, #tpu.memory_space<vmem>>
    %dma_start3A_14 = tpu.memref_squeeze %dma_start3A_13 : memref<1x104xi32, #tpu.memory_space<vmem>> -> memref<104xi32, #tpu.memory_space<vmem>>
    %dma_start3A_15 = arith.constant 0 : i32
    %dma_start3A_16 = arith.constant 0 : i32
    %dma_start3A_17 = tpu.memref_slice %arg2[%dma_start3A_15, %dma_start3A_16] : memref<174088x512xf32, #tpu.memory_space<hbm>> -> memref<174088x512xf32, #tpu.memory_space<hbm>>
    %dma_start3A_18 = tpu.memref_slice %arg10[%dma_start3A_8] : memref<2x!tpu.dma_semaphore, #tpu.memory_space<semaphore_mem>> -> memref<1x!tpu.dma_semaphore, #tpu.memory_space<semaphore_mem>>
    %dma_start3A_19 = tpu.memref_squeeze %dma_start3A_18 : memref<1x!tpu.dma_semaphore, #tpu.memory_space<semaphore_mem>> -> memref<!tpu.dma_semaphore, #tpu.memory_space<semaphore_mem>>
    tpu.enqueue_indirect_dma source(%dma_start3A_17 : memref<174088x512xf32, #tpu.memory_space<hbm>>) target(%dma_start3A_11 : memref<104x512xf32, #tpu.memory_space<vmem>>) offsets(%dma_start3A_14 : memref<104xi32, #tpu.memory_space<vmem>>) semaphore(%dma_start3A_19 : memref<!tpu.dma_semaphore, #tpu.memory_space<semaphore_mem>>)
    %scan3A = arith.constant 0 : i32
    %scan3A_20 = arith.constant 0 : i32
    %scan3A_21 = arith.constant 32 : i32
    %scan3A_22 = arith.addi %scan3A_20, %scan3A_21 : i32
    %scan3A_23 = arith.constant 1 : i32
    scf.for %scan3A_30 = %scan3A_20 to %scan3A_22 step %scan3A_23  : i32 {
      %and3A = arith.constant 1 : i32
      %and3A_31 = arith.andi %scan3A_30, %and3A : i32
      %and3A_32 = arith.constant 15 : i32
      %and3A_33 = arith.andi %scan3A_30, %and3A_32 : i32
      %ne3A = arith.constant 15 : i32
      %ne3A_34 = arith.cmpi ne, %scan3A_30, %ne3A : i32
      %lt3A = arith.constant 31 : i32
      %lt3A_35 = arith.cmpi slt, %scan3A_30, %lt3A : i32
      %and3A_36 = arith.andi %ne3A_34, %lt3A_35 : i1
      %convert_element_type3A = arith.extui %and3A_36 : i1 to i32
      %cond3A = arith.constant 0 : i32
      %cond3A_37 = arith.cmpi ne, %convert_element_type3A, %cond3A : i32
      scf.if %cond3A_37 {
        %add3A_82 = arith.constant 1 : i32
        %add3A_83 = arith.addi %scan3A_30, %add3A_82 : i32
        %and3A_84 = arith.constant 15 : i32
        %and3A_85 = arith.andi %add3A_83, %and3A_84 : i32
        %and3A_86 = arith.constant 1 : i32
        %and3A_87 = arith.andi %add3A_83, %and3A_86 : i32
        %mul3A_88 = arith.constant 104 : i32
        %mul3A_89 = arith.muli %and3A_87, %mul3A_88 : i32
        %and3A_90 = arith.constant 1 : i32
        %and3A_91 = arith.andi %add3A_83, %and3A_90 : i32
        %dma_start3A_92 = arith.constant 0 : i32
        %dma_start3A_93 = tpu.memref_slice %arg8[%mul3A_89, %dma_start3A_92] : memref<208x512xf32, #tpu.memory_space<vmem>> -> memref<104x512xf32, #tpu.memory_space<vmem>>
        %dma_start3A_94 = arith.constant 0 : i32
        %dma_start3A_95 = tpu.memref_slice %arg6[%and3A_85, %dma_start3A_94] : memref<16x104xi32, #tpu.memory_space<vmem>> -> memref<1x104xi32, #tpu.memory_space<vmem>>
        %dma_start3A_96 = tpu.memref_squeeze %dma_start3A_95 : memref<1x104xi32, #tpu.memory_space<vmem>> -> memref<104xi32, #tpu.memory_space<vmem>>
        %dma_start3A_97 = arith.constant 0 : i32
        %dma_start3A_98 = arith.constant 0 : i32
        %dma_start3A_99 = tpu.memref_slice %arg2[%dma_start3A_97, %dma_start3A_98] : memref<174088x512xf32, #tpu.memory_space<hbm>> -> memref<174088x512xf32, #tpu.memory_space<hbm>>
        %dma_start3A_100 = tpu.memref_slice %arg10[%and3A_91] : memref<2x!tpu.dma_semaphore, #tpu.memory_space<semaphore_mem>> -> memref<1x!tpu.dma_semaphore, #tpu.memory_space<semaphore_mem>>
        %dma_start3A_101 = tpu.memref_squeeze %dma_start3A_100 : memref<1x!tpu.dma_semaphore, #tpu.memory_space<semaphore_mem>> -> memref<!tpu.dma_semaphore, #tpu.memory_space<semaphore_mem>>
        tpu.enqueue_indirect_dma source(%dma_start3A_99 : memref<174088x512xf32, #tpu.memory_space<hbm>>) target(%dma_start3A_93 : memref<104x512xf32, #tpu.memory_space<vmem>>) offsets(%dma_start3A_96 : memref<104xi32, #tpu.memory_space<vmem>>) semaphore(%dma_start3A_101 : memref<!tpu.dma_semaphore, #tpu.memory_space<semaphore_mem>>)
      } else {
      }
      %and3A_38 = arith.constant 15 : i32
      %and3A_39 = arith.andi %scan3A_30, %and3A_38 : i32
      %and3A_40 = arith.constant 1 : i32
      %and3A_41 = arith.andi %scan3A_30, %and3A_40 : i32
      %mul3A_42 = arith.constant 104 : i32
      %mul3A_43 = arith.muli %and3A_41, %mul3A_42 : i32
      %and3A_44 = arith.constant 1 : i32
      %and3A_45 = arith.andi %scan3A_30, %and3A_44 : i32
      %dma_wait3A_46 = arith.constant 0 : i32
      %dma_wait3A_47 = tpu.memref_slice %arg8[%mul3A_43, %dma_wait3A_46] : memref<208x512xf32, #tpu.memory_space<vmem>> -> memref<104x512xf32, #tpu.memory_space<vmem>>
      %dma_wait3A_48 = arith.constant 0 : i32
      %dma_wait3A_49 = tpu.memref_slice %arg6[%and3A_39, %dma_wait3A_48] : memref<16x104xi32, #tpu.memory_space<vmem>> -> memref<1x104xi32, #tpu.memory_space<vmem>>
      %dma_wait3A_50 = tpu.memref_squeeze %dma_wait3A_49 : memref<1x104xi32, #tpu.memory_space<vmem>> -> memref<104xi32, #tpu.memory_space<vmem>>
      %dma_wait3A_51 = arith.constant 0 : i32
      %dma_wait3A_52 = arith.constant 0 : i32
      %dma_wait3A_53 = tpu.memref_slice %arg2[%dma_wait3A_51, %dma_wait3A_52] : memref<174088x512xf32, #tpu.memory_space<hbm>> -> memref<174088x512xf32, #tpu.memory_space<hbm>>
      %dma_wait3A_54 = tpu.memref_slice %arg10[%and3A_45] : memref<2x!tpu.dma_semaphore, #tpu.memory_space<semaphore_mem>> -> memref<1x!tpu.dma_semaphore, #tpu.memory_space<semaphore_mem>>
      %dma_wait3A_55 = tpu.memref_squeeze %dma_wait3A_54 : memref<1x!tpu.dma_semaphore, #tpu.memory_space<semaphore_mem>> -> memref<!tpu.dma_semaphore, #tpu.memory_space<semaphore_mem>>
      tpu.wait_indirect_dma semaphore(%dma_wait3A_55 : memref<!tpu.dma_semaphore, #tpu.memory_space<semaphore_mem>>) src(%dma_wait3A_53 : memref<174088x512xf32, #tpu.memory_space<hbm>>) dst(%dma_wait3A_47 : memref<104x512xf32, #tpu.memory_space<vmem>>)
      %eq3A = arith.constant 15 : i32
      %eq3A_56 = arith.cmpi eq, %scan3A_30, %eq3A : i32
      %convert_element_type3A_57 = arith.extui %eq3A_56 : i1 to i32
      %cond3A_58 = arith.constant 0 : i32
      %cond3A_59 = arith.cmpi ne, %convert_element_type3A_57, %cond3A_58 : i32
      scf.if %cond3A_59 {
        %add3A_82 = arith.constant 16 : i32
        %add3A_83 = arith.addi %mul3A_2, %add3A_82 : i32
        "tpu.region"() ({
          %run_scoped3A = tpu.sem_alloc : memref<!tpu.dma_semaphore, #tpu.memory_space<semaphore_mem>>
          %dma_start3A_97 = arith.constant 0 : i32
          %dma_start3A_98 = tpu.memref_slice %arg3[%add3A_83, %dma_start3A_97] : memref<1024x104xi32, #tpu.memory_space<hbm>> -> memref<16x104xi32, #tpu.memory_space<hbm>>
          %dma_start3A_99 = arith.constant 0 : i32
          %dma_start3A_100 = tpu.memref_slice %arg3[%add3A_83, %dma_start3A_99] : memref<1024x104xi32, #tpu.memory_space<hbm>> -> memref<16x104xi32, #tpu.memory_space<hbm>>
          tpu.enqueue_dma source(%dma_start3A_100 : memref<16x104xi32, #tpu.memory_space<hbm>>) target(%arg6 : memref<16x104xi32, #tpu.memory_space<vmem>>) target_semaphore(%run_scoped3A : memref<!tpu.dma_semaphore, #tpu.memory_space<semaphore_mem>>)
          %dma_wait3A_101 = arith.constant 0 : i32
          %dma_wait3A_102 = tpu.memref_slice %arg3[%add3A_83, %dma_wait3A_101] : memref<1024x104xi32, #tpu.memory_space<hbm>> -> memref<16x104xi32, #tpu.memory_space<hbm>>
          %dma_wait3A_103 = arith.constant 0 : i32
          %dma_wait3A_104 = tpu.memref_slice %arg3[%add3A_83, %dma_wait3A_103] : memref<1024x104xi32, #tpu.memory_space<hbm>> -> memref<16x104xi32, #tpu.memory_space<hbm>>
          tpu.wait_dma2 semaphore(%run_scoped3A : memref<!tpu.dma_semaphore, #tpu.memory_space<semaphore_mem>>) src(%dma_wait3A_104 : memref<16x104xi32, #tpu.memory_space<hbm>>) dst(%arg6 : memref<16x104xi32, #tpu.memory_space<vmem>>)
          tpu.yield
        }) : () -> ()
        %dma_start3A_84 = arith.constant 0 : i32
        %dma_start3A_85 = arith.constant 0 : i32
        %dma_start3A_86 = arith.constant 0 : i32
        %dma_start3A_87 = arith.constant 0 : i32
        %dma_start3A_88 = tpu.memref_slice %arg8[%dma_start3A_86, %dma_start3A_87] : memref<208x512xf32, #tpu.memory_space<vmem>> -> memref<104x512xf32, #tpu.memory_space<vmem>>
        %dma_start3A_89 = arith.constant 0 : i32
        %dma_start3A_90 = tpu.memref_slice %arg6[%dma_start3A_84, %dma_start3A_89] : memref<16x104xi32, #tpu.memory_space<vmem>> -> memref<1x104xi32, #tpu.memory_space<vmem>>
        %dma_start3A_91 = tpu.memref_squeeze %dma_start3A_90 : memref<1x104xi32, #tpu.memory_space<vmem>> -> memref<104xi32, #tpu.memory_space<vmem>>
        %dma_start3A_92 = arith.constant 0 : i32
        %dma_start3A_93 = arith.constant 0 : i32
        %dma_start3A_94 = tpu.memref_slice %arg2[%dma_start3A_92, %dma_start3A_93] : memref<174088x512xf32, #tpu.memory_space<hbm>> -> memref<174088x512xf32, #tpu.memory_space<hbm>>
        %dma_start3A_95 = tpu.memref_slice %arg10[%dma_start3A_85] : memref<2x!tpu.dma_semaphore, #tpu.memory_space<semaphore_mem>> -> memref<1x!tpu.dma_semaphore, #tpu.memory_space<semaphore_mem>>
        %dma_start3A_96 = tpu.memref_squeeze %dma_start3A_95 : memref<1x!tpu.dma_semaphore, #tpu.memory_space<semaphore_mem>> -> memref<!tpu.dma_semaphore, #tpu.memory_space<semaphore_mem>>
        tpu.enqueue_indirect_dma source(%dma_start3A_94 : memref<174088x512xf32, #tpu.memory_space<hbm>>) target(%dma_start3A_88 : memref<104x512xf32, #tpu.memory_space<vmem>>) offsets(%dma_start3A_91 : memref<104xi32, #tpu.memory_space<vmem>>) semaphore(%dma_start3A_96 : memref<!tpu.dma_semaphore, #tpu.memory_space<semaphore_mem>>)
      } else {
      }
      %eq3A_60 = arith.constant 16 : i32
      %eq3A_61 = arith.cmpi eq, %scan3A_30, %eq3A_60 : i32
      %convert_element_type3A_62 = arith.extui %eq3A_61 : i1 to i32
      %cond3A_63 = arith.constant 0 : i32
      %cond3A_64 = arith.cmpi ne, %convert_element_type3A_62, %cond3A_63 : i32
      scf.if %cond3A_64 {
        %add3A_82 = arith.constant 16 : i32
        %add3A_83 = arith.addi %mul3A_2, %add3A_82 : i32
        %mul3A_84 = arith.constant 208 : i32
        %mul3A_85 = arith.muli %add3A_83, %mul3A_84 : i32
        "tpu.region"() ({
          %run_scoped3A = tpu.sem_alloc : memref<!tpu.dma_semaphore, #tpu.memory_space<semaphore_mem>>
          %dma_start3A_86 = tpu.memref_slice %arg4[%mul3A_85] : memref<212992xf32, #tpu.memory_space<hbm>> -> memref<3328xf32, #tpu.memory_space<hbm>>
          %dma_start3A_87 = tpu.memref_slice %arg4[%mul3A_85] : memref<212992xf32, #tpu.memory_space<hbm>> -> memref<3328xf32, #tpu.memory_space<hbm>>
          tpu.enqueue_dma source(%dma_start3A_87 : memref<3328xf32, #tpu.memory_space<hbm>>) target(%arg7 : memref<3328xf32, #tpu.memory_space<vmem>>) target_semaphore(%run_scoped3A : memref<!tpu.dma_semaphore, #tpu.memory_space<semaphore_mem>>)
          %dma_wait3A_88 = tpu.memref_slice %arg4[%mul3A_85] : memref<212992xf32, #tpu.memory_space<hbm>> -> memref<3328xf32, #tpu.memory_space<hbm>>
          %dma_wait3A_89 = tpu.memref_slice %arg4[%mul3A_85] : memref<212992xf32, #tpu.memory_space<hbm>> -> memref<3328xf32, #tpu.memory_space<hbm>>
          tpu.wait_dma2 semaphore(%run_scoped3A : memref<!tpu.dma_semaphore, #tpu.memory_space<semaphore_mem>>) src(%dma_wait3A_89 : memref<3328xf32, #tpu.memory_space<hbm>>) dst(%arg7 : memref<3328xf32, #tpu.memory_space<vmem>>)
          tpu.yield
        }) : () -> ()
      } else {
      }
      %ge3A = arith.constant 1 : i32
      %ge3A_65 = arith.cmpi sge, %scan3A_30, %ge3A : i32
      %convert_element_type3A_66 = arith.extui %ge3A_65 : i1 to i32
      %cond3A_67 = arith.constant 0 : i32
      %cond3A_68 = arith.cmpi ne, %convert_element_type3A_66, %cond3A_67 : i32
      scf.if %cond3A_68 {
        %dma_wait3A_82 = arith.constant 0 : i32
        %dma_wait3A_83 = tpu.memref_slice %arg5[%mul3A_2, %dma_wait3A_82] : memref<1024x12544xf32, #tpu.memory_space<hbm>> -> memref<1x12544xf32, #tpu.memory_space<hbm>>
        %dma_wait3A_84 = tpu.memref_squeeze %dma_wait3A_83 : memref<1x12544xf32, #tpu.memory_space<hbm>> -> memref<12544xf32, #tpu.memory_space<hbm>>
        %dma_wait3A_85 = arith.constant 0 : i32
        %dma_wait3A_86 = tpu.memref_slice %arg5[%mul3A_2, %dma_wait3A_85] : memref<1024x12544xf32, #tpu.memory_space<hbm>> -> memref<1x12544xf32, #tpu.memory_space<hbm>>
        %dma_wait3A_87 = tpu.memref_squeeze %dma_wait3A_86 : memref<1x12544xf32, #tpu.memory_space<hbm>> -> memref<12544xf32, #tpu.memory_space<hbm>>
        tpu.wait_dma2 semaphore(%arg11 : memref<!tpu.dma_semaphore, #tpu.memory_space<semaphore_mem>>) src(%arg9 : memref<12544xf32, #tpu.memory_space<vmem>>) dst(%dma_wait3A_87 : memref<12544xf32, #tpu.memory_space<hbm>>)
      } else {
      }
      %scan3A_69 = arith.constant 0 : i32
      %scan3A_70 = arith.constant 0 : i32
      %scan3A_71 = arith.constant 49 : i32
      %scan3A_72 = arith.addi %scan3A_70, %scan3A_71 : i32
      %scan3A_73 = arith.constant 1 : i32
      scf.for %scan3A_82 = %scan3A_70 to %scan3A_72 step %scan3A_73  : i32 {
        %lt3A_83 = arith.constant 24 : i32
        %lt3A_84 = arith.cmpi slt, %scan3A_82, %lt3A_83 : i32
        %mul3A_85 = arith.constant 4 : i32
        %mul3A_86 = arith.muli %scan3A_82, %mul3A_85 : i32
        %sub3A = arith.constant 24 : i32
        %sub3A_87 = arith.subi %scan3A_82, %sub3A : i32
        %mul3A_88 = arith.constant 4 : i32
        %mul3A_89 = arith.muli %sub3A_87, %mul3A_88 : i32
        %add3A_90 = arith.constant 104 : i32
        %add3A_91 = arith.addi %add3A_90, %mul3A_89 : i32
        %select_n3A = arith.select %lt3A_84, %mul3A_86, %add3A_91 : i32
        %mul3A_92 = arith.constant 208 : i32
        %mul3A_93 = arith.muli %and3A_33, %mul3A_92 : i32
        %add3A_94 = arith.addi %mul3A_93, %select_n3A : i32
        %broadcast_in_dim3A = vector.broadcast %add3A_94 : i32 to vector<16xi32>
        %gather3A = tpu.vector_load_idx %arg7[%broadcast_in_dim3A] : memref<3328xf32, #tpu.memory_space<vmem>>[vector<16xi32>], vector<16xf32>,
        %add3A_95 = arith.constant 1 : i32
        %add3A_96 = arith.addi %add3A_94, %add3A_95 : i32
        %broadcast_in_dim3A_97 = vector.broadcast %add3A_96 : i32 to vector<16xi32>
        %gather3A_98 = tpu.vector_load_idx %arg7[%broadcast_in_dim3A_97] : memref<3328xf32, #tpu.memory_space<vmem>>[vector<16xi32>], vector<16xf32>,
        %add3A_99 = arith.constant 2 : i32
        %add3A_100 = arith.addi %add3A_94, %add3A_99 : i32
        %broadcast_in_dim3A_101 = vector.broadcast %add3A_100 : i32 to vector<16xi32>
        %gather3A_102 = tpu.vector_load_idx %arg7[%broadcast_in_dim3A_101] : memref<3328xf32, #tpu.memory_space<vmem>>[vector<16xi32>], vector<16xf32>,
        %add3A_103 = arith.constant 3 : i32
        %add3A_104 = arith.addi %add3A_94, %add3A_103 : i32
        %broadcast_in_dim3A_105 = vector.broadcast %add3A_104 : i32 to vector<16xi32>
        %gather3A_106 = tpu.vector_load_idx %arg7[%broadcast_in_dim3A_105] : memref<3328xf32, #tpu.memory_space<vmem>>[vector<16xi32>], vector<16xf32>,
        %mul3A_107 = arith.constant 104 : i32
        %mul3A_108 = arith.muli %and3A_31, %mul3A_107 : i32
        %mul3A_109 = arith.constant 2 : i32
        %mul3A_110 = arith.muli %mul3A_109, %scan3A_82 : i32
        %add3A_111 = arith.addi %mul3A_108, %mul3A_110 : i32
        %get3A = arith.index_cast %add3A_111 : i32 to index
        %get3A_112 = arith.constant 0 : index
        %get3A_113 = tpu.vector_load %arg8[%get3A, %get3A_112] {strides = array<i32>} : memref<208x512xf32, #tpu.memory_space<vmem>>, vector<16xf32>,
        %get3A_114 = arith.index_cast %add3A_111 : i32 to index
        %get3A_115 = arith.constant 256 : index
        %get3A_116 = tpu.vector_load %arg8[%get3A_114, %get3A_115] {strides = array<i32>} : memref<208x512xf32, #tpu.memory_space<vmem>>, vector<16xf32>,
        %add3A_117 = arith.constant 1 : i32
        %add3A_118 = arith.addi %add3A_111, %add3A_117 : i32
        %get3A_119 = arith.index_cast %add3A_118 : i32 to index
        %get3A_120 = arith.constant 0 : index
        %get3A_121 = tpu.vector_load %arg8[%get3A_119, %get3A_120] {strides = array<i32>} : memref<208x512xf32, #tpu.memory_space<vmem>>, vector<16xf32>,
        %add3A_122 = arith.constant 1 : i32
        %add3A_123 = arith.addi %add3A_111, %add3A_122 : i32
        %get3A_124 = arith.index_cast %add3A_123 : i32 to index
        %get3A_125 = arith.constant 256 : index
        %get3A_126 = tpu.vector_load %arg8[%get3A_124, %get3A_125] {strides = array<i32>} : memref<208x512xf32, #tpu.memory_space<vmem>>, vector<16xf32>,
        %mul3A_127 = arith.mulf %get3A_113, %gather3A : vector<16xf32>
        %mul3A_128 = arith.mulf %get3A_116, %gather3A_98 : vector<16xf32>
        %add3A_129 = arith.addf %mul3A_127, %mul3A_128 : vector<16xf32>
        %mul3A_130 = arith.mulf %get3A_121, %gather3A_102 : vector<16xf32>
        %add3A_131 = arith.addf %add3A_129, %mul3A_130 : vector<16xf32>
        %mul3A_132 = arith.mulf %get3A_126, %gather3A_106 : vector<16xf32>
        %add3A_133 = arith.addf %add3A_131, %mul3A_132 : vector<16xf32>
        %add3A_134 = arith.constant 0 : i32
        %add3A_135 = vector.broadcast %add3A_134 : i32 to vector<16xi32>
        %add3A_136 = arith.addi %mul3A_5, %add3A_135 : vector<16xi32>
        %add3A_137 = vector.broadcast %scan3A_82 : i32 to vector<16xi32>
        %add3A_138 = arith.addi %add3A_136, %add3A_137 : vector<16xi32>
        tpu.vector_store_idx %arg9[%add3A_138], %add3A_133 : memref<12544xf32, #tpu.memory_space<vmem>>[vector<16xi32>], vector<16xf32>,
        %get3A_139 = arith.index_cast %add3A_111 : i32 to index
        %get3A_140 = arith.constant 16 : index
        %get3A_141 = tpu.vector_load %arg8[%get3A_139, %get3A_140] {strides = array<i32>} : memref<208x512xf32, #tpu.memory_space<vmem>>, vector<16xf32>,
        %get3A_142 = arith.index_cast %add3A_111 : i32 to index
        %get3A_143 = arith.constant 272 : index
        %get3A_144 = tpu.vector_load %arg8[%get3A_142, %get3A_143] {strides = array<i32>} : memref<208x512xf32, #tpu.memory_space<vmem>>, vector<16xf32>,
        %add3A_145 = arith.constant 1 : i32
        %add3A_146 = arith.addi %add3A_111, %add3A_145 : i32
        %get3A_147 = arith.index_cast %add3A_146 : i32 to index
        %get3A_148 = arith.constant 16 : index
        %get3A_149 = tpu.vector_load %arg8[%get3A_147, %get3A_148] {strides = array<i32>} : memref<208x512xf32, #tpu.memory_space<vmem>>, vector<16xf32>,
        %add3A_150 = arith.constant 1 : i32
        %add3A_151 = arith.addi %add3A_111, %add3A_150 : i32
        %get3A_152 = arith.index_cast %add3A_151 : i32 to index
        %get3A_153 = arith.constant 272 : index
        %get3A_154 = tpu.vector_load %arg8[%get3A_152, %get3A_153] {strides = array<i32>} : memref<208x512xf32, #tpu.memory_space<vmem>>, vector<16xf32>,
        %mul3A_155 = arith.mulf %get3A_141, %gather3A : vector<16xf32>
        %mul3A_156 = arith.mulf %get3A_144, %gather3A_98 : vector<16xf32>
        %add3A_157 = arith.addf %mul3A_155, %mul3A_156 : vector<16xf32>
        %mul3A_158 = arith.mulf %get3A_149, %gather3A_102 : vector<16xf32>
        %add3A_159 = arith.addf %add3A_157, %mul3A_158 : vector<16xf32>
        %mul3A_160 = arith.mulf %get3A_154, %gather3A_106 : vector<16xf32>
        %add3A_161 = arith.addf %add3A_159, %mul3A_160 : vector<16xf32>
        %add3A_162 = arith.constant 784 : i32
        %add3A_163 = vector.broadcast %add3A_162 : i32 to vector<16xi32>
        %add3A_164 = arith.addi %mul3A_5, %add3A_163 : vector<16xi32>
        %add3A_165 = vector.broadcast %scan3A_82 : i32 to vector<16xi32>
        %add3A_166 = arith.addi %add3A_164, %add3A_165 : vector<16xi32>
        tpu.vector_store_idx %arg9[%add3A_166], %add3A_161 : memref<12544xf32, #tpu.memory_space<vmem>>[vector<16xi32>], vector<16xf32>,
        %get3A_167 = arith.index_cast %add3A_111 : i32 to index
        %get3A_168 = arith.constant 32 : index
        %get3A_169 = tpu.vector_load %arg8[%get3A_167, %get3A_168] {strides = array<i32>} : memref<208x512xf32, #tpu.memory_space<vmem>>, vector<16xf32>,
        %get3A_170 = arith.index_cast %add3A_111 : i32 to index
        %get3A_171 = arith.constant 288 : index
        %get3A_172 = tpu.vector_load %arg8[%get3A_170, %get3A_171] {strides = array<i32>} : memref<208x512xf32, #tpu.memory_space<vmem>>, vector<16xf32>,
        %add3A_173 = arith.constant 1 : i32
        %add3A_174 = arith.addi %add3A_111, %add3A_173 : i32
        %get3A_175 = arith.index_cast %add3A_174 : i32 to index
        %get3A_176 = arith.constant 32 : index
        %get3A_177 = tpu.vector_load %arg8[%get3A_175, %get3A_176] {strides = array<i32>} : memref<208x512xf32, #tpu.memory_space<vmem>>, vector<16xf32>,
        %add3A_178 = arith.constant 1 : i32
        %add3A_179 = arith.addi %add3A_111, %add3A_178 : i32
        %get3A_180 = arith.index_cast %add3A_179 : i32 to index
        %get3A_181 = arith.constant 288 : index
        %get3A_182 = tpu.vector_load %arg8[%get3A_180, %get3A_181] {strides = array<i32>} : memref<208x512xf32, #tpu.memory_space<vmem>>, vector<16xf32>,
        %mul3A_183 = arith.mulf %get3A_169, %gather3A : vector<16xf32>
        %mul3A_184 = arith.mulf %get3A_172, %gather3A_98 : vector<16xf32>
        %add3A_185 = arith.addf %mul3A_183, %mul3A_184 : vector<16xf32>
        %mul3A_186 = arith.mulf %get3A_177, %gather3A_102 : vector<16xf32>
        %add3A_187 = arith.addf %add3A_185, %mul3A_186 : vector<16xf32>
        %mul3A_188 = arith.mulf %get3A_182, %gather3A_106 : vector<16xf32>
        %add3A_189 = arith.addf %add3A_187, %mul3A_188 : vector<16xf32>
        %add3A_190 = arith.constant 1568 : i32
        %add3A_191 = vector.broadcast %add3A_190 : i32 to vector<16xi32>
        %add3A_192 = arith.addi %mul3A_5, %add3A_191 : vector<16xi32>
        %add3A_193 = vector.broadcast %scan3A_82 : i32 to vector<16xi32>
        %add3A_194 = arith.addi %add3A_192, %add3A_193 : vector<16xi32>
        tpu.vector_store_idx %arg9[%add3A_194], %add3A_189 : memref<12544xf32, #tpu.memory_space<vmem>>[vector<16xi32>], vector<16xf32>,
        %get3A_195 = arith.index_cast %add3A_111 : i32 to index
        %get3A_196 = arith.constant 48 : index
        %get3A_197 = tpu.vector_load %arg8[%get3A_195, %get3A_196] {strides = array<i32>} : memref<208x512xf32, #tpu.memory_space<vmem>>, vector<16xf32>,
        %get3A_198 = arith.index_cast %add3A_111 : i32 to index
        %get3A_199 = arith.constant 304 : index
        %get3A_200 = tpu.vector_load %arg8[%get3A_198, %get3A_199] {strides = array<i32>} : memref<208x512xf32, #tpu.memory_space<vmem>>, vector<16xf32>,
        %add3A_201 = arith.constant 1 : i32
        %add3A_202 = arith.addi %add3A_111, %add3A_201 : i32
        %get3A_203 = arith.index_cast %add3A_202 : i32 to index
        %get3A_204 = arith.constant 48 : index
        %get3A_205 = tpu.vector_load %arg8[%get3A_203, %get3A_204] {strides = array<i32>} : memref<208x512xf32, #tpu.memory_space<vmem>>, vector<16xf32>,
        %add3A_206 = arith.constant 1 : i32
        %add3A_207 = arith.addi %add3A_111, %add3A_206 : i32
        %get3A_208 = arith.index_cast %add3A_207 : i32 to index
        %get3A_209 = arith.constant 304 : index
        %get3A_210 = tpu.vector_load %arg8[%get3A_208, %get3A_209] {strides = array<i32>} : memref<208x512xf32, #tpu.memory_space<vmem>>, vector<16xf32>,
        %mul3A_211 = arith.mulf %get3A_197, %gather3A : vector<16xf32>
        %mul3A_212 = arith.mulf %get3A_200, %gather3A_98 : vector<16xf32>
        %add3A_213 = arith.addf %mul3A_211, %mul3A_212 : vector<16xf32>
        %mul3A_214 = arith.mulf %get3A_205, %gather3A_102 : vector<16xf32>
        %add3A_215 = arith.addf %add3A_213, %mul3A_214 : vector<16xf32>
        %mul3A_216 = arith.mulf %get3A_210, %gather3A_106 : vector<16xf32>
        %add3A_217 = arith.addf %add3A_215, %mul3A_216 : vector<16xf32>
        %add3A_218 = arith.constant 2352 : i32
        %add3A_219 = vector.broadcast %add3A_218 : i32 to vector<16xi32>
        %add3A_220 = arith.addi %mul3A_5, %add3A_219 : vector<16xi32>
        %add3A_221 = vector.broadcast %scan3A_82 : i32 to vector<16xi32>
        %add3A_222 = arith.addi %add3A_220, %add3A_221 : vector<16xi32>
        tpu.vector_store_idx %arg9[%add3A_222], %add3A_217 : memref<12544xf32, #tpu.memory_space<vmem>>[vector<16xi32>], vector<16xf32>,
        %get3A_223 = arith.index_cast %add3A_111 : i32 to index
        %get3A_224 = arith.constant 64 : index
        %get3A_225 = tpu.vector_load %arg8[%get3A_223, %get3A_224] {strides = array<i32>} : memref<208x512xf32, #tpu.memory_space<vmem>>, vector<16xf32>,
        %get3A_226 = arith.index_cast %add3A_111 : i32 to index
        %get3A_227 = arith.constant 320 : index
        %get3A_228 = tpu.vector_load %arg8[%get3A_226, %get3A_227] {strides = array<i32>} : memref<208x512xf32, #tpu.memory_space<vmem>>, vector<16xf32>,
        %add3A_229 = arith.constant 1 : i32
        %add3A_230 = arith.addi %add3A_111, %add3A_229 : i32
        %get3A_231 = arith.index_cast %add3A_230 : i32 to index
        %get3A_232 = arith.constant 64 : index
        %get3A_233 = tpu.vector_load %arg8[%get3A_231, %get3A_232] {strides = array<i32>} : memref<208x512xf32, #tpu.memory_space<vmem>>, vector<16xf32>,
        %add3A_234 = arith.constant 1 : i32
        %add3A_235 = arith.addi %add3A_111, %add3A_234 : i32
        %get3A_236 = arith.index_cast %add3A_235 : i32 to index
        %get3A_237 = arith.constant 320 : index
        %get3A_238 = tpu.vector_load %arg8[%get3A_236, %get3A_237] {strides = array<i32>} : memref<208x512xf32, #tpu.memory_space<vmem>>, vector<16xf32>,
        %mul3A_239 = arith.mulf %get3A_225, %gather3A : vector<16xf32>
        %mul3A_240 = arith.mulf %get3A_228, %gather3A_98 : vector<16xf32>
        %add3A_241 = arith.addf %mul3A_239, %mul3A_240 : vector<16xf32>
        %mul3A_242 = arith.mulf %get3A_233, %gather3A_102 : vector<16xf32>
        %add3A_243 = arith.addf %add3A_241, %mul3A_242 : vector<16xf32>
        %mul3A_244 = arith.mulf %get3A_238, %gather3A_106 : vector<16xf32>
        %add3A_245 = arith.addf %add3A_243, %mul3A_244 : vector<16xf32>
        %add3A_246 = arith.constant 3136 : i32
        %add3A_247 = vector.broadcast %add3A_246 : i32 to vector<16xi32>
        %add3A_248 = arith.addi %mul3A_5, %add3A_247 : vector<16xi32>
        %add3A_249 = vector.broadcast %scan3A_82 : i32 to vector<16xi32>
        %add3A_250 = arith.addi %add3A_248, %add3A_249 : vector<16xi32>
        tpu.vector_store_idx %arg9[%add3A_250], %add3A_245 : memref<12544xf32, #tpu.memory_space<vmem>>[vector<16xi32>], vector<16xf32>,
        %get3A_251 = arith.index_cast %add3A_111 : i32 to index
        %get3A_252 = arith.constant 80 : index
        %get3A_253 = tpu.vector_load %arg8[%get3A_251, %get3A_252] {strides = array<i32>} : memref<208x512xf32, #tpu.memory_space<vmem>>, vector<16xf32>,
        %get3A_254 = arith.index_cast %add3A_111 : i32 to index
        %get3A_255 = arith.constant 336 : index
        %get3A_256 = tpu.vector_load %arg8[%get3A_254, %get3A_255] {strides = array<i32>} : memref<208x512xf32, #tpu.memory_space<vmem>>, vector<16xf32>,
        %add3A_257 = arith.constant 1 : i32
        %add3A_258 = arith.addi %add3A_111, %add3A_257 : i32
        %get3A_259 = arith.index_cast %add3A_258 : i32 to index
        %get3A_260 = arith.constant 80 : index
        %get3A_261 = tpu.vector_load %arg8[%get3A_259, %get3A_260] {strides = array<i32>} : memref<208x512xf32, #tpu.memory_space<vmem>>, vector<16xf32>,
        %add3A_262 = arith.constant 1 : i32
        %add3A_263 = arith.addi %add3A_111, %add3A_262 : i32
        %get3A_264 = arith.index_cast %add3A_263 : i32 to index
        %get3A_265 = arith.constant 336 : index
        %get3A_266 = tpu.vector_load %arg8[%get3A_264, %get3A_265] {strides = array<i32>} : memref<208x512xf32, #tpu.memory_space<vmem>>, vector<16xf32>,
        %mul3A_267 = arith.mulf %get3A_253, %gather3A : vector<16xf32>
        %mul3A_268 = arith.mulf %get3A_256, %gather3A_98 : vector<16xf32>
        %add3A_269 = arith.addf %mul3A_267, %mul3A_268 : vector<16xf32>
        %mul3A_270 = arith.mulf %get3A_261, %gather3A_102 : vector<16xf32>
        %add3A_271 = arith.addf %add3A_269, %mul3A_270 : vector<16xf32>
        %mul3A_272 = arith.mulf %get3A_266, %gather3A_106 : vector<16xf32>
        %add3A_273 = arith.addf %add3A_271, %mul3A_272 : vector<16xf32>
        %add3A_274 = arith.constant 3920 : i32
        %add3A_275 = vector.broadcast %add3A_274 : i32 to vector<16xi32>
        %add3A_276 = arith.addi %mul3A_5, %add3A_275 : vector<16xi32>
        %add3A_277 = vector.broadcast %scan3A_82 : i32 to vector<16xi32>
        %add3A_278 = arith.addi %add3A_276, %add3A_277 : vector<16xi32>
        tpu.vector_store_idx %arg9[%add3A_278], %add3A_273 : memref<12544xf32, #tpu.memory_space<vmem>>[vector<16xi32>], vector<16xf32>,
        %get3A_279 = arith.index_cast %add3A_111 : i32 to index
        %get3A_280 = arith.constant 96 : index
        %get3A_281 = tpu.vector_load %arg8[%get3A_279, %get3A_280] {strides = array<i32>} : memref<208x512xf32, #tpu.memory_space<vmem>>, vector<16xf32>,
        %get3A_282 = arith.index_cast %add3A_111 : i32 to index
        %get3A_283 = arith.constant 352 : index
        %get3A_284 = tpu.vector_load %arg8[%get3A_282, %get3A_283] {strides = array<i32>} : memref<208x512xf32, #tpu.memory_space<vmem>>, vector<16xf32>,
        %add3A_285 = arith.constant 1 : i32
        %add3A_286 = arith.addi %add3A_111, %add3A_285 : i32
        %get3A_287 = arith.index_cast %add3A_286 : i32 to index
        %get3A_288 = arith.constant 96 : index
        %get3A_289 = tpu.vector_load %arg8[%get3A_287, %get3A_288] {strides = array<i32>} : memref<208x512xf32, #tpu.memory_space<vmem>>, vector<16xf32>,
        %add3A_290 = arith.constant 1 : i32
        %add3A_291 = arith.addi %add3A_111, %add3A_290 : i32
        %get3A_292 = arith.index_cast %add3A_291 : i32 to index
        %get3A_293 = arith.constant 352 : index
        %get3A_294 = tpu.vector_load %arg8[%get3A_292, %get3A_293] {strides = array<i32>} : memref<208x512xf32, #tpu.memory_space<vmem>>, vector<16xf32>,
        %mul3A_295 = arith.mulf %get3A_281, %gather3A : vector<16xf32>
        %mul3A_296 = arith.mulf %get3A_284, %gather3A_98 : vector<16xf32>
        %add3A_297 = arith.addf %mul3A_295, %mul3A_296 : vector<16xf32>
        %mul3A_298 = arith.mulf %get3A_289, %gather3A_102 : vector<16xf32>
        %add3A_299 = arith.addf %add3A_297, %mul3A_298 : vector<16xf32>
        %mul3A_300 = arith.mulf %get3A_294, %gather3A_106 : vector<16xf32>
        %add3A_301 = arith.addf %add3A_299, %mul3A_300 : vector<16xf32>
        %add3A_302 = arith.constant 4704 : i32
        %add3A_303 = vector.broadcast %add3A_302 : i32 to vector<16xi32>
        %add3A_304 = arith.addi %mul3A_5, %add3A_303 : vector<16xi32>
        %add3A_305 = vector.broadcast %scan3A_82 : i32 to vector<16xi32>
        %add3A_306 = arith.addi %add3A_304, %add3A_305 : vector<16xi32>
        tpu.vector_store_idx %arg9[%add3A_306], %add3A_301 : memref<12544xf32, #tpu.memory_space<vmem>>[vector<16xi32>], vector<16xf32>,
        %get3A_307 = arith.index_cast %add3A_111 : i32 to index
        %get3A_308 = arith.constant 112 : index
        %get3A_309 = tpu.vector_load %arg8[%get3A_307, %get3A_308] {strides = array<i32>} : memref<208x512xf32, #tpu.memory_space<vmem>>, vector<16xf32>,
        %get3A_310 = arith.index_cast %add3A_111 : i32 to index
        %get3A_311 = arith.constant 368 : index
        %get3A_312 = tpu.vector_load %arg8[%get3A_310, %get3A_311] {strides = array<i32>} : memref<208x512xf32, #tpu.memory_space<vmem>>, vector<16xf32>,
        %add3A_313 = arith.constant 1 : i32
        %add3A_314 = arith.addi %add3A_111, %add3A_313 : i32
        %get3A_315 = arith.index_cast %add3A_314 : i32 to index
        %get3A_316 = arith.constant 112 : index
        %get3A_317 = tpu.vector_load %arg8[%get3A_315, %get3A_316] {strides = array<i32>} : memref<208x512xf32, #tpu.memory_space<vmem>>, vector<16xf32>,
        %add3A_318 = arith.constant 1 : i32
        %add3A_319 = arith.addi %add3A_111, %add3A_318 : i32
        %get3A_320 = arith.index_cast %add3A_319 : i32 to index
        %get3A_321 = arith.constant 368 : index
        %get3A_322 = tpu.vector_load %arg8[%get3A_320, %get3A_321] {strides = array<i32>} : memref<208x512xf32, #tpu.memory_space<vmem>>, vector<16xf32>,
        %mul3A_323 = arith.mulf %get3A_309, %gather3A : vector<16xf32>
        %mul3A_324 = arith.mulf %get3A_312, %gather3A_98 : vector<16xf32>
        %add3A_325 = arith.addf %mul3A_323, %mul3A_324 : vector<16xf32>
        %mul3A_326 = arith.mulf %get3A_317, %gather3A_102 : vector<16xf32>
        %add3A_327 = arith.addf %add3A_325, %mul3A_326 : vector<16xf32>
        %mul3A_328 = arith.mulf %get3A_322, %gather3A_106 : vector<16xf32>
        %add3A_329 = arith.addf %add3A_327, %mul3A_328 : vector<16xf32>
        %add3A_330 = arith.constant 5488 : i32
        %add3A_331 = vector.broadcast %add3A_330 : i32 to vector<16xi32>
        %add3A_332 = arith.addi %mul3A_5, %add3A_331 : vector<16xi32>
        %add3A_333 = vector.broadcast %scan3A_82 : i32 to vector<16xi32>
        %add3A_334 = arith.addi %add3A_332, %add3A_333 : vector<16xi32>
        tpu.vector_store_idx %arg9[%add3A_334], %add3A_329 : memref<12544xf32, #tpu.memory_space<vmem>>[vector<16xi32>], vector<16xf32>,
        %get3A_335 = arith.index_cast %add3A_111 : i32 to index
        %get3A_336 = arith.constant 128 : index
        %get3A_337 = tpu.vector_load %arg8[%get3A_335, %get3A_336] {strides = array<i32>} : memref<208x512xf32, #tpu.memory_space<vmem>>, vector<16xf32>,
        %get3A_338 = arith.index_cast %add3A_111 : i32 to index
        %get3A_339 = arith.constant 384 : index
        %get3A_340 = tpu.vector_load %arg8[%get3A_338, %get3A_339] {strides = array<i32>} : memref<208x512xf32, #tpu.memory_space<vmem>>, vector<16xf32>,
        %add3A_341 = arith.constant 1 : i32
        %add3A_342 = arith.addi %add3A_111, %add3A_341 : i32
        %get3A_343 = arith.index_cast %add3A_342 : i32 to index
        %get3A_344 = arith.constant 128 : index
        %get3A_345 = tpu.vector_load %arg8[%get3A_343, %get3A_344] {strides = array<i32>} : memref<208x512xf32, #tpu.memory_space<vmem>>, vector<16xf32>,
        %add3A_346 = arith.constant 1 : i32
        %add3A_347 = arith.addi %add3A_111, %add3A_346 : i32
        %get3A_348 = arith.index_cast %add3A_347 : i32 to index
        %get3A_349 = arith.constant 384 : index
        %get3A_350 = tpu.vector_load %arg8[%get3A_348, %get3A_349] {strides = array<i32>} : memref<208x512xf32, #tpu.memory_space<vmem>>, vector<16xf32>,
        %mul3A_351 = arith.mulf %get3A_337, %gather3A : vector<16xf32>
        %mul3A_352 = arith.mulf %get3A_340, %gather3A_98 : vector<16xf32>
        %add3A_353 = arith.addf %mul3A_351, %mul3A_352 : vector<16xf32>
        %mul3A_354 = arith.mulf %get3A_345, %gather3A_102 : vector<16xf32>
        %add3A_355 = arith.addf %add3A_353, %mul3A_354 : vector<16xf32>
        %mul3A_356 = arith.mulf %get3A_350, %gather3A_106 : vector<16xf32>
        %add3A_357 = arith.addf %add3A_355, %mul3A_356 : vector<16xf32>
        %add3A_358 = arith.constant 6272 : i32
        %add3A_359 = vector.broadcast %add3A_358 : i32 to vector<16xi32>
        %add3A_360 = arith.addi %mul3A_5, %add3A_359 : vector<16xi32>
        %add3A_361 = vector.broadcast %scan3A_82 : i32 to vector<16xi32>
        %add3A_362 = arith.addi %add3A_360, %add3A_361 : vector<16xi32>
        tpu.vector_store_idx %arg9[%add3A_362], %add3A_357 : memref<12544xf32, #tpu.memory_space<vmem>>[vector<16xi32>], vector<16xf32>,
        %get3A_363 = arith.index_cast %add3A_111 : i32 to index
        %get3A_364 = arith.constant 144 : index
        %get3A_365 = tpu.vector_load %arg8[%get3A_363, %get3A_364] {strides = array<i32>} : memref<208x512xf32, #tpu.memory_space<vmem>>, vector<16xf32>,
        %get3A_366 = arith.index_cast %add3A_111 : i32 to index
        %get3A_367 = arith.constant 400 : index
        %get3A_368 = tpu.vector_load %arg8[%get3A_366, %get3A_367] {strides = array<i32>} : memref<208x512xf32, #tpu.memory_space<vmem>>, vector<16xf32>,
        %add3A_369 = arith.constant 1 : i32
        %add3A_370 = arith.addi %add3A_111, %add3A_369 : i32
        %get3A_371 = arith.index_cast %add3A_370 : i32 to index
        %get3A_372 = arith.constant 144 : index
        %get3A_373 = tpu.vector_load %arg8[%get3A_371, %get3A_372] {strides = array<i32>} : memref<208x512xf32, #tpu.memory_space<vmem>>, vector<16xf32>,
        %add3A_374 = arith.constant 1 : i32
        %add3A_375 = arith.addi %add3A_111, %add3A_374 : i32
        %get3A_376 = arith.index_cast %add3A_375 : i32 to index
        %get3A_377 = arith.constant 400 : index
        %get3A_378 = tpu.vector_load %arg8[%get3A_376, %get3A_377] {strides = array<i32>} : memref<208x512xf32, #tpu.memory_space<vmem>>, vector<16xf32>,
        %mul3A_379 = arith.mulf %get3A_365, %gather3A : vector<16xf32>
        %mul3A_380 = arith.mulf %get3A_368, %gather3A_98 : vector<16xf32>
        %add3A_381 = arith.addf %mul3A_379, %mul3A_380 : vector<16xf32>
        %mul3A_382 = arith.mulf %get3A_373, %gather3A_102 : vector<16xf32>
        %add3A_383 = arith.addf %add3A_381, %mul3A_382 : vector<16xf32>
        %mul3A_384 = arith.mulf %get3A_378, %gather3A_106 : vector<16xf32>
        %add3A_385 = arith.addf %add3A_383, %mul3A_384 : vector<16xf32>
        %add3A_386 = arith.constant 7056 : i32
        %add3A_387 = vector.broadcast %add3A_386 : i32 to vector<16xi32>
        %add3A_388 = arith.addi %mul3A_5, %add3A_387 : vector<16xi32>
        %add3A_389 = vector.broadcast %scan3A_82 : i32 to vector<16xi32>
        %add3A_390 = arith.addi %add3A_388, %add3A_389 : vector<16xi32>
        tpu.vector_store_idx %arg9[%add3A_390], %add3A_385 : memref<12544xf32, #tpu.memory_space<vmem>>[vector<16xi32>], vector<16xf32>,
        %get3A_391 = arith.index_cast %add3A_111 : i32 to index
        %get3A_392 = arith.constant 160 : index
        %get3A_393 = tpu.vector_load %arg8[%get3A_391, %get3A_392] {strides = array<i32>} : memref<208x512xf32, #tpu.memory_space<vmem>>, vector<16xf32>,
        %get3A_394 = arith.index_cast %add3A_111 : i32 to index
        %get3A_395 = arith.constant 416 : index
        %get3A_396 = tpu.vector_load %arg8[%get3A_394, %get3A_395] {strides = array<i32>} : memref<208x512xf32, #tpu.memory_space<vmem>>, vector<16xf32>,
        %add3A_397 = arith.constant 1 : i32
        %add3A_398 = arith.addi %add3A_111, %add3A_397 : i32
        %get3A_399 = arith.index_cast %add3A_398 : i32 to index
        %get3A_400 = arith.constant 160 : index
        %get3A_401 = tpu.vector_load %arg8[%get3A_399, %get3A_400] {strides = array<i32>} : memref<208x512xf32, #tpu.memory_space<vmem>>, vector<16xf32>,
        %add3A_402 = arith.constant 1 : i32
        %add3A_403 = arith.addi %add3A_111, %add3A_402 : i32
        %get3A_404 = arith.index_cast %add3A_403 : i32 to index
        %get3A_405 = arith.constant 416 : index
        %get3A_406 = tpu.vector_load %arg8[%get3A_404, %get3A_405] {strides = array<i32>} : memref<208x512xf32, #tpu.memory_space<vmem>>, vector<16xf32>,
        %mul3A_407 = arith.mulf %get3A_393, %gather3A : vector<16xf32>
        %mul3A_408 = arith.mulf %get3A_396, %gather3A_98 : vector<16xf32>
        %add3A_409 = arith.addf %mul3A_407, %mul3A_408 : vector<16xf32>
        %mul3A_410 = arith.mulf %get3A_401, %gather3A_102 : vector<16xf32>
        %add3A_411 = arith.addf %add3A_409, %mul3A_410 : vector<16xf32>
        %mul3A_412 = arith.mulf %get3A_406, %gather3A_106 : vector<16xf32>
        %add3A_413 = arith.addf %add3A_411, %mul3A_412 : vector<16xf32>
        %add3A_414 = arith.constant 7840 : i32
        %add3A_415 = vector.broadcast %add3A_414 : i32 to vector<16xi32>
        %add3A_416 = arith.addi %mul3A_5, %add3A_415 : vector<16xi32>
        %add3A_417 = vector.broadcast %scan3A_82 : i32 to vector<16xi32>
        %add3A_418 = arith.addi %add3A_416, %add3A_417 : vector<16xi32>
        tpu.vector_store_idx %arg9[%add3A_418], %add3A_413 : memref<12544xf32, #tpu.memory_space<vmem>>[vector<16xi32>], vector<16xf32>,
        %get3A_419 = arith.index_cast %add3A_111 : i32 to index
        %get3A_420 = arith.constant 176 : index
        %get3A_421 = tpu.vector_load %arg8[%get3A_419, %get3A_420] {strides = array<i32>} : memref<208x512xf32, #tpu.memory_space<vmem>>, vector<16xf32>,
        %get3A_422 = arith.index_cast %add3A_111 : i32 to index
        %get3A_423 = arith.constant 432 : index
        %get3A_424 = tpu.vector_load %arg8[%get3A_422, %get3A_423] {strides = array<i32>} : memref<208x512xf32, #tpu.memory_space<vmem>>, vector<16xf32>,
        %add3A_425 = arith.constant 1 : i32
        %add3A_426 = arith.addi %add3A_111, %add3A_425 : i32
        %get3A_427 = arith.index_cast %add3A_426 : i32 to index
        %get3A_428 = arith.constant 176 : index
        %get3A_429 = tpu.vector_load %arg8[%get3A_427, %get3A_428] {strides = array<i32>} : memref<208x512xf32, #tpu.memory_space<vmem>>, vector<16xf32>,
        %add3A_430 = arith.constant 1 : i32
        %add3A_431 = arith.addi %add3A_111, %add3A_430 : i32
        %get3A_432 = arith.index_cast %add3A_431 : i32 to index
        %get3A_433 = arith.constant 432 : index
        %get3A_434 = tpu.vector_load %arg8[%get3A_432, %get3A_433] {strides = array<i32>} : memref<208x512xf32, #tpu.memory_space<vmem>>, vector<16xf32>,
        %mul3A_435 = arith.mulf %get3A_421, %gather3A : vector<16xf32>
        %mul3A_436 = arith.mulf %get3A_424, %gather3A_98 : vector<16xf32>
        %add3A_437 = arith.addf %mul3A_435, %mul3A_436 : vector<16xf32>
        %mul3A_438 = arith.mulf %get3A_429, %gather3A_102 : vector<16xf32>
        %add3A_439 = arith.addf %add3A_437, %mul3A_438 : vector<16xf32>
        %mul3A_440 = arith.mulf %get3A_434, %gather3A_106 : vector<16xf32>
        %add3A_441 = arith.addf %add3A_439, %mul3A_440 : vector<16xf32>
        %add3A_442 = arith.constant 8624 : i32
        %add3A_443 = vector.broadcast %add3A_442 : i32 to vector<16xi32>
        %add3A_444 = arith.addi %mul3A_5, %add3A_443 : vector<16xi32>
        %add3A_445 = vector.broadcast %scan3A_82 : i32 to vector<16xi32>
        %add3A_446 = arith.addi %add3A_444, %add3A_445 : vector<16xi32>
        tpu.vector_store_idx %arg9[%add3A_446], %add3A_441 : memref<12544xf32, #tpu.memory_space<vmem>>[vector<16xi32>], vector<16xf32>,
        %get3A_447 = arith.index_cast %add3A_111 : i32 to index
        %get3A_448 = arith.constant 192 : index
        %get3A_449 = tpu.vector_load %arg8[%get3A_447, %get3A_448] {strides = array<i32>} : memref<208x512xf32, #tpu.memory_space<vmem>>, vector<16xf32>,
        %get3A_450 = arith.index_cast %add3A_111 : i32 to index
        %get3A_451 = arith.constant 448 : index
        %get3A_452 = tpu.vector_load %arg8[%get3A_450, %get3A_451] {strides = array<i32>} : memref<208x512xf32, #tpu.memory_space<vmem>>, vector<16xf32>,
        %add3A_453 = arith.constant 1 : i32
        %add3A_454 = arith.addi %add3A_111, %add3A_453 : i32
        %get3A_455 = arith.index_cast %add3A_454 : i32 to index
        %get3A_456 = arith.constant 192 : index
        %get3A_457 = tpu.vector_load %arg8[%get3A_455, %get3A_456] {strides = array<i32>} : memref<208x512xf32, #tpu.memory_space<vmem>>, vector<16xf32>,
        %add3A_458 = arith.constant 1 : i32
        %add3A_459 = arith.addi %add3A_111, %add3A_458 : i32
        %get3A_460 = arith.index_cast %add3A_459 : i32 to index
        %get3A_461 = arith.constant 448 : index
        %get3A_462 = tpu.vector_load %arg8[%get3A_460, %get3A_461] {strides = array<i32>} : memref<208x512xf32, #tpu.memory_space<vmem>>, vector<16xf32>,
        %mul3A_463 = arith.mulf %get3A_449, %gather3A : vector<16xf32>
        %mul3A_464 = arith.mulf %get3A_452, %gather3A_98 : vector<16xf32>
        %add3A_465 = arith.addf %mul3A_463, %mul3A_464 : vector<16xf32>
        %mul3A_466 = arith.mulf %get3A_457, %gather3A_102 : vector<16xf32>
        %add3A_467 = arith.addf %add3A_465, %mul3A_466 : vector<16xf32>
        %mul3A_468 = arith.mulf %get3A_462, %gather3A_106 : vector<16xf32>
        %add3A_469 = arith.addf %add3A_467, %mul3A_468 : vector<16xf32>
        %add3A_470 = arith.constant 9408 : i32
        %add3A_471 = vector.broadcast %add3A_470 : i32 to vector<16xi32>
        %add3A_472 = arith.addi %mul3A_5, %add3A_471 : vector<16xi32>
        %add3A_473 = vector.broadcast %scan3A_82 : i32 to vector<16xi32>
        %add3A_474 = arith.addi %add3A_472, %add3A_473 : vector<16xi32>
        tpu.vector_store_idx %arg9[%add3A_474], %add3A_469 : memref<12544xf32, #tpu.memory_space<vmem>>[vector<16xi32>], vector<16xf32>,
        %get3A_475 = arith.index_cast %add3A_111 : i32 to index
        %get3A_476 = arith.constant 208 : index
        %get3A_477 = tpu.vector_load %arg8[%get3A_475, %get3A_476] {strides = array<i32>} : memref<208x512xf32, #tpu.memory_space<vmem>>, vector<16xf32>,
        %get3A_478 = arith.index_cast %add3A_111 : i32 to index
        %get3A_479 = arith.constant 464 : index
        %get3A_480 = tpu.vector_load %arg8[%get3A_478, %get3A_479] {strides = array<i32>} : memref<208x512xf32, #tpu.memory_space<vmem>>, vector<16xf32>,
        %add3A_481 = arith.constant 1 : i32
        %add3A_482 = arith.addi %add3A_111, %add3A_481 : i32
        %get3A_483 = arith.index_cast %add3A_482 : i32 to index
        %get3A_484 = arith.constant 208 : index
        %get3A_485 = tpu.vector_load %arg8[%get3A_483, %get3A_484] {strides = array<i32>} : memref<208x512xf32, #tpu.memory_space<vmem>>, vector<16xf32>,
        %add3A_486 = arith.constant 1 : i32
        %add3A_487 = arith.addi %add3A_111, %add3A_486 : i32
        %get3A_488 = arith.index_cast %add3A_487 : i32 to index
        %get3A_489 = arith.constant 464 : index
        %get3A_490 = tpu.vector_load %arg8[%get3A_488, %get3A_489] {strides = array<i32>} : memref<208x512xf32, #tpu.memory_space<vmem>>, vector<16xf32>,
        %mul3A_491 = arith.mulf %get3A_477, %gather3A : vector<16xf32>
        %mul3A_492 = arith.mulf %get3A_480, %gather3A_98 : vector<16xf32>
        %add3A_493 = arith.addf %mul3A_491, %mul3A_492 : vector<16xf32>
        %mul3A_494 = arith.mulf %get3A_485, %gather3A_102 : vector<16xf32>
        %add3A_495 = arith.addf %add3A_493, %mul3A_494 : vector<16xf32>
        %mul3A_496 = arith.mulf %get3A_490, %gather3A_106 : vector<16xf32>
        %add3A_497 = arith.addf %add3A_495, %mul3A_496 : vector<16xf32>
        %add3A_498 = arith.constant 10192 : i32
        %add3A_499 = vector.broadcast %add3A_498 : i32 to vector<16xi32>
        %add3A_500 = arith.addi %mul3A_5, %add3A_499 : vector<16xi32>
        %add3A_501 = vector.broadcast %scan3A_82 : i32 to vector<16xi32>
        %add3A_502 = arith.addi %add3A_500, %add3A_501 : vector<16xi32>
        tpu.vector_store_idx %arg9[%add3A_502], %add3A_497 : memref<12544xf32, #tpu.memory_space<vmem>>[vector<16xi32>], vector<16xf32>,
        %get3A_503 = arith.index_cast %add3A_111 : i32 to index
        %get3A_504 = arith.constant 224 : index
        %get3A_505 = tpu.vector_load %arg8[%get3A_503, %get3A_504] {strides = array<i32>} : memref<208x512xf32, #tpu.memory_space<vmem>>, vector<16xf32>,
        %get3A_506 = arith.index_cast %add3A_111 : i32 to index
        %get3A_507 = arith.constant 480 : index
        %get3A_508 = tpu.vector_load %arg8[%get3A_506, %get3A_507] {strides = array<i32>} : memref<208x512xf32, #tpu.memory_space<vmem>>, vector<16xf32>,
        %add3A_509 = arith.constant 1 : i32
        %add3A_510 = arith.addi %add3A_111, %add3A_509 : i32
        %get3A_511 = arith.index_cast %add3A_510 : i32 to index
        %get3A_512 = arith.constant 224 : index
        %get3A_513 = tpu.vector_load %arg8[%get3A_511, %get3A_512] {strides = array<i32>} : memref<208x512xf32, #tpu.memory_space<vmem>>, vector<16xf32>,
        %add3A_514 = arith.constant 1 : i32
        %add3A_515 = arith.addi %add3A_111, %add3A_514 : i32
        %get3A_516 = arith.index_cast %add3A_515 : i32 to index
        %get3A_517 = arith.constant 480 : index
        %get3A_518 = tpu.vector_load %arg8[%get3A_516, %get3A_517] {strides = array<i32>} : memref<208x512xf32, #tpu.memory_space<vmem>>, vector<16xf32>,
        %mul3A_519 = arith.mulf %get3A_505, %gather3A : vector<16xf32>
        %mul3A_520 = arith.mulf %get3A_508, %gather3A_98 : vector<16xf32>
        %add3A_521 = arith.addf %mul3A_519, %mul3A_520 : vector<16xf32>
        %mul3A_522 = arith.mulf %get3A_513, %gather3A_102 : vector<16xf32>
        %add3A_523 = arith.addf %add3A_521, %mul3A_522 : vector<16xf32>
        %mul3A_524 = arith.mulf %get3A_518, %gather3A_106 : vector<16xf32>
        %add3A_525 = arith.addf %add3A_523, %mul3A_524 : vector<16xf32>
        %add3A_526 = arith.constant 10976 : i32
        %add3A_527 = vector.broadcast %add3A_526 : i32 to vector<16xi32>
        %add3A_528 = arith.addi %mul3A_5, %add3A_527 : vector<16xi32>
        %add3A_529 = vector.broadcast %scan3A_82 : i32 to vector<16xi32>
        %add3A_530 = arith.addi %add3A_528, %add3A_529 : vector<16xi32>
        tpu.vector_store_idx %arg9[%add3A_530], %add3A_525 : memref<12544xf32, #tpu.memory_space<vmem>>[vector<16xi32>], vector<16xf32>,
        %get3A_531 = arith.index_cast %add3A_111 : i32 to index
        %get3A_532 = arith.constant 240 : index
        %get3A_533 = tpu.vector_load %arg8[%get3A_531, %get3A_532] {strides = array<i32>} : memref<208x512xf32, #tpu.memory_space<vmem>>, vector<16xf32>,
        %get3A_534 = arith.index_cast %add3A_111 : i32 to index
        %get3A_535 = arith.constant 496 : index
        %get3A_536 = tpu.vector_load %arg8[%get3A_534, %get3A_535] {strides = array<i32>} : memref<208x512xf32, #tpu.memory_space<vmem>>, vector<16xf32>,
        %add3A_537 = arith.constant 1 : i32
        %add3A_538 = arith.addi %add3A_111, %add3A_537 : i32
        %get3A_539 = arith.index_cast %add3A_538 : i32 to index
        %get3A_540 = arith.constant 240 : index
        %get3A_541 = tpu.vector_load %arg8[%get3A_539, %get3A_540] {strides = array<i32>} : memref<208x512xf32, #tpu.memory_space<vmem>>, vector<16xf32>,
        %add3A_542 = arith.constant 1 : i32
        %add3A_543 = arith.addi %add3A_111, %add3A_542 : i32
        %get3A_544 = arith.index_cast %add3A_543 : i32 to index
        %get3A_545 = arith.constant 496 : index
        %get3A_546 = tpu.vector_load %arg8[%get3A_544, %get3A_545] {strides = array<i32>} : memref<208x512xf32, #tpu.memory_space<vmem>>, vector<16xf32>,
        %mul3A_547 = arith.mulf %get3A_533, %gather3A : vector<16xf32>
        %mul3A_548 = arith.mulf %get3A_536, %gather3A_98 : vector<16xf32>
        %add3A_549 = arith.addf %mul3A_547, %mul3A_548 : vector<16xf32>
        %mul3A_550 = arith.mulf %get3A_541, %gather3A_102 : vector<16xf32>
        %add3A_551 = arith.addf %add3A_549, %mul3A_550 : vector<16xf32>
        %mul3A_552 = arith.mulf %get3A_546, %gather3A_106 : vector<16xf32>
        %add3A_553 = arith.addf %add3A_551, %mul3A_552 : vector<16xf32>
        %add3A_554 = arith.constant 11760 : i32
        %add3A_555 = vector.broadcast %add3A_554 : i32 to vector<16xi32>
        %add3A_556 = arith.addi %mul3A_5, %add3A_555 : vector<16xi32>
        %add3A_557 = vector.broadcast %scan3A_82 : i32 to vector<16xi32>
        %add3A_558 = arith.addi %add3A_556, %add3A_557 : vector<16xi32>
        tpu.vector_store_idx %arg9[%add3A_558], %add3A_553 : memref<12544xf32, #tpu.memory_space<vmem>>[vector<16xi32>], vector<16xf32>,
      }
      %scan3A_74 = arith.constant 49 : i32
      %add3A_75 = arith.addi %mul3A_2, %scan3A_30 : i32
      %dma_start3A_76 = arith.constant 0 : i32
      %dma_start3A_77 = tpu.memref_slice %arg5[%add3A_75, %dma_start3A_76] : memref<1024x12544xf32, #tpu.memory_space<hbm>> -> memref<1x12544xf32, #tpu.memory_space<hbm>>
      %dma_start3A_78 = tpu.memref_squeeze %dma_start3A_77 : memref<1x12544xf32, #tpu.memory_space<hbm>> -> memref<12544xf32, #tpu.memory_space<hbm>>
      %dma_start3A_79 = arith.constant 0 : i32
      %dma_start3A_80 = tpu.memref_slice %arg5[%add3A_75, %dma_start3A_79] : memref<1024x12544xf32, #tpu.memory_space<hbm>> -> memref<1x12544xf32, #tpu.memory_space<hbm>>
      %dma_start3A_81 = tpu.memref_squeeze %dma_start3A_80 : memref<1x12544xf32, #tpu.memory_space<hbm>> -> memref<12544xf32, #tpu.memory_space<hbm>>
      tpu.enqueue_dma source(%arg9 : memref<12544xf32, #tpu.memory_space<vmem>>) target(%dma_start3A_81 : memref<12544xf32, #tpu.memory_space<hbm>>) target_semaphore(%arg11 : memref<!tpu.dma_semaphore, #tpu.memory_space<semaphore_mem>>)
    }
    %scan3A_24 = arith.constant 32 : i32
    %dma_wait3A = arith.constant 0 : i32
    %dma_wait3A_25 = tpu.memref_slice %arg5[%mul3A_2, %dma_wait3A] : memref<1024x12544xf32, #tpu.memory_space<hbm>> -> memref<1x12544xf32, #tpu.memory_space<hbm>>
    %dma_wait3A_26 = tpu.memref_squeeze %dma_wait3A_25 : memref<1x12544xf32, #tpu.memory_space<hbm>> -> memref<12544xf32, #tpu.memory_space<hbm>>
    %dma_wait3A_27 = arith.constant 0 : i32
    %dma_wait3A_28 = tpu.memref_slice %arg5[%mul3A_2, %dma_wait3A_27] : memref<1024x12544xf32, #tpu.memory_space<hbm>> -> memref<1x12544xf32, #tpu.memory_space<hbm>>
    %dma_wait3A_29 = tpu.memref_squeeze %dma_wait3A_28 : memref<1x12544xf32, #tpu.memory_space<hbm>> -> memref<12544xf32, #tpu.memory_space<hbm>>
    tpu.wait_dma2 semaphore(%arg11 : memref<!tpu.dma_semaphore, #tpu.memory_space<semaphore_mem>>) src(%arg9 : memref<12544xf32, #tpu.memory_space<vmem>>) dst(%dma_wait3A_29 : memref<12544xf32, #tpu.memory_space<hbm>>)
    return
  }
}

module attributes {stable_mosaic.version = 14 : i64} {
  func.func @body(%arg0: i32, %arg1: i32, %arg2: memref<1x256x8x256xf32, #tpu.memory_space<vmem>>, %arg3: memref<174088x512xf32, #tpu.memory_space<hbm>>, %arg4: memref<2048x256xf32, #tpu.memory_space<vmem>>, %arg5: memref<2048x256xf32, #tpu.memory_space<vmem>>, %arg6: memref<2048x256xf32, #tpu.memory_space<vmem>>, %arg7: memref<2048x256xf32, #tpu.memory_space<vmem>>, %arg8: memref<1x256xf32, #tpu.memory_space<vmem>>, %arg9: memref<!tpu.dma_semaphore, #tpu.memory_space<semaphore_mem>>, %arg10: memref<!tpu.dma_semaphore, #tpu.memory_space<semaphore_mem>>) attributes {dimension_semantics = [#tpu.dimension_semantics<arbitrary>, #tpu.dimension_semantics<arbitrary>], iteration_bounds = array<i64: 2, 32>, scalar_prefetch = 0 : i64, scratch_operands = 7 : i64, tpu.core_type = #tpu.core_type<tc>, window_params = [{transform_indices = @transform_0, window_bounds = array<i64: 1, 256, 8, 256>}, {}]} {
    %sub3A = arith.constant 31 : i32
    %sub3A_0 = arith.subi %sub3A, %arg1 : i32
    %mul3A = arith.constant 32 : i32
    %mul3A_1 = arith.muli %arg0, %mul3A : i32
    %add3A = arith.addi %mul3A_1, %arg1 : i32
    %rem3A = arith.constant 2 : i32
    %rem3A_2 = arith.remsi %add3A, %rem3A : i32
    %mul3A_3 = arith.constant 65536 : i32
    %mul3A_4 = arith.muli %arg0, %mul3A_3 : i32
    %add3A_5 = arith.constant 8 : i32
    %add3A_6 = arith.addi %add3A_5, %mul3A_4 : i32
    %mul3A_7 = arith.constant 2048 : i32
    %mul3A_8 = arith.muli %sub3A_0, %mul3A_7 : i32
    %add3A_9 = arith.addi %add3A_6, %mul3A_8 : i32
    %eq3A = arith.constant 0 : i32
    %eq3A_10 = arith.cmpi eq, %rem3A_2, %eq3A : i32
    %convert_element_type3A = arith.extui %eq3A_10 : i1 to i32
    %cond3A = arith.constant 0 : i32
    %cond3A_11 = arith.cmpi ne, %convert_element_type3A, %cond3A : i32
    scf.if %cond3A_11 {
      %ge3A = arith.constant 2 : i32
      %ge3A_22 = arith.cmpi sge, %add3A, %ge3A : i32
      %convert_element_type3A_23 = arith.extui %ge3A_22 : i1 to i32
      %cond3A_24 = arith.constant 0 : i32
      %cond3A_25 = arith.cmpi ne, %convert_element_type3A_23, %cond3A_24 : i32
      scf.if %cond3A_25 {
        %dma_wait3A = arith.constant 0 : i32
        %dma_wait3A_74 = arith.constant 0 : i32
        %dma_wait3A_75 = tpu.memref_slice %arg3[%dma_wait3A, %dma_wait3A_74] : memref<174088x512xf32, #tpu.memory_space<hbm>> -> memref<2048x256xf32, #tpu.memory_space<hbm>>
        tpu.wait_dma2 semaphore(%arg9 : memref<!tpu.dma_semaphore, #tpu.memory_space<semaphore_mem>>) src(%arg4 : memref<2048x256xf32, #tpu.memory_space<vmem>>) dst(%dma_wait3A_75 : memref<2048x256xf32, #tpu.memory_space<hbm>>)
        %dma_wait3A_76 = arith.constant 0 : i32
        %dma_wait3A_77 = arith.constant 0 : i32
        %dma_wait3A_78 = tpu.memref_slice %arg3[%dma_wait3A_76, %dma_wait3A_77] : memref<174088x512xf32, #tpu.memory_space<hbm>> -> memref<2048x256xf32, #tpu.memory_space<hbm>>
        tpu.wait_dma2 semaphore(%arg9 : memref<!tpu.dma_semaphore, #tpu.memory_space<semaphore_mem>>) src(%arg4 : memref<2048x256xf32, #tpu.memory_space<vmem>>) dst(%dma_wait3A_78 : memref<2048x256xf32, #tpu.memory_space<hbm>>)
      } else {
      }
      %get3A = arith.constant 0 : index
      %get3A_26 = arith.constant 0 : index
      %get3A_27 = arith.constant 0 : index
      %get3A_28 = arith.constant 0 : index
      %get3A_29 = vector.load %arg2[%get3A, %get3A_26, %get3A_27, %get3A_28] : memref<1x256x8x256xf32, #tpu.memory_space<vmem>>, vector<1x256x8x256xf32>
      %squeeze3A = vector.shape_cast %get3A_29 : vector<1x256x8x256xf32> to vector<256x8x256xf32>
      %slice3A = vector.extract_strided_slice %squeeze3A {offsets = [0, 0, 0], sizes = [256, 1, 256], strides = [1, 1, 1]} : vector<256x8x256xf32> to vector<256x1x256xf32>
      %squeeze3A_30 = vector.shape_cast %slice3A : vector<256x1x256xf32> to vector<256x256xf32>
      %transpose3A = tpu.transpose %squeeze3A_30, [1, 0] : vector<256x256xf32> -> vector<256x256xf32>
      %slice3A_31 = vector.extract_strided_slice %squeeze3A {offsets = [0, 1, 0], sizes = [256, 1, 256], strides = [1, 1, 1]} : vector<256x8x256xf32> to vector<256x1x256xf32>
      %squeeze3A_32 = vector.shape_cast %slice3A_31 : vector<256x1x256xf32> to vector<256x256xf32>
      %transpose3A_33 = tpu.transpose %squeeze3A_32, [1, 0] : vector<256x256xf32> -> vector<256x256xf32>
      %slice3A_34 = vector.extract_strided_slice %squeeze3A {offsets = [0, 2, 0], sizes = [256, 1, 256], strides = [1, 1, 1]} : vector<256x8x256xf32> to vector<256x1x256xf32>
      %squeeze3A_35 = vector.shape_cast %slice3A_34 : vector<256x1x256xf32> to vector<256x256xf32>
      %transpose3A_36 = tpu.transpose %squeeze3A_35, [1, 0] : vector<256x256xf32> -> vector<256x256xf32>
      %slice3A_37 = vector.extract_strided_slice %squeeze3A {offsets = [0, 3, 0], sizes = [256, 1, 256], strides = [1, 1, 1]} : vector<256x8x256xf32> to vector<256x1x256xf32>
      %squeeze3A_38 = vector.shape_cast %slice3A_37 : vector<256x1x256xf32> to vector<256x256xf32>
      %transpose3A_39 = tpu.transpose %squeeze3A_38, [1, 0] : vector<256x256xf32> -> vector<256x256xf32>
      %slice3A_40 = vector.extract_strided_slice %squeeze3A {offsets = [0, 4, 0], sizes = [256, 1, 256], strides = [1, 1, 1]} : vector<256x8x256xf32> to vector<256x1x256xf32>
      %squeeze3A_41 = vector.shape_cast %slice3A_40 : vector<256x1x256xf32> to vector<256x256xf32>
      %transpose3A_42 = tpu.transpose %squeeze3A_41, [1, 0] : vector<256x256xf32> -> vector<256x256xf32>
      %slice3A_43 = vector.extract_strided_slice %squeeze3A {offsets = [0, 5, 0], sizes = [256, 1, 256], strides = [1, 1, 1]} : vector<256x8x256xf32> to vector<256x1x256xf32>
      %squeeze3A_44 = vector.shape_cast %slice3A_43 : vector<256x1x256xf32> to vector<256x256xf32>
      %transpose3A_45 = tpu.transpose %squeeze3A_44, [1, 0] : vector<256x256xf32> -> vector<256x256xf32>
      %slice3A_46 = vector.extract_strided_slice %squeeze3A {offsets = [0, 6, 0], sizes = [256, 1, 256], strides = [1, 1, 1]} : vector<256x8x256xf32> to vector<256x1x256xf32>
      %squeeze3A_47 = vector.shape_cast %slice3A_46 : vector<256x1x256xf32> to vector<256x256xf32>
      %transpose3A_48 = tpu.transpose %squeeze3A_47, [1, 0] : vector<256x256xf32> -> vector<256x256xf32>
      %slice3A_49 = vector.extract_strided_slice %squeeze3A {offsets = [0, 7, 0], sizes = [256, 1, 256], strides = [1, 1, 1]} : vector<256x8x256xf32> to vector<256x1x256xf32>
      %squeeze3A_50 = vector.shape_cast %slice3A_49 : vector<256x1x256xf32> to vector<256x256xf32>
      %transpose3A_51 = tpu.transpose %squeeze3A_50, [1, 0] : vector<256x256xf32> -> vector<256x256xf32>
      %concatenate3A = tpu.concatenate %transpose3A, %transpose3A_33, %transpose3A_36, %transpose3A_39, %transpose3A_42, %transpose3A_45, %transpose3A_48, %transpose3A_51 in 0 : vector<256x256xf32>, vector<256x256xf32>, vector<256x256xf32>, vector<256x256xf32>, vector<256x256xf32>, vector<256x256xf32>, vector<256x256xf32>, vector<256x256xf32> -> vector<2048x256xf32>
      %swap3A = arith.constant 0 : index
      %swap3A_52 = arith.constant 0 : index
      %swap3A_53 = vector.load %arg4[%swap3A, %swap3A_52] : memref<2048x256xf32, #tpu.memory_space<vmem>>, vector<2048x256xf32>
      tpu.vector_store %arg4[%swap3A, %swap3A_52], %concatenate3A {strides = array<i32>} : memref<2048x256xf32, #tpu.memory_space<vmem>>, vector<2048x256xf32>,
      %slice3A_54 = vector.extract_strided_slice %concatenate3A {offsets = [1, 0], sizes = [2047, 256], strides = [1, 1]} : vector<2048x256xf32> to vector<2047x256xf32>
      %swap3A_55 = arith.constant 0 : index
      %swap3A_56 = arith.constant 0 : index
      %swap3A_57 = vector.load %arg6[%swap3A_55, %swap3A_56] : memref<2048x256xf32, #tpu.memory_space<vmem>>, vector<2047x256xf32>
      tpu.vector_store %arg6[%swap3A_55, %swap3A_56], %slice3A_54 {strides = array<i32>} : memref<2048x256xf32, #tpu.memory_space<vmem>>, vector<2047x256xf32>,
      %eq3A_58 = arith.constant 0 : i32
      %eq3A_59 = arith.cmpi eq, %arg1, %eq3A_58 : i32
      %convert_element_type3A_60 = arith.extui %eq3A_59 : i1 to i32
      %cond3A_61 = arith.constant 0 : i32
      %cond3A_62 = arith.cmpi ne, %convert_element_type3A_60, %cond3A_61 : i32
      scf.if %cond3A_62 {
        %slice3A_74 = vector.extract_strided_slice %concatenate3A {offsets = [2047, 0], sizes = [1, 256], strides = [1, 1]} : vector<2048x256xf32> to vector<1x256xf32>
        %swap3A_75 = arith.constant 2047 : index
        %swap3A_76 = arith.constant 0 : index
        %swap3A_77 = vector.load %arg6[%swap3A_75, %swap3A_76] : memref<2048x256xf32, #tpu.memory_space<vmem>>, vector<1x256xf32>
        tpu.vector_store %arg6[%swap3A_75, %swap3A_76], %slice3A_74 {strides = array<i32>} : memref<2048x256xf32, #tpu.memory_space<vmem>>, vector<1x256xf32>,
      } else {
      }
      %ne3A = arith.constant 0 : i32
      %ne3A_63 = arith.cmpi ne, %arg1, %ne3A : i32
      %convert_element_type3A_64 = arith.extui %ne3A_63 : i1 to i32
      %cond3A_65 = arith.constant 0 : i32
      %cond3A_66 = arith.cmpi ne, %convert_element_type3A_64, %cond3A_65 : i32
      scf.if %cond3A_66 {
        %get3A_74 = arith.constant 0 : index
        %get3A_75 = arith.constant 0 : index
        %get3A_76 = vector.load %arg8[%get3A_74, %get3A_75] : memref<1x256xf32, #tpu.memory_space<vmem>>, vector<1x256xf32>
        %swap3A_77 = arith.constant 2047 : index
        %swap3A_78 = arith.constant 0 : index
        %swap3A_79 = vector.load %arg6[%swap3A_77, %swap3A_78] : memref<2048x256xf32, #tpu.memory_space<vmem>>, vector<1x256xf32>
        tpu.vector_store %arg6[%swap3A_77, %swap3A_78], %get3A_76 {strides = array<i32>} : memref<2048x256xf32, #tpu.memory_space<vmem>>, vector<1x256xf32>,
      } else {
      }
      %slice3A_67 = vector.extract_strided_slice %concatenate3A {offsets = [0, 0], sizes = [1, 256], strides = [1, 1]} : vector<2048x256xf32> to vector<1x256xf32>
      %swap3A_68 = arith.constant 0 : index
      %swap3A_69 = arith.constant 0 : index
      %swap3A_70 = vector.load %arg8[%swap3A_68, %swap3A_69] : memref<1x256xf32, #tpu.memory_space<vmem>>, vector<1x256xf32>
      tpu.vector_store %arg8[%swap3A_68, %swap3A_69], %slice3A_67 {strides = array<i32>} : memref<1x256xf32, #tpu.memory_space<vmem>>, vector<1x256xf32>,
      %dma_start3A = arith.constant 0 : i32
      %dma_start3A_71 = tpu.memref_slice %arg3[%add3A_9, %dma_start3A] : memref<174088x512xf32, #tpu.memory_space<hbm>> -> memref<2048x256xf32, #tpu.memory_space<hbm>>
      tpu.enqueue_dma source(%arg4 : memref<2048x256xf32, #tpu.memory_space<vmem>>) target(%dma_start3A_71 : memref<2048x256xf32, #tpu.memory_space<hbm>>) target_semaphore(%arg9 : memref<!tpu.dma_semaphore, #tpu.memory_space<semaphore_mem>>)
      %dma_start3A_72 = arith.constant 256 : i32
      %dma_start3A_73 = tpu.memref_slice %arg3[%add3A_9, %dma_start3A_72] : memref<174088x512xf32, #tpu.memory_space<hbm>> -> memref<2048x256xf32, #tpu.memory_space<hbm>>
      tpu.enqueue_dma source(%arg6 : memref<2048x256xf32, #tpu.memory_space<vmem>>) target(%dma_start3A_73 : memref<2048x256xf32, #tpu.memory_space<hbm>>) target_semaphore(%arg9 : memref<!tpu.dma_semaphore, #tpu.memory_space<semaphore_mem>>)
    } else {
    }
    %eq3A_12 = arith.constant 1 : i32
    %eq3A_13 = arith.cmpi eq, %rem3A_2, %eq3A_12 : i32
    %convert_element_type3A_14 = arith.extui %eq3A_13 : i1 to i32
    %cond3A_15 = arith.constant 0 : i32
    %cond3A_16 = arith.cmpi ne, %convert_element_type3A_14, %cond3A_15 : i32
    scf.if %cond3A_16 {
      %ge3A = arith.constant 2 : i32
      %ge3A_22 = arith.cmpi sge, %add3A, %ge3A : i32
      %convert_element_type3A_23 = arith.extui %ge3A_22 : i1 to i32
      %cond3A_24 = arith.constant 0 : i32
      %cond3A_25 = arith.cmpi ne, %convert_element_type3A_23, %cond3A_24 : i32
      scf.if %cond3A_25 {
        %dma_wait3A = arith.constant 0 : i32
        %dma_wait3A_74 = arith.constant 0 : i32
        %dma_wait3A_75 = tpu.memref_slice %arg3[%dma_wait3A, %dma_wait3A_74] : memref<174088x512xf32, #tpu.memory_space<hbm>> -> memref<2048x256xf32, #tpu.memory_space<hbm>>
        tpu.wait_dma2 semaphore(%arg10 : memref<!tpu.dma_semaphore, #tpu.memory_space<semaphore_mem>>) src(%arg4 : memref<2048x256xf32, #tpu.memory_space<vmem>>) dst(%dma_wait3A_75 : memref<2048x256xf32, #tpu.memory_space<hbm>>)
        %dma_wait3A_76 = arith.constant 0 : i32
        %dma_wait3A_77 = arith.constant 0 : i32
        %dma_wait3A_78 = tpu.memref_slice %arg3[%dma_wait3A_76, %dma_wait3A_77] : memref<174088x512xf32, #tpu.memory_space<hbm>> -> memref<2048x256xf32, #tpu.memory_space<hbm>>
        tpu.wait_dma2 semaphore(%arg10 : memref<!tpu.dma_semaphore, #tpu.memory_space<semaphore_mem>>) src(%arg4 : memref<2048x256xf32, #tpu.memory_space<vmem>>) dst(%dma_wait3A_78 : memref<2048x256xf32, #tpu.memory_space<hbm>>)
      } else {
      }
      %get3A = arith.constant 0 : index
      %get3A_26 = arith.constant 0 : index
      %get3A_27 = arith.constant 0 : index
      %get3A_28 = arith.constant 0 : index
      %get3A_29 = vector.load %arg2[%get3A, %get3A_26, %get3A_27, %get3A_28] : memref<1x256x8x256xf32, #tpu.memory_space<vmem>>, vector<1x256x8x256xf32>
      %squeeze3A = vector.shape_cast %get3A_29 : vector<1x256x8x256xf32> to vector<256x8x256xf32>
      %slice3A = vector.extract_strided_slice %squeeze3A {offsets = [0, 0, 0], sizes = [256, 1, 256], strides = [1, 1, 1]} : vector<256x8x256xf32> to vector<256x1x256xf32>
      %squeeze3A_30 = vector.shape_cast %slice3A : vector<256x1x256xf32> to vector<256x256xf32>
      %transpose3A = tpu.transpose %squeeze3A_30, [1, 0] : vector<256x256xf32> -> vector<256x256xf32>
      %slice3A_31 = vector.extract_strided_slice %squeeze3A {offsets = [0, 1, 0], sizes = [256, 1, 256], strides = [1, 1, 1]} : vector<256x8x256xf32> to vector<256x1x256xf32>
      %squeeze3A_32 = vector.shape_cast %slice3A_31 : vector<256x1x256xf32> to vector<256x256xf32>
      %transpose3A_33 = tpu.transpose %squeeze3A_32, [1, 0] : vector<256x256xf32> -> vector<256x256xf32>
      %slice3A_34 = vector.extract_strided_slice %squeeze3A {offsets = [0, 2, 0], sizes = [256, 1, 256], strides = [1, 1, 1]} : vector<256x8x256xf32> to vector<256x1x256xf32>
      %squeeze3A_35 = vector.shape_cast %slice3A_34 : vector<256x1x256xf32> to vector<256x256xf32>
      %transpose3A_36 = tpu.transpose %squeeze3A_35, [1, 0] : vector<256x256xf32> -> vector<256x256xf32>
      %slice3A_37 = vector.extract_strided_slice %squeeze3A {offsets = [0, 3, 0], sizes = [256, 1, 256], strides = [1, 1, 1]} : vector<256x8x256xf32> to vector<256x1x256xf32>
      %squeeze3A_38 = vector.shape_cast %slice3A_37 : vector<256x1x256xf32> to vector<256x256xf32>
      %transpose3A_39 = tpu.transpose %squeeze3A_38, [1, 0] : vector<256x256xf32> -> vector<256x256xf32>
      %slice3A_40 = vector.extract_strided_slice %squeeze3A {offsets = [0, 4, 0], sizes = [256, 1, 256], strides = [1, 1, 1]} : vector<256x8x256xf32> to vector<256x1x256xf32>
      %squeeze3A_41 = vector.shape_cast %slice3A_40 : vector<256x1x256xf32> to vector<256x256xf32>
      %transpose3A_42 = tpu.transpose %squeeze3A_41, [1, 0] : vector<256x256xf32> -> vector<256x256xf32>
      %slice3A_43 = vector.extract_strided_slice %squeeze3A {offsets = [0, 5, 0], sizes = [256, 1, 256], strides = [1, 1, 1]} : vector<256x8x256xf32> to vector<256x1x256xf32>
      %squeeze3A_44 = vector.shape_cast %slice3A_43 : vector<256x1x256xf32> to vector<256x256xf32>
      %transpose3A_45 = tpu.transpose %squeeze3A_44, [1, 0] : vector<256x256xf32> -> vector<256x256xf32>
      %slice3A_46 = vector.extract_strided_slice %squeeze3A {offsets = [0, 6, 0], sizes = [256, 1, 256], strides = [1, 1, 1]} : vector<256x8x256xf32> to vector<256x1x256xf32>
      %squeeze3A_47 = vector.shape_cast %slice3A_46 : vector<256x1x256xf32> to vector<256x256xf32>
      %transpose3A_48 = tpu.transpose %squeeze3A_47, [1, 0] : vector<256x256xf32> -> vector<256x256xf32>
      %slice3A_49 = vector.extract_strided_slice %squeeze3A {offsets = [0, 7, 0], sizes = [256, 1, 256], strides = [1, 1, 1]} : vector<256x8x256xf32> to vector<256x1x256xf32>
      %squeeze3A_50 = vector.shape_cast %slice3A_49 : vector<256x1x256xf32> to vector<256x256xf32>
      %transpose3A_51 = tpu.transpose %squeeze3A_50, [1, 0] : vector<256x256xf32> -> vector<256x256xf32>
      %concatenate3A = tpu.concatenate %transpose3A, %transpose3A_33, %transpose3A_36, %transpose3A_39, %transpose3A_42, %transpose3A_45, %transpose3A_48, %transpose3A_51 in 0 : vector<256x256xf32>, vector<256x256xf32>, vector<256x256xf32>, vector<256x256xf32>, vector<256x256xf32>, vector<256x256xf32>, vector<256x256xf32>, vector<256x256xf32> -> vector<2048x256xf32>
      %swap3A = arith.constant 0 : index
      %swap3A_52 = arith.constant 0 : index
      %swap3A_53 = vector.load %arg5[%swap3A, %swap3A_52] : memref<2048x256xf32, #tpu.memory_space<vmem>>, vector<2048x256xf32>
      tpu.vector_store %arg5[%swap3A, %swap3A_52], %concatenate3A {strides = array<i32>} : memref<2048x256xf32, #tpu.memory_space<vmem>>, vector<2048x256xf32>,
      %slice3A_54 = vector.extract_strided_slice %concatenate3A {offsets = [1, 0], sizes = [2047, 256], strides = [1, 1]} : vector<2048x256xf32> to vector<2047x256xf32>
      %swap3A_55 = arith.constant 0 : index
      %swap3A_56 = arith.constant 0 : index
      %swap3A_57 = vector.load %arg7[%swap3A_55, %swap3A_56] : memref<2048x256xf32, #tpu.memory_space<vmem>>, vector<2047x256xf32>
      tpu.vector_store %arg7[%swap3A_55, %swap3A_56], %slice3A_54 {strides = array<i32>} : memref<2048x256xf32, #tpu.memory_space<vmem>>, vector<2047x256xf32>,
      %eq3A_58 = arith.constant 0 : i32
      %eq3A_59 = arith.cmpi eq, %arg1, %eq3A_58 : i32
      %convert_element_type3A_60 = arith.extui %eq3A_59 : i1 to i32
      %cond3A_61 = arith.constant 0 : i32
      %cond3A_62 = arith.cmpi ne, %convert_element_type3A_60, %cond3A_61 : i32
      scf.if %cond3A_62 {
        %slice3A_74 = vector.extract_strided_slice %concatenate3A {offsets = [2047, 0], sizes = [1, 256], strides = [1, 1]} : vector<2048x256xf32> to vector<1x256xf32>
        %swap3A_75 = arith.constant 2047 : index
        %swap3A_76 = arith.constant 0 : index
        %swap3A_77 = vector.load %arg7[%swap3A_75, %swap3A_76] : memref<2048x256xf32, #tpu.memory_space<vmem>>, vector<1x256xf32>
        tpu.vector_store %arg7[%swap3A_75, %swap3A_76], %slice3A_74 {strides = array<i32>} : memref<2048x256xf32, #tpu.memory_space<vmem>>, vector<1x256xf32>,
      } else {
      }
      %ne3A = arith.constant 0 : i32
      %ne3A_63 = arith.cmpi ne, %arg1, %ne3A : i32
      %convert_element_type3A_64 = arith.extui %ne3A_63 : i1 to i32
      %cond3A_65 = arith.constant 0 : i32
      %cond3A_66 = arith.cmpi ne, %convert_element_type3A_64, %cond3A_65 : i32
      scf.if %cond3A_66 {
        %get3A_74 = arith.constant 0 : index
        %get3A_75 = arith.constant 0 : index
        %get3A_76 = vector.load %arg8[%get3A_74, %get3A_75] : memref<1x256xf32, #tpu.memory_space<vmem>>, vector<1x256xf32>
        %swap3A_77 = arith.constant 2047 : index
        %swap3A_78 = arith.constant 0 : index
        %swap3A_79 = vector.load %arg7[%swap3A_77, %swap3A_78] : memref<2048x256xf32, #tpu.memory_space<vmem>>, vector<1x256xf32>
        tpu.vector_store %arg7[%swap3A_77, %swap3A_78], %get3A_76 {strides = array<i32>} : memref<2048x256xf32, #tpu.memory_space<vmem>>, vector<1x256xf32>,
      } else {
      }
      %slice3A_67 = vector.extract_strided_slice %concatenate3A {offsets = [0, 0], sizes = [1, 256], strides = [1, 1]} : vector<2048x256xf32> to vector<1x256xf32>
      %swap3A_68 = arith.constant 0 : index
      %swap3A_69 = arith.constant 0 : index
      %swap3A_70 = vector.load %arg8[%swap3A_68, %swap3A_69] : memref<1x256xf32, #tpu.memory_space<vmem>>, vector<1x256xf32>
      tpu.vector_store %arg8[%swap3A_68, %swap3A_69], %slice3A_67 {strides = array<i32>} : memref<1x256xf32, #tpu.memory_space<vmem>>, vector<1x256xf32>,
      %dma_start3A = arith.constant 0 : i32
      %dma_start3A_71 = tpu.memref_slice %arg3[%add3A_9, %dma_start3A] : memref<174088x512xf32, #tpu.memory_space<hbm>> -> memref<2048x256xf32, #tpu.memory_space<hbm>>
      tpu.enqueue_dma source(%arg5 : memref<2048x256xf32, #tpu.memory_space<vmem>>) target(%dma_start3A_71 : memref<2048x256xf32, #tpu.memory_space<hbm>>) target_semaphore(%arg10 : memref<!tpu.dma_semaphore, #tpu.memory_space<semaphore_mem>>)
      %dma_start3A_72 = arith.constant 256 : i32
      %dma_start3A_73 = tpu.memref_slice %arg3[%add3A_9, %dma_start3A_72] : memref<174088x512xf32, #tpu.memory_space<hbm>> -> memref<2048x256xf32, #tpu.memory_space<hbm>>
      tpu.enqueue_dma source(%arg7 : memref<2048x256xf32, #tpu.memory_space<vmem>>) target(%dma_start3A_73 : memref<2048x256xf32, #tpu.memory_space<hbm>>) target_semaphore(%arg10 : memref<!tpu.dma_semaphore, #tpu.memory_space<semaphore_mem>>)
    } else {
    }
    %eq3A_17 = arith.constant 63 : i32
    %eq3A_18 = arith.cmpi eq, %add3A, %eq3A_17 : i32
    %convert_element_type3A_19 = arith.extui %eq3A_18 : i1 to i32
    %cond3A_20 = arith.constant 0 : i32
    %cond3A_21 = arith.cmpi ne, %convert_element_type3A_19, %cond3A_20 : i32
    scf.if %cond3A_21 {
      %dma_wait3A = arith.constant 0 : i32
      %dma_wait3A_22 = arith.constant 0 : i32
      %dma_wait3A_23 = tpu.memref_slice %arg3[%dma_wait3A, %dma_wait3A_22] : memref<174088x512xf32, #tpu.memory_space<hbm>> -> memref<2048x256xf32, #tpu.memory_space<hbm>>
      tpu.wait_dma2 semaphore(%arg10 : memref<!tpu.dma_semaphore, #tpu.memory_space<semaphore_mem>>) src(%arg4 : memref<2048x256xf32, #tpu.memory_space<vmem>>) dst(%dma_wait3A_23 : memref<2048x256xf32, #tpu.memory_space<hbm>>)
      %dma_wait3A_24 = arith.constant 0 : i32
      %dma_wait3A_25 = arith.constant 0 : i32
      %dma_wait3A_26 = tpu.memref_slice %arg3[%dma_wait3A_24, %dma_wait3A_25] : memref<174088x512xf32, #tpu.memory_space<hbm>> -> memref<2048x256xf32, #tpu.memory_space<hbm>>
      tpu.wait_dma2 semaphore(%arg10 : memref<!tpu.dma_semaphore, #tpu.memory_space<semaphore_mem>>) src(%arg4 : memref<2048x256xf32, #tpu.memory_space<vmem>>) dst(%dma_wait3A_26 : memref<2048x256xf32, #tpu.memory_space<hbm>>)
      %dma_wait3A_27 = arith.constant 0 : i32
      %dma_wait3A_28 = arith.constant 0 : i32
      %dma_wait3A_29 = tpu.memref_slice %arg3[%dma_wait3A_27, %dma_wait3A_28] : memref<174088x512xf32, #tpu.memory_space<hbm>> -> memref<2048x256xf32, #tpu.memory_space<hbm>>
      tpu.wait_dma2 semaphore(%arg9 : memref<!tpu.dma_semaphore, #tpu.memory_space<semaphore_mem>>) src(%arg4 : memref<2048x256xf32, #tpu.memory_space<vmem>>) dst(%dma_wait3A_29 : memref<2048x256xf32, #tpu.memory_space<hbm>>)
      %dma_wait3A_30 = arith.constant 0 : i32
      %dma_wait3A_31 = arith.constant 0 : i32
      %dma_wait3A_32 = tpu.memref_slice %arg3[%dma_wait3A_30, %dma_wait3A_31] : memref<174088x512xf32, #tpu.memory_space<hbm>> -> memref<2048x256xf32, #tpu.memory_space<hbm>>
      tpu.wait_dma2 semaphore(%arg9 : memref<!tpu.dma_semaphore, #tpu.memory_space<semaphore_mem>>) src(%arg4 : memref<2048x256xf32, #tpu.memory_space<vmem>>) dst(%dma_wait3A_32 : memref<2048x256xf32, #tpu.memory_space<hbm>>)
    } else {
    }
    return
  }
  func.func @transform_0(%arg0: i32, %arg1: i32) -> (i32, i32, i32, i32) {
    %sub3A = arith.constant 31 : i32
    %sub3A_0 = arith.subi %sub3A, %arg1 : i32
    %c0_i32 = arith.constant 0 : i32
    %c0_i32_1 = arith.constant 0 : i32
    %c0_i32_2 = arith.constant 0 : i32
    return %arg0, %c0_i32, %sub3A_0, %c0_i32_1 : i32, i32, i32, i32
  }
}

module attributes {stable_mosaic.version = 14 : i64} {
  func.func @_idx_kernel(%arg0: memref<1024x4xf32, #tpu.memory_space<vmem>>, %arg1: memref<1024x104xi32, #tpu.memory_space<vmem>>, %arg2: memref<1024x208xf32, #tpu.memory_space<vmem>>) attributes {dimension_semantics = [], scalar_prefetch = 0 : i64, scratch_operands = 0 : i64, tpu.core_type = #tpu.core_type<tc>} {
    %get3A = arith.constant 0 : index
    %get3A_0 = arith.constant 0 : index
    %get3A_1 = vector.load %arg0[%get3A, %get3A_0] : memref<1024x4xf32, #tpu.memory_space<vmem>>, vector<1024x4xf32>
    %slice3A = vector.extract_strided_slice %get3A_1 {offsets = [0, 0], sizes = [1024, 1], strides = [1, 1]} : vector<1024x4xf32> to vector<1024x1xf32>
    %slice3A_2 = vector.extract_strided_slice %get3A_1 {offsets = [0, 1], sizes = [1024, 1], strides = [1, 1]} : vector<1024x4xf32> to vector<1024x1xf32>
    %slice3A_3 = vector.extract_strided_slice %get3A_1 {offsets = [0, 2], sizes = [1024, 1], strides = [1, 1]} : vector<1024x4xf32> to vector<1024x1xf32>
    %slice3A_4 = vector.extract_strided_slice %get3A_1 {offsets = [0, 3], sizes = [1024, 1], strides = [1, 1]} : vector<1024x4xf32> to vector<1024x1xf32>
    %sub3A = arith.subf %slice3A_3, %slice3A : vector<1024x1xf32>
    %sub3A_5 = arith.subf %slice3A_4, %slice3A_2 : vector<1024x1xf32>
    %mul3A = arith.mulf %sub3A, %sub3A_5 : vector<1024x1xf32>
    %sqrt3A = math.sqrt %mul3A : vector<1024x1xf32>
    %div3A = arith.constant 2.240000e+02 : f32
    %div3A_6 = vector.broadcast %div3A : f32 to vector<1024x1xf32>
    %div3A_7 = arith.divf %sqrt3A, %div3A_6 : vector<1024x1xf32>
    %add3A = arith.constant 2.22044605E-16 : f32
    %add3A_8 = vector.broadcast %add3A : f32 to vector<1024x1xf32>
    %add3A_9 = arith.addf %div3A_7, %add3A_8 : vector<1024x1xf32>
    %log3A = math.log %add3A_9 : vector<1024x1xf32>
    %log3A_10 = arith.constant 2.000000e+00 : f32
    %log3A_11 = math.log %log3A_10 : f32
    %div3A_12 = vector.broadcast %log3A_11 : f32 to vector<1024x1xf32>
    %div3A_13 = arith.divf %log3A, %div3A_12 : vector<1024x1xf32>
    %add3A_14 = arith.constant 4.000000e+00 : f32
    %add3A_15 = vector.broadcast %add3A_14 : f32 to vector<1024x1xf32>
    %add3A_16 = arith.addf %add3A_15, %div3A_13 : vector<1024x1xf32>
    %floor3A = math.floor %add3A_16 : vector<1024x1xf32>
    %jit3A = arith.constant 2.000000e+00 : f32
    %jit3A_17 = arith.constant 5.000000e+00 : f32
    %max3A = vector.broadcast %jit3A : f32 to vector<1024x1xf32>
    %max3A_18 = arith.maximumf %max3A, %floor3A : vector<1024x1xf32>
    %min3A = vector.broadcast %jit3A_17 : f32 to vector<1024x1xf32>
    %min3A_19 = arith.minimumf %min3A, %max3A_18 : vector<1024x1xf32>
    %convert_element_type3A = arith.fptosi %min3A_19 : vector<1024x1xf32> to vector<1024x1xi32>
    %sub3A_20 = arith.constant 2 : i32
    %sub3A_21 = vector.broadcast %sub3A_20 : i32 to vector<1024x1xi32>
    %sub3A_22 = arith.subi %convert_element_type3A, %sub3A_21 : vector<1024x1xi32>
    %shift_left3A = arith.constant 4 : i32
    %shift_left3A_23 = vector.broadcast %shift_left3A : i32 to vector<1024x1xi32>
    %shift_left3A_24 = arith.shli %shift_left3A_23, %sub3A_22 : vector<1024x1xi32>
    %convert_element_type3A_25 = arith.sitofp %shift_left3A_24 : vector<1024x1xi32> to vector<1024x1xf32>
    %div3A_26 = arith.constant 1.000000e+00 : f32
    %div3A_27 = vector.broadcast %div3A_26 : f32 to vector<1024x1xf32>
    %div3A_28 = arith.divf %div3A_27, %convert_element_type3A_25 : vector<1024x1xf32>
    %shift_right_arithmetic3A = arith.constant 256 : i32
    %shift_right_arithmetic3A_29 = vector.broadcast %shift_right_arithmetic3A : i32 to vector<1024x1xi32>
    %shift_right_arithmetic3A_30 = arith.shrsi %shift_right_arithmetic3A_29, %sub3A_22 : vector<1024x1xi32>
    %convert_element_type3A_31 = arith.sitofp %shift_right_arithmetic3A_30 : vector<1024x1xi32> to vector<1024x1xf32>
    %eq3A = arith.constant 0 : i32
    %eq3A_32 = vector.broadcast %eq3A : i32 to vector<1024x1xi32>
    %eq3A_33 = arith.cmpi eq, %sub3A_22, %eq3A_32 : vector<1024x1xi32>
    %eq3A_34 = arith.constant 1 : i32
    %eq3A_35 = vector.broadcast %eq3A_34 : i32 to vector<1024x1xi32>
    %eq3A_36 = arith.cmpi eq, %sub3A_22, %eq3A_35 : vector<1024x1xi32>
    %eq3A_37 = arith.constant 2 : i32
    %eq3A_38 = vector.broadcast %eq3A_37 : i32 to vector<1024x1xi32>
    %eq3A_39 = arith.cmpi eq, %sub3A_22, %eq3A_38 : vector<1024x1xi32>
    %jit3A_40 = arith.constant 163840 : i32
    %jit3A_41 = arith.constant 172032 : i32
    %broadcast_in_dim3A = vector.broadcast %jit3A_40 : i32 to vector<1024x1xi32>
    %broadcast_in_dim3A_42 = vector.broadcast %jit3A_41 : i32 to vector<1024x1xi32>
    %select_n3A = arith.select %eq3A_39, %broadcast_in_dim3A, %broadcast_in_dim3A_42 : vector<1024x1xi1>, vector<1024x1xi32>
    %jit3A_43 = arith.constant 131072 : i32
    %broadcast_in_dim3A_44 = vector.broadcast %jit3A_43 : i32 to vector<1024x1xi32>
    %select_n3A_45 = arith.select %eq3A_36, %broadcast_in_dim3A_44, %select_n3A : vector<1024x1xi1>, vector<1024x1xi32>
    %jit3A_46 = arith.constant 0 : i32
    %broadcast_in_dim3A_47 = vector.broadcast %jit3A_46 : i32 to vector<1024x1xi32>
    %select_n3A_48 = arith.select %eq3A_33, %broadcast_in_dim3A_47, %select_n3A_45 : vector<1024x1xi1>, vector<1024x1xi32>
    %iota3A = tpu.iota {dimensions = array<i32: 0>} : vector<1024x1xi32>
    %ge3A = arith.constant 512 : i32
    %ge3A_49 = vector.broadcast %ge3A : i32 to vector<1024x1xi32>
    %ge3A_50 = arith.cmpi sge, %iota3A, %ge3A_49 : vector<1024x1xi32>
    %convert_element_type3A_51 = arith.extui %ge3A_50 : vector<1024x1xi1> to vector<1024x1xi32>
    %mul3A_52 = arith.muli %convert_element_type3A_51, %shift_right_arithmetic3A_30 : vector<1024x1xi32>
    %mul3A_53 = arith.muli %mul3A_52, %shift_right_arithmetic3A_30 : vector<1024x1xi32>
    %add3A_54 = arith.addi %select_n3A_48, %mul3A_53 : vector<1024x1xi32>
    %mul3A_55 = arith.mulf %slice3A, %div3A_28 : vector<1024x1xf32>
    %sub3A_56 = arith.constant 5.000000e-01 : f32
    %sub3A_57 = vector.broadcast %sub3A_56 : f32 to vector<1024x1xf32>
    %sub3A_58 = arith.subf %mul3A_55, %sub3A_57 : vector<1024x1xf32>
    %mul3A_59 = arith.mulf %slice3A_3, %div3A_28 : vector<1024x1xf32>
    %sub3A_60 = arith.constant 5.000000e-01 : f32
    %sub3A_61 = vector.broadcast %sub3A_60 : f32 to vector<1024x1xf32>
    %sub3A_62 = arith.subf %mul3A_59, %sub3A_61 : vector<1024x1xf32>
    %mul3A_63 = arith.mulf %slice3A_2, %div3A_28 : vector<1024x1xf32>
    %sub3A_64 = arith.constant 5.000000e-01 : f32
    %sub3A_65 = vector.broadcast %sub3A_64 : f32 to vector<1024x1xf32>
    %sub3A_66 = arith.subf %mul3A_63, %sub3A_65 : vector<1024x1xf32>
    %mul3A_67 = arith.mulf %slice3A_4, %div3A_28 : vector<1024x1xf32>
    %sub3A_68 = arith.constant 5.000000e-01 : f32
    %sub3A_69 = vector.broadcast %sub3A_68 : f32 to vector<1024x1xf32>
    %sub3A_70 = arith.subf %mul3A_67, %sub3A_69 : vector<1024x1xf32>
    %sub3A_71 = arith.subf %sub3A_62, %sub3A_58 : vector<1024x1xf32>
    %div3A_72 = arith.constant 7.000000e+00 : f32
    %div3A_73 = vector.broadcast %div3A_72 : f32 to vector<1024x1xf32>
    %div3A_74 = arith.divf %sub3A_71, %div3A_73 : vector<1024x1xf32>
    %sub3A_75 = arith.subf %sub3A_70, %sub3A_66 : vector<1024x1xf32>
    %div3A_76 = arith.constant 7.000000e+00 : f32
    %div3A_77 = vector.broadcast %div3A_76 : f32 to vector<1024x1xf32>
    %div3A_78 = arith.divf %sub3A_75, %div3A_77 : vector<1024x1xf32>
    %iota3A_79 = tpu.iota {dimensions = array<i32: 1>} : vector<1024x208xi32>
    %ge3A_80 = arith.constant 104 : i32
    %ge3A_81 = vector.broadcast %ge3A_80 : i32 to vector<1024x208xi32>
    %ge3A_82 = arith.cmpi sge, %iota3A_79, %ge3A_81 : vector<1024x208xi32>
    %jit3A_83 = arith.constant 104 : i32
    %jit3A_84 = arith.constant 0 : i32
    %broadcast_in_dim3A_85 = vector.broadcast %jit3A_83 : i32 to vector<1024x208xi32>
    %broadcast_in_dim3A_86 = vector.broadcast %jit3A_84 : i32 to vector<1024x208xi32>
    %select_n3A_87 = arith.select %ge3A_82, %broadcast_in_dim3A_85, %broadcast_in_dim3A_86 : vector<1024x208xi1>, vector<1024x208xi32>
    %sub3A_88 = arith.subi %iota3A_79, %select_n3A_87 : vector<1024x208xi32>
    %shift_right_arithmetic3A_89 = arith.constant 2 : i32
    %shift_right_arithmetic3A_90 = vector.broadcast %shift_right_arithmetic3A_89 : i32 to vector<1024x208xi32>
    %shift_right_arithmetic3A_91 = arith.shrsi %sub3A_88, %shift_right_arithmetic3A_90 : vector<1024x208xi32>
    %and3A = arith.constant 3 : i32
    %and3A_92 = vector.broadcast %and3A : i32 to vector<1024x208xi32>
    %and3A_93 = arith.andi %sub3A_88, %and3A_92 : vector<1024x208xi32>
    %jit3A_94 = arith.constant 24 : i32
    %jit3A_95 = arith.constant 0 : i32
    %broadcast_in_dim3A_96 = vector.broadcast %jit3A_94 : i32 to vector<1024x208xi32>
    %broadcast_in_dim3A_97 = vector.broadcast %jit3A_95 : i32 to vector<1024x208xi32>
    %select_n3A_98 = arith.select %ge3A_82, %broadcast_in_dim3A_96, %broadcast_in_dim3A_97 : vector<1024x208xi1>, vector<1024x208xi32>
    %add3A_99 = arith.addi %shift_right_arithmetic3A_91, %select_n3A_98 : vector<1024x208xi32>
    %jit3A_100 = arith.constant 25 : i32
    %jit3A_101 = arith.constant 24 : i32
    %broadcast_in_dim3A_102 = vector.broadcast %jit3A_100 : i32 to vector<1024x208xi32>
    %broadcast_in_dim3A_103 = vector.broadcast %jit3A_101 : i32 to vector<1024x208xi32>
    %select_n3A_104 = arith.select %ge3A_82, %broadcast_in_dim3A_102, %broadcast_in_dim3A_103 : vector<1024x208xi1>, vector<1024x208xi32>
    %lt3A = arith.cmpi slt, %shift_right_arithmetic3A_91, %select_n3A_104 : vector<1024x208xi32>
    %convert_element_type3A_105 = arith.sitofp %add3A_99 : vector<1024x208xi32> to vector<1024x208xf32>
    %mul3A_106 = arith.constant 0.142858148 : f32
    %mul3A_107 = vector.broadcast %mul3A_106 : f32 to vector<1024x208xf32>
    %mul3A_108 = arith.mulf %convert_element_type3A_105, %mul3A_107 : vector<1024x208xf32>
    %floor3A_109 = math.floor %mul3A_108 : vector<1024x208xf32>
    %convert_element_type3A_110 = arith.fptosi %floor3A_109 : vector<1024x208xf32> to vector<1024x208xi32>
    %mul3A_111 = arith.constant 7 : i32
    %mul3A_112 = vector.broadcast %mul3A_111 : i32 to vector<1024x208xi32>
    %mul3A_113 = arith.muli %mul3A_112, %convert_element_type3A_110 : vector<1024x208xi32>
    %sub3A_114 = arith.subi %add3A_99, %mul3A_113 : vector<1024x208xi32>
    %convert_element_type3A_115 = arith.sitofp %sub3A_114 : vector<1024x208xi32> to vector<1024x208xf32>
    %add3A_116 = arith.constant 5.000000e-01 : f32
    %add3A_117 = vector.broadcast %add3A_116 : f32 to vector<1024x208xf32>
    %add3A_118 = arith.addf %convert_element_type3A_115, %add3A_117 : vector<1024x208xf32>
    %mul3A_119 = vector.broadcast %div3A_74 : vector<1024x1xf32> to vector<1024x208xf32>
    %mul3A_120 = arith.mulf %add3A_118, %mul3A_119 : vector<1024x208xf32>
    %add3A_121 = vector.broadcast %sub3A_58 : vector<1024x1xf32> to vector<1024x208xf32>
    %add3A_122 = arith.addf %add3A_121, %mul3A_120 : vector<1024x208xf32>
    %convert_element_type3A_123 = arith.sitofp %convert_element_type3A_110 : vector<1024x208xi32> to vector<1024x208xf32>
    %add3A_124 = arith.constant 5.000000e-01 : f32
    %add3A_125 = vector.broadcast %add3A_124 : f32 to vector<1024x208xf32>
    %add3A_126 = arith.addf %convert_element_type3A_123, %add3A_125 : vector<1024x208xf32>
    %mul3A_127 = vector.broadcast %div3A_78 : vector<1024x1xf32> to vector<1024x208xf32>
    %mul3A_128 = arith.mulf %add3A_126, %mul3A_127 : vector<1024x208xf32>
    %add3A_129 = vector.broadcast %sub3A_66 : vector<1024x1xf32> to vector<1024x208xf32>
    %add3A_130 = arith.addf %add3A_129, %mul3A_128 : vector<1024x208xf32>
    %gt3A = arith.constant -1.000000e+00 : f32
    %gt3A_131 = vector.broadcast %gt3A : f32 to vector<1024x208xf32>
    %gt3A_132 = arith.cmpf ogt, %add3A_122, %gt3A_131 : vector<1024x208xf32>
    %lt3A_133 = vector.broadcast %convert_element_type3A_31 : vector<1024x1xf32> to vector<1024x208xf32>
    %lt3A_134 = arith.cmpf olt, %add3A_122, %lt3A_133 : vector<1024x208xf32>
    %and3A_135 = arith.andi %gt3A_132, %lt3A_134 : vector<1024x208xi1>
    %max3A_136 = arith.constant 0.000000e+00 : f32
    %max3A_137 = vector.broadcast %max3A_136 : f32 to vector<1024x208xf32>
    %max3A_138 = arith.maximumf %add3A_122, %max3A_137 : vector<1024x208xf32>
    %floor3A_139 = math.floor %max3A_138 : vector<1024x208xf32>
    %convert_element_type3A_140 = arith.fptosi %floor3A_139 : vector<1024x208xf32> to vector<1024x208xi32>
    %sub3A_141 = arith.constant 1 : i32
    %sub3A_142 = vector.broadcast %sub3A_141 : i32 to vector<1024x1xi32>
    %sub3A_143 = arith.subi %shift_right_arithmetic3A_30, %sub3A_142 : vector<1024x1xi32>
    %min3A_144 = vector.broadcast %sub3A_143 : vector<1024x1xi32> to vector<1024x208xi32>
    %min3A_145 = arith.minsi %convert_element_type3A_140, %min3A_144 : vector<1024x208xi32>
    %sub3A_146 = arith.constant 1 : i32
    %sub3A_147 = vector.broadcast %sub3A_146 : i32 to vector<1024x1xi32>
    %sub3A_148 = arith.subi %shift_right_arithmetic3A_30, %sub3A_147 : vector<1024x1xi32>
    %ge3A_149 = vector.broadcast %sub3A_148 : vector<1024x1xi32> to vector<1024x208xi32>
    %ge3A_150 = arith.cmpi sge, %min3A_145, %ge3A_149 : vector<1024x208xi32>
    %convert_element_type3A_151 = arith.sitofp %min3A_145 : vector<1024x208xi32> to vector<1024x208xf32>
    %sub3A_152 = arith.subf %max3A_138, %convert_element_type3A_151 : vector<1024x208xf32>
    %jit3A_153 = arith.constant 0.000000e+00 : f32
    %broadcast_in_dim3A_154 = vector.broadcast %jit3A_153 : f32 to vector<1024x208xf32>
    %select_n3A_155 = arith.select %ge3A_150, %broadcast_in_dim3A_154, %sub3A_152 : vector<1024x208xi1>, vector<1024x208xf32>
    %gt3A_156 = arith.constant -1.000000e+00 : f32
    %gt3A_157 = vector.broadcast %gt3A_156 : f32 to vector<1024x208xf32>
    %gt3A_158 = arith.cmpf ogt, %add3A_130, %gt3A_157 : vector<1024x208xf32>
    %lt3A_159 = vector.broadcast %convert_element_type3A_31 : vector<1024x1xf32> to vector<1024x208xf32>
    %lt3A_160 = arith.cmpf olt, %add3A_130, %lt3A_159 : vector<1024x208xf32>
    %and3A_161 = arith.andi %gt3A_158, %lt3A_160 : vector<1024x208xi1>
    %max3A_162 = arith.constant 0.000000e+00 : f32
    %max3A_163 = vector.broadcast %max3A_162 : f32 to vector<1024x208xf32>
    %max3A_164 = arith.maximumf %add3A_130, %max3A_163 : vector<1024x208xf32>
    %floor3A_165 = math.floor %max3A_164 : vector<1024x208xf32>
    %convert_element_type3A_166 = arith.fptosi %floor3A_165 : vector<1024x208xf32> to vector<1024x208xi32>
    %sub3A_167 = arith.constant 1 : i32
    %sub3A_168 = vector.broadcast %sub3A_167 : i32 to vector<1024x1xi32>
    %sub3A_169 = arith.subi %shift_right_arithmetic3A_30, %sub3A_168 : vector<1024x1xi32>
    %min3A_170 = vector.broadcast %sub3A_169 : vector<1024x1xi32> to vector<1024x208xi32>
    %min3A_171 = arith.minsi %convert_element_type3A_166, %min3A_170 : vector<1024x208xi32>
    %sub3A_172 = arith.constant 1 : i32
    %sub3A_173 = vector.broadcast %sub3A_172 : i32 to vector<1024x1xi32>
    %sub3A_174 = arith.subi %shift_right_arithmetic3A_30, %sub3A_173 : vector<1024x1xi32>
    %ge3A_175 = vector.broadcast %sub3A_174 : vector<1024x1xi32> to vector<1024x208xi32>
    %ge3A_176 = arith.cmpi sge, %min3A_171, %ge3A_175 : vector<1024x208xi32>
    %convert_element_type3A_177 = arith.sitofp %min3A_171 : vector<1024x208xi32> to vector<1024x208xf32>
    %sub3A_178 = arith.subf %max3A_164, %convert_element_type3A_177 : vector<1024x208xf32>
    %jit3A_179 = arith.constant 0.000000e+00 : f32
    %broadcast_in_dim3A_180 = vector.broadcast %jit3A_179 : f32 to vector<1024x208xf32>
    %select_n3A_181 = arith.select %ge3A_176, %broadcast_in_dim3A_180, %sub3A_178 : vector<1024x208xi1>, vector<1024x208xf32>
    %and3A_182 = arith.constant 1 : i32
    %and3A_183 = vector.broadcast %and3A_182 : i32 to vector<1024x208xi32>
    %and3A_184 = arith.andi %and3A_93, %and3A_183 : vector<1024x208xi32>
    %shift_right_arithmetic3A_185 = arith.constant 1 : i32
    %shift_right_arithmetic3A_186 = vector.broadcast %shift_right_arithmetic3A_185 : i32 to vector<1024x208xi32>
    %shift_right_arithmetic3A_187 = arith.shrsi %and3A_93, %shift_right_arithmetic3A_186 : vector<1024x208xi32>
    %eq3A_188 = arith.constant 1 : i32
    %eq3A_189 = vector.broadcast %eq3A_188 : i32 to vector<1024x208xi32>
    %eq3A_190 = arith.cmpi eq, %and3A_184, %eq3A_189 : vector<1024x208xi32>
    %sub3A_191 = arith.constant 1.000000e+00 : f32
    %sub3A_192 = vector.broadcast %sub3A_191 : f32 to vector<1024x208xf32>
    %sub3A_193 = arith.subf %sub3A_192, %select_n3A_155 : vector<1024x208xf32>
    %select_n3A_194 = arith.select %eq3A_190, %select_n3A_155, %sub3A_193 : vector<1024x208xi1>, vector<1024x208xf32>
    %jit3A_195 = arith.constant 0.000000e+00 : f32
    %broadcast_in_dim3A_196 = vector.broadcast %jit3A_195 : f32 to vector<1024x208xf32>
    %select_n3A_197 = arith.select %and3A_135, %select_n3A_194, %broadcast_in_dim3A_196 : vector<1024x208xi1>, vector<1024x208xf32>
    %eq3A_198 = arith.constant 1 : i32
    %eq3A_199 = vector.broadcast %eq3A_198 : i32 to vector<1024x208xi32>
    %eq3A_200 = arith.cmpi eq, %shift_right_arithmetic3A_187, %eq3A_199 : vector<1024x208xi32>
    %sub3A_201 = arith.constant 1.000000e+00 : f32
    %sub3A_202 = vector.broadcast %sub3A_201 : f32 to vector<1024x208xf32>
    %sub3A_203 = arith.subf %sub3A_202, %select_n3A_181 : vector<1024x208xf32>
    %select_n3A_204 = arith.select %eq3A_200, %select_n3A_181, %sub3A_203 : vector<1024x208xi1>, vector<1024x208xf32>
    %jit3A_205 = arith.constant 0.000000e+00 : f32
    %broadcast_in_dim3A_206 = vector.broadcast %jit3A_205 : f32 to vector<1024x208xf32>
    %select_n3A_207 = arith.select %and3A_161, %select_n3A_204, %broadcast_in_dim3A_206 : vector<1024x208xi1>, vector<1024x208xf32>
    %mul3A_208 = arith.mulf %select_n3A_197, %select_n3A_207 : vector<1024x208xf32>
    %jit3A_209 = arith.constant 0.000000e+00 : f32
    %broadcast_in_dim3A_210 = vector.broadcast %jit3A_209 : f32 to vector<1024x208xf32>
    %select_n3A_211 = arith.select %lt3A, %mul3A_208, %broadcast_in_dim3A_210 : vector<1024x208xi1>, vector<1024x208xf32>
    %swap3A = arith.constant 0 : index
    %swap3A_212 = arith.constant 0 : index
    %swap3A_213 = vector.load %arg2[%swap3A, %swap3A_212] : memref<1024x208xf32, #tpu.memory_space<vmem>>, vector<1024x208xf32>
    tpu.vector_store %arg2[%swap3A, %swap3A_212], %select_n3A_211 {strides = array<i32>} : memref<1024x208xf32, #tpu.memory_space<vmem>>, vector<1024x208xf32>,
    %iota3A_214 = tpu.iota {dimensions = array<i32: 1>} : vector<1024x104xi32>
    %shift_right_arithmetic3A_215 = arith.constant 1 : i32
    %shift_right_arithmetic3A_216 = vector.broadcast %shift_right_arithmetic3A_215 : i32 to vector<1024x104xi32>
    %shift_right_arithmetic3A_217 = arith.shrsi %iota3A_214, %shift_right_arithmetic3A_216 : vector<1024x104xi32>
    %and3A_218 = arith.constant 1 : i32
    %and3A_219 = vector.broadcast %and3A_218 : i32 to vector<1024x104xi32>
    %and3A_220 = arith.andi %iota3A_214, %and3A_219 : vector<1024x104xi32>
    %lt3A_221 = arith.constant 98 : i32
    %lt3A_222 = vector.broadcast %lt3A_221 : i32 to vector<1024x104xi32>
    %lt3A_223 = arith.cmpi slt, %iota3A_214, %lt3A_222 : vector<1024x104xi32>
    %convert_element_type3A_224 = arith.sitofp %shift_right_arithmetic3A_217 : vector<1024x104xi32> to vector<1024x104xf32>
    %mul3A_225 = arith.constant 0.142858148 : f32
    %mul3A_226 = vector.broadcast %mul3A_225 : f32 to vector<1024x104xf32>
    %mul3A_227 = arith.mulf %convert_element_type3A_224, %mul3A_226 : vector<1024x104xf32>
    %floor3A_228 = math.floor %mul3A_227 : vector<1024x104xf32>
    %convert_element_type3A_229 = arith.fptosi %floor3A_228 : vector<1024x104xf32> to vector<1024x104xi32>
    %mul3A_230 = arith.constant 7 : i32
    %mul3A_231 = vector.broadcast %mul3A_230 : i32 to vector<1024x104xi32>
    %mul3A_232 = arith.muli %mul3A_231, %convert_element_type3A_229 : vector<1024x104xi32>
    %sub3A_233 = arith.subi %shift_right_arithmetic3A_217, %mul3A_232 : vector<1024x104xi32>
    %convert_element_type3A_234 = arith.sitofp %sub3A_233 : vector<1024x104xi32> to vector<1024x104xf32>
    %add3A_235 = arith.constant 5.000000e-01 : f32
    %add3A_236 = vector.broadcast %add3A_235 : f32 to vector<1024x104xf32>
    %add3A_237 = arith.addf %convert_element_type3A_234, %add3A_236 : vector<1024x104xf32>
    %mul3A_238 = vector.broadcast %div3A_74 : vector<1024x1xf32> to vector<1024x104xf32>
    %mul3A_239 = arith.mulf %add3A_237, %mul3A_238 : vector<1024x104xf32>
    %add3A_240 = vector.broadcast %sub3A_58 : vector<1024x1xf32> to vector<1024x104xf32>
    %add3A_241 = arith.addf %add3A_240, %mul3A_239 : vector<1024x104xf32>
    %convert_element_type3A_242 = arith.sitofp %convert_element_type3A_229 : vector<1024x104xi32> to vector<1024x104xf32>
    %add3A_243 = arith.constant 5.000000e-01 : f32
    %add3A_244 = vector.broadcast %add3A_243 : f32 to vector<1024x104xf32>
    %add3A_245 = arith.addf %convert_element_type3A_242, %add3A_244 : vector<1024x104xf32>
    %mul3A_246 = vector.broadcast %div3A_78 : vector<1024x1xf32> to vector<1024x104xf32>
    %mul3A_247 = arith.mulf %add3A_245, %mul3A_246 : vector<1024x104xf32>
    %add3A_248 = vector.broadcast %sub3A_66 : vector<1024x1xf32> to vector<1024x104xf32>
    %add3A_249 = arith.addf %add3A_248, %mul3A_247 : vector<1024x104xf32>
    %max3A_250 = arith.constant 0.000000e+00 : f32
    %max3A_251 = vector.broadcast %max3A_250 : f32 to vector<1024x104xf32>
    %max3A_252 = arith.maximumf %add3A_241, %max3A_251 : vector<1024x104xf32>
    %floor3A_253 = math.floor %max3A_252 : vector<1024x104xf32>
    %convert_element_type3A_254 = arith.fptosi %floor3A_253 : vector<1024x104xf32> to vector<1024x104xi32>
    %sub3A_255 = arith.constant 1 : i32
    %sub3A_256 = vector.broadcast %sub3A_255 : i32 to vector<1024x1xi32>
    %sub3A_257 = arith.subi %shift_right_arithmetic3A_30, %sub3A_256 : vector<1024x1xi32>
    %min3A_258 = vector.broadcast %sub3A_257 : vector<1024x1xi32> to vector<1024x104xi32>
    %min3A_259 = arith.minsi %convert_element_type3A_254, %min3A_258 : vector<1024x104xi32>
    %max3A_260 = arith.constant 0.000000e+00 : f32
    %max3A_261 = vector.broadcast %max3A_260 : f32 to vector<1024x104xf32>
    %max3A_262 = arith.maximumf %add3A_249, %max3A_261 : vector<1024x104xf32>
    %floor3A_263 = math.floor %max3A_262 : vector<1024x104xf32>
    %convert_element_type3A_264 = arith.fptosi %floor3A_263 : vector<1024x104xf32> to vector<1024x104xi32>
    %sub3A_265 = arith.constant 1 : i32
    %sub3A_266 = vector.broadcast %sub3A_265 : i32 to vector<1024x1xi32>
    %sub3A_267 = arith.subi %shift_right_arithmetic3A_30, %sub3A_266 : vector<1024x1xi32>
    %min3A_268 = vector.broadcast %sub3A_267 : vector<1024x1xi32> to vector<1024x104xi32>
    %min3A_269 = arith.minsi %convert_element_type3A_264, %min3A_268 : vector<1024x104xi32>
    %eq3A_270 = arith.constant 1 : i32
    %eq3A_271 = vector.broadcast %eq3A_270 : i32 to vector<1024x104xi32>
    %eq3A_272 = arith.cmpi eq, %and3A_220, %eq3A_271 : vector<1024x104xi32>
    %add3A_273 = arith.constant 1 : i32
    %add3A_274 = vector.broadcast %add3A_273 : i32 to vector<1024x104xi32>
    %add3A_275 = arith.addi %min3A_269, %add3A_274 : vector<1024x104xi32>
    %sub3A_276 = arith.constant 1 : i32
    %sub3A_277 = vector.broadcast %sub3A_276 : i32 to vector<1024x1xi32>
    %sub3A_278 = arith.subi %shift_right_arithmetic3A_30, %sub3A_277 : vector<1024x1xi32>
    %min3A_279 = vector.broadcast %sub3A_278 : vector<1024x1xi32> to vector<1024x104xi32>
    %min3A_280 = arith.minsi %add3A_275, %min3A_279 : vector<1024x104xi32>
    %select_n3A_281 = arith.select %eq3A_272, %min3A_280, %min3A_269 : vector<1024x104xi1>, vector<1024x104xi32>
    %add3A_282 = arith.constant 8 : i32
    %add3A_283 = vector.broadcast %add3A_282 : i32 to vector<1024x1xi32>
    %add3A_284 = arith.addi %add3A_283, %add3A_54 : vector<1024x1xi32>
    %mul3A_285 = vector.broadcast %shift_right_arithmetic3A_30 : vector<1024x1xi32> to vector<1024x104xi32>
    %mul3A_286 = arith.muli %select_n3A_281, %mul3A_285 : vector<1024x104xi32>
    %add3A_287 = vector.broadcast %add3A_284 : vector<1024x1xi32> to vector<1024x104xi32>
    %add3A_288 = arith.addi %add3A_287, %mul3A_286 : vector<1024x104xi32>
    %add3A_289 = arith.addi %add3A_288, %min3A_259 : vector<1024x104xi32>
    %jit3A_290 = arith.constant 0 : i32
    %broadcast_in_dim3A_291 = vector.broadcast %jit3A_290 : i32 to vector<1024x104xi32>
    %select_n3A_292 = arith.select %lt3A_223, %add3A_289, %broadcast_in_dim3A_291 : vector<1024x104xi1>, vector<1024x104xi32>
    %swap3A_293 = arith.constant 0 : index
    %swap3A_294 = arith.constant 0 : index
    %swap3A_295 = vector.load %arg1[%swap3A_293, %swap3A_294] : memref<1024x104xi32, #tpu.memory_space<vmem>>, vector<1024x104xi32>
    tpu.vector_store %arg1[%swap3A_293, %swap3A_294], %select_n3A_292 {strides = array<i32>} : memref<1024x104xi32, #tpu.memory_space<vmem>>, vector<1024x104xi32>,
    return
  }
}

module attributes {stable_mosaic.version = 14 : i64} {
  func.func @body(%arg0: i32, %arg1: i32, %arg2: memref<174088x512xf32, #tpu.memory_space<hbm>>, %arg3: memref<1x256x16x128xf32, #tpu.memory_space<vmem>>, %arg4: memref<174088x512xf32, #tpu.memory_space<hbm>>, %arg5: memref<2048x256xf32, #tpu.memory_space<vmem>>, %arg6: memref<2048x256xf32, #tpu.memory_space<vmem>>, %arg7: memref<2048x256xf32, #tpu.memory_space<vmem>>, %arg8: memref<2048x256xf32, #tpu.memory_space<vmem>>, %arg9: memref<1x256xf32, #tpu.memory_space<vmem>>, %arg10: memref<!tpu.dma_semaphore, #tpu.memory_space<semaphore_mem>>, %arg11: memref<!tpu.dma_semaphore, #tpu.memory_space<semaphore_mem>>) attributes {dimension_semantics = [#tpu.dimension_semantics<arbitrary>, #tpu.dimension_semantics<arbitrary>], iteration_bounds = array<i64: 2, 8>, scalar_prefetch = 0 : i64, scratch_operands = 7 : i64, tpu.core_type = #tpu.core_type<tc>, window_params = [{}, {transform_indices = @transform_1, window_bounds = array<i64: 1, 256, 16, 128>}, {}]} {
    %sub3A = arith.constant 7 : i32
    %sub3A_0 = arith.subi %sub3A, %arg1 : i32
    %mul3A = arith.constant 8 : i32
    %mul3A_1 = arith.muli %arg0, %mul3A : i32
    %add3A = arith.addi %mul3A_1, %arg1 : i32
    %rem3A = arith.constant 2 : i32
    %rem3A_2 = arith.remsi %add3A, %rem3A : i32
    %mul3A_3 = arith.constant 16384 : i32
    %mul3A_4 = arith.muli %arg0, %mul3A_3 : i32
    %add3A_5 = arith.constant 131080 : i32
    %add3A_6 = arith.addi %add3A_5, %mul3A_4 : i32
    %mul3A_7 = arith.constant 2048 : i32
    %mul3A_8 = arith.muli %sub3A_0, %mul3A_7 : i32
    %add3A_9 = arith.addi %add3A_6, %mul3A_8 : i32
    %eq3A = arith.constant 0 : i32
    %eq3A_10 = arith.cmpi eq, %rem3A_2, %eq3A : i32
    %convert_element_type3A = arith.extui %eq3A_10 : i1 to i32
    %cond3A = arith.constant 0 : i32
    %cond3A_11 = arith.cmpi ne, %convert_element_type3A, %cond3A : i32
    scf.if %cond3A_11 {
      %ge3A = arith.constant 2 : i32
      %ge3A_22 = arith.cmpi sge, %add3A, %ge3A : i32
      %convert_element_type3A_23 = arith.extui %ge3A_22 : i1 to i32
      %cond3A_24 = arith.constant 0 : i32
      %cond3A_25 = arith.cmpi ne, %convert_element_type3A_23, %cond3A_24 : i32
      scf.if %cond3A_25 {
        %dma_wait3A = arith.constant 0 : i32
        %dma_wait3A_98 = arith.constant 0 : i32
        %dma_wait3A_99 = tpu.memref_slice %arg4[%dma_wait3A, %dma_wait3A_98] : memref<174088x512xf32, #tpu.memory_space<hbm>> -> memref<2048x256xf32, #tpu.memory_space<hbm>>
        tpu.wait_dma2 semaphore(%arg10 : memref<!tpu.dma_semaphore, #tpu.memory_space<semaphore_mem>>) src(%arg5 : memref<2048x256xf32, #tpu.memory_space<vmem>>) dst(%dma_wait3A_99 : memref<2048x256xf32, #tpu.memory_space<hbm>>)
        %dma_wait3A_100 = arith.constant 0 : i32
        %dma_wait3A_101 = arith.constant 0 : i32
        %dma_wait3A_102 = tpu.memref_slice %arg4[%dma_wait3A_100, %dma_wait3A_101] : memref<174088x512xf32, #tpu.memory_space<hbm>> -> memref<2048x256xf32, #tpu.memory_space<hbm>>
        tpu.wait_dma2 semaphore(%arg10 : memref<!tpu.dma_semaphore, #tpu.memory_space<semaphore_mem>>) src(%arg5 : memref<2048x256xf32, #tpu.memory_space<vmem>>) dst(%dma_wait3A_102 : memref<2048x256xf32, #tpu.memory_space<hbm>>)
      } else {
      }
      %get3A = arith.constant 0 : index
      %get3A_26 = arith.constant 0 : index
      %get3A_27 = arith.constant 0 : index
      %get3A_28 = arith.constant 0 : index
      %get3A_29 = vector.load %arg3[%get3A, %get3A_26, %get3A_27, %get3A_28] : memref<1x256x16x128xf32, #tpu.memory_space<vmem>>, vector<1x256x16x128xf32>
      %squeeze3A = vector.shape_cast %get3A_29 : vector<1x256x16x128xf32> to vector<256x16x128xf32>
      %slice3A = vector.extract_strided_slice %squeeze3A {offsets = [0, 0, 0], sizes = [256, 1, 128], strides = [1, 1, 1]} : vector<256x16x128xf32> to vector<256x1x128xf32>
      %squeeze3A_30 = vector.shape_cast %slice3A : vector<256x1x128xf32> to vector<256x128xf32>
      %transpose3A = tpu.transpose %squeeze3A_30, [1, 0] : vector<256x128xf32> -> vector<128x256xf32>
      %slice3A_31 = vector.extract_strided_slice %squeeze3A {offsets = [0, 1, 0], sizes = [256, 1, 128], strides = [1, 1, 1]} : vector<256x16x128xf32> to vector<256x1x128xf32>
      %squeeze3A_32 = vector.shape_cast %slice3A_31 : vector<256x1x128xf32> to vector<256x128xf32>
      %transpose3A_33 = tpu.transpose %squeeze3A_32, [1, 0] : vector<256x128xf32> -> vector<128x256xf32>
      %slice3A_34 = vector.extract_strided_slice %squeeze3A {offsets = [0, 2, 0], sizes = [256, 1, 128], strides = [1, 1, 1]} : vector<256x16x128xf32> to vector<256x1x128xf32>
      %squeeze3A_35 = vector.shape_cast %slice3A_34 : vector<256x1x128xf32> to vector<256x128xf32>
      %transpose3A_36 = tpu.transpose %squeeze3A_35, [1, 0] : vector<256x128xf32> -> vector<128x256xf32>
      %slice3A_37 = vector.extract_strided_slice %squeeze3A {offsets = [0, 3, 0], sizes = [256, 1, 128], strides = [1, 1, 1]} : vector<256x16x128xf32> to vector<256x1x128xf32>
      %squeeze3A_38 = vector.shape_cast %slice3A_37 : vector<256x1x128xf32> to vector<256x128xf32>
      %transpose3A_39 = tpu.transpose %squeeze3A_38, [1, 0] : vector<256x128xf32> -> vector<128x256xf32>
      %slice3A_40 = vector.extract_strided_slice %squeeze3A {offsets = [0, 4, 0], sizes = [256, 1, 128], strides = [1, 1, 1]} : vector<256x16x128xf32> to vector<256x1x128xf32>
      %squeeze3A_41 = vector.shape_cast %slice3A_40 : vector<256x1x128xf32> to vector<256x128xf32>
      %transpose3A_42 = tpu.transpose %squeeze3A_41, [1, 0] : vector<256x128xf32> -> vector<128x256xf32>
      %slice3A_43 = vector.extract_strided_slice %squeeze3A {offsets = [0, 5, 0], sizes = [256, 1, 128], strides = [1, 1, 1]} : vector<256x16x128xf32> to vector<256x1x128xf32>
      %squeeze3A_44 = vector.shape_cast %slice3A_43 : vector<256x1x128xf32> to vector<256x128xf32>
      %transpose3A_45 = tpu.transpose %squeeze3A_44, [1, 0] : vector<256x128xf32> -> vector<128x256xf32>
      %slice3A_46 = vector.extract_strided_slice %squeeze3A {offsets = [0, 6, 0], sizes = [256, 1, 128], strides = [1, 1, 1]} : vector<256x16x128xf32> to vector<256x1x128xf32>
      %squeeze3A_47 = vector.shape_cast %slice3A_46 : vector<256x1x128xf32> to vector<256x128xf32>
      %transpose3A_48 = tpu.transpose %squeeze3A_47, [1, 0] : vector<256x128xf32> -> vector<128x256xf32>
      %slice3A_49 = vector.extract_strided_slice %squeeze3A {offsets = [0, 7, 0], sizes = [256, 1, 128], strides = [1, 1, 1]} : vector<256x16x128xf32> to vector<256x1x128xf32>
      %squeeze3A_50 = vector.shape_cast %slice3A_49 : vector<256x1x128xf32> to vector<256x128xf32>
      %transpose3A_51 = tpu.transpose %squeeze3A_50, [1, 0] : vector<256x128xf32> -> vector<128x256xf32>
      %slice3A_52 = vector.extract_strided_slice %squeeze3A {offsets = [0, 8, 0], sizes = [256, 1, 128], strides = [1, 1, 1]} : vector<256x16x128xf32> to vector<256x1x128xf32>
      %squeeze3A_53 = vector.shape_cast %slice3A_52 : vector<256x1x128xf32> to vector<256x128xf32>
      %transpose3A_54 = tpu.transpose %squeeze3A_53, [1, 0] : vector<256x128xf32> -> vector<128x256xf32>
      %slice3A_55 = vector.extract_strided_slice %squeeze3A {offsets = [0, 9, 0], sizes = [256, 1, 128], strides = [1, 1, 1]} : vector<256x16x128xf32> to vector<256x1x128xf32>
      %squeeze3A_56 = vector.shape_cast %slice3A_55 : vector<256x1x128xf32> to vector<256x128xf32>
      %transpose3A_57 = tpu.transpose %squeeze3A_56, [1, 0] : vector<256x128xf32> -> vector<128x256xf32>
      %slice3A_58 = vector.extract_strided_slice %squeeze3A {offsets = [0, 10, 0], sizes = [256, 1, 128], strides = [1, 1, 1]} : vector<256x16x128xf32> to vector<256x1x128xf32>
      %squeeze3A_59 = vector.shape_cast %slice3A_58 : vector<256x1x128xf32> to vector<256x128xf32>
      %transpose3A_60 = tpu.transpose %squeeze3A_59, [1, 0] : vector<256x128xf32> -> vector<128x256xf32>
      %slice3A_61 = vector.extract_strided_slice %squeeze3A {offsets = [0, 11, 0], sizes = [256, 1, 128], strides = [1, 1, 1]} : vector<256x16x128xf32> to vector<256x1x128xf32>
      %squeeze3A_62 = vector.shape_cast %slice3A_61 : vector<256x1x128xf32> to vector<256x128xf32>
      %transpose3A_63 = tpu.transpose %squeeze3A_62, [1, 0] : vector<256x128xf32> -> vector<128x256xf32>
      %slice3A_64 = vector.extract_strided_slice %squeeze3A {offsets = [0, 12, 0], sizes = [256, 1, 128], strides = [1, 1, 1]} : vector<256x16x128xf32> to vector<256x1x128xf32>
      %squeeze3A_65 = vector.shape_cast %slice3A_64 : vector<256x1x128xf32> to vector<256x128xf32>
      %transpose3A_66 = tpu.transpose %squeeze3A_65, [1, 0] : vector<256x128xf32> -> vector<128x256xf32>
      %slice3A_67 = vector.extract_strided_slice %squeeze3A {offsets = [0, 13, 0], sizes = [256, 1, 128], strides = [1, 1, 1]} : vector<256x16x128xf32> to vector<256x1x128xf32>
      %squeeze3A_68 = vector.shape_cast %slice3A_67 : vector<256x1x128xf32> to vector<256x128xf32>
      %transpose3A_69 = tpu.transpose %squeeze3A_68, [1, 0] : vector<256x128xf32> -> vector<128x256xf32>
      %slice3A_70 = vector.extract_strided_slice %squeeze3A {offsets = [0, 14, 0], sizes = [256, 1, 128], strides = [1, 1, 1]} : vector<256x16x128xf32> to vector<256x1x128xf32>
      %squeeze3A_71 = vector.shape_cast %slice3A_70 : vector<256x1x128xf32> to vector<256x128xf32>
      %transpose3A_72 = tpu.transpose %squeeze3A_71, [1, 0] : vector<256x128xf32> -> vector<128x256xf32>
      %slice3A_73 = vector.extract_strided_slice %squeeze3A {offsets = [0, 15, 0], sizes = [256, 1, 128], strides = [1, 1, 1]} : vector<256x16x128xf32> to vector<256x1x128xf32>
      %squeeze3A_74 = vector.shape_cast %slice3A_73 : vector<256x1x128xf32> to vector<256x128xf32>
      %transpose3A_75 = tpu.transpose %squeeze3A_74, [1, 0] : vector<256x128xf32> -> vector<128x256xf32>
      %concatenate3A = tpu.concatenate %transpose3A, %transpose3A_33, %transpose3A_36, %transpose3A_39, %transpose3A_42, %transpose3A_45, %transpose3A_48, %transpose3A_51, %transpose3A_54, %transpose3A_57, %transpose3A_60, %transpose3A_63, %transpose3A_66, %transpose3A_69, %transpose3A_72, %transpose3A_75 in 0 : vector<128x256xf32>, vector<128x256xf32>, vector<128x256xf32>, vector<128x256xf32>, vector<128x256xf32>, vector<128x256xf32>, vector<128x256xf32>, vector<128x256xf32>, vector<128x256xf32>, vector<128x256xf32>, vector<128x256xf32>, vector<128x256xf32>, vector<128x256xf32>, vector<128x256xf32>, vector<128x256xf32>, vector<128x256xf32> -> vector<2048x256xf32>
      %swap3A = arith.constant 0 : index
      %swap3A_76 = arith.constant 0 : index
      %swap3A_77 = vector.load %arg5[%swap3A, %swap3A_76] : memref<2048x256xf32, #tpu.memory_space<vmem>>, vector<2048x256xf32>
      tpu.vector_store %arg5[%swap3A, %swap3A_76], %concatenate3A {strides = array<i32>} : memref<2048x256xf32, #tpu.memory_space<vmem>>, vector<2048x256xf32>,
      %slice3A_78 = vector.extract_strided_slice %concatenate3A {offsets = [1, 0], sizes = [2047, 256], strides = [1, 1]} : vector<2048x256xf32> to vector<2047x256xf32>
      %swap3A_79 = arith.constant 0 : index
      %swap3A_80 = arith.constant 0 : index
      %swap3A_81 = vector.load %arg7[%swap3A_79, %swap3A_80] : memref<2048x256xf32, #tpu.memory_space<vmem>>, vector<2047x256xf32>
      tpu.vector_store %arg7[%swap3A_79, %swap3A_80], %slice3A_78 {strides = array<i32>} : memref<2048x256xf32, #tpu.memory_space<vmem>>, vector<2047x256xf32>,
      %eq3A_82 = arith.constant 0 : i32
      %eq3A_83 = arith.cmpi eq, %arg1, %eq3A_82 : i32
      %convert_element_type3A_84 = arith.extui %eq3A_83 : i1 to i32
      %cond3A_85 = arith.constant 0 : i32
      %cond3A_86 = arith.cmpi ne, %convert_element_type3A_84, %cond3A_85 : i32
      scf.if %cond3A_86 {
        %slice3A_98 = vector.extract_strided_slice %concatenate3A {offsets = [2047, 0], sizes = [1, 256], strides = [1, 1]} : vector<2048x256xf32> to vector<1x256xf32>
        %swap3A_99 = arith.constant 2047 : index
        %swap3A_100 = arith.constant 0 : index
        %swap3A_101 = vector.load %arg7[%swap3A_99, %swap3A_100] : memref<2048x256xf32, #tpu.memory_space<vmem>>, vector<1x256xf32>
        tpu.vector_store %arg7[%swap3A_99, %swap3A_100], %slice3A_98 {strides = array<i32>} : memref<2048x256xf32, #tpu.memory_space<vmem>>, vector<1x256xf32>,
      } else {
      }
      %ne3A = arith.constant 0 : i32
      %ne3A_87 = arith.cmpi ne, %arg1, %ne3A : i32
      %convert_element_type3A_88 = arith.extui %ne3A_87 : i1 to i32
      %cond3A_89 = arith.constant 0 : i32
      %cond3A_90 = arith.cmpi ne, %convert_element_type3A_88, %cond3A_89 : i32
      scf.if %cond3A_90 {
        %get3A_98 = arith.constant 0 : index
        %get3A_99 = arith.constant 0 : index
        %get3A_100 = vector.load %arg9[%get3A_98, %get3A_99] : memref<1x256xf32, #tpu.memory_space<vmem>>, vector<1x256xf32>
        %swap3A_101 = arith.constant 2047 : index
        %swap3A_102 = arith.constant 0 : index
        %swap3A_103 = vector.load %arg7[%swap3A_101, %swap3A_102] : memref<2048x256xf32, #tpu.memory_space<vmem>>, vector<1x256xf32>
        tpu.vector_store %arg7[%swap3A_101, %swap3A_102], %get3A_100 {strides = array<i32>} : memref<2048x256xf32, #tpu.memory_space<vmem>>, vector<1x256xf32>,
      } else {
      }
      %slice3A_91 = vector.extract_strided_slice %concatenate3A {offsets = [0, 0], sizes = [1, 256], strides = [1, 1]} : vector<2048x256xf32> to vector<1x256xf32>
      %swap3A_92 = arith.constant 0 : index
      %swap3A_93 = arith.constant 0 : index
      %swap3A_94 = vector.load %arg9[%swap3A_92, %swap3A_93] : memref<1x256xf32, #tpu.memory_space<vmem>>, vector<1x256xf32>
      tpu.vector_store %arg9[%swap3A_92, %swap3A_93], %slice3A_91 {strides = array<i32>} : memref<1x256xf32, #tpu.memory_space<vmem>>, vector<1x256xf32>,
      %dma_start3A = arith.constant 0 : i32
      %dma_start3A_95 = tpu.memref_slice %arg4[%add3A_9, %dma_start3A] : memref<174088x512xf32, #tpu.memory_space<hbm>> -> memref<2048x256xf32, #tpu.memory_space<hbm>>
      tpu.enqueue_dma source(%arg5 : memref<2048x256xf32, #tpu.memory_space<vmem>>) target(%dma_start3A_95 : memref<2048x256xf32, #tpu.memory_space<hbm>>) target_semaphore(%arg10 : memref<!tpu.dma_semaphore, #tpu.memory_space<semaphore_mem>>)
      %dma_start3A_96 = arith.constant 256 : i32
      %dma_start3A_97 = tpu.memref_slice %arg4[%add3A_9, %dma_start3A_96] : memref<174088x512xf32, #tpu.memory_space<hbm>> -> memref<2048x256xf32, #tpu.memory_space<hbm>>
      tpu.enqueue_dma source(%arg7 : memref<2048x256xf32, #tpu.memory_space<vmem>>) target(%dma_start3A_97 : memref<2048x256xf32, #tpu.memory_space<hbm>>) target_semaphore(%arg10 : memref<!tpu.dma_semaphore, #tpu.memory_space<semaphore_mem>>)
    } else {
    }
    %eq3A_12 = arith.constant 1 : i32
    %eq3A_13 = arith.cmpi eq, %rem3A_2, %eq3A_12 : i32
    %convert_element_type3A_14 = arith.extui %eq3A_13 : i1 to i32
    %cond3A_15 = arith.constant 0 : i32
    %cond3A_16 = arith.cmpi ne, %convert_element_type3A_14, %cond3A_15 : i32
    scf.if %cond3A_16 {
      %ge3A = arith.constant 2 : i32
      %ge3A_22 = arith.cmpi sge, %add3A, %ge3A : i32
      %convert_element_type3A_23 = arith.extui %ge3A_22 : i1 to i32
      %cond3A_24 = arith.constant 0 : i32
      %cond3A_25 = arith.cmpi ne, %convert_element_type3A_23, %cond3A_24 : i32
      scf.if %cond3A_25 {
        %dma_wait3A = arith.constant 0 : i32
        %dma_wait3A_98 = arith.constant 0 : i32
        %dma_wait3A_99 = tpu.memref_slice %arg4[%dma_wait3A, %dma_wait3A_98] : memref<174088x512xf32, #tpu.memory_space<hbm>> -> memref<2048x256xf32, #tpu.memory_space<hbm>>
        tpu.wait_dma2 semaphore(%arg11 : memref<!tpu.dma_semaphore, #tpu.memory_space<semaphore_mem>>) src(%arg5 : memref<2048x256xf32, #tpu.memory_space<vmem>>) dst(%dma_wait3A_99 : memref<2048x256xf32, #tpu.memory_space<hbm>>)
        %dma_wait3A_100 = arith.constant 0 : i32
        %dma_wait3A_101 = arith.constant 0 : i32
        %dma_wait3A_102 = tpu.memref_slice %arg4[%dma_wait3A_100, %dma_wait3A_101] : memref<174088x512xf32, #tpu.memory_space<hbm>> -> memref<2048x256xf32, #tpu.memory_space<hbm>>
        tpu.wait_dma2 semaphore(%arg11 : memref<!tpu.dma_semaphore, #tpu.memory_space<semaphore_mem>>) src(%arg5 : memref<2048x256xf32, #tpu.memory_space<vmem>>) dst(%dma_wait3A_102 : memref<2048x256xf32, #tpu.memory_space<hbm>>)
      } else {
      }
      %get3A = arith.constant 0 : index
      %get3A_26 = arith.constant 0 : index
      %get3A_27 = arith.constant 0 : index
      %get3A_28 = arith.constant 0 : index
      %get3A_29 = vector.load %arg3[%get3A, %get3A_26, %get3A_27, %get3A_28] : memref<1x256x16x128xf32, #tpu.memory_space<vmem>>, vector<1x256x16x128xf32>
      %squeeze3A = vector.shape_cast %get3A_29 : vector<1x256x16x128xf32> to vector<256x16x128xf32>
      %slice3A = vector.extract_strided_slice %squeeze3A {offsets = [0, 0, 0], sizes = [256, 1, 128], strides = [1, 1, 1]} : vector<256x16x128xf32> to vector<256x1x128xf32>
      %squeeze3A_30 = vector.shape_cast %slice3A : vector<256x1x128xf32> to vector<256x128xf32>
      %transpose3A = tpu.transpose %squeeze3A_30, [1, 0] : vector<256x128xf32> -> vector<128x256xf32>
      %slice3A_31 = vector.extract_strided_slice %squeeze3A {offsets = [0, 1, 0], sizes = [256, 1, 128], strides = [1, 1, 1]} : vector<256x16x128xf32> to vector<256x1x128xf32>
      %squeeze3A_32 = vector.shape_cast %slice3A_31 : vector<256x1x128xf32> to vector<256x128xf32>
      %transpose3A_33 = tpu.transpose %squeeze3A_32, [1, 0] : vector<256x128xf32> -> vector<128x256xf32>
      %slice3A_34 = vector.extract_strided_slice %squeeze3A {offsets = [0, 2, 0], sizes = [256, 1, 128], strides = [1, 1, 1]} : vector<256x16x128xf32> to vector<256x1x128xf32>
      %squeeze3A_35 = vector.shape_cast %slice3A_34 : vector<256x1x128xf32> to vector<256x128xf32>
      %transpose3A_36 = tpu.transpose %squeeze3A_35, [1, 0] : vector<256x128xf32> -> vector<128x256xf32>
      %slice3A_37 = vector.extract_strided_slice %squeeze3A {offsets = [0, 3, 0], sizes = [256, 1, 128], strides = [1, 1, 1]} : vector<256x16x128xf32> to vector<256x1x128xf32>
      %squeeze3A_38 = vector.shape_cast %slice3A_37 : vector<256x1x128xf32> to vector<256x128xf32>
      %transpose3A_39 = tpu.transpose %squeeze3A_38, [1, 0] : vector<256x128xf32> -> vector<128x256xf32>
      %slice3A_40 = vector.extract_strided_slice %squeeze3A {offsets = [0, 4, 0], sizes = [256, 1, 128], strides = [1, 1, 1]} : vector<256x16x128xf32> to vector<256x1x128xf32>
      %squeeze3A_41 = vector.shape_cast %slice3A_40 : vector<256x1x128xf32> to vector<256x128xf32>
      %transpose3A_42 = tpu.transpose %squeeze3A_41, [1, 0] : vector<256x128xf32> -> vector<128x256xf32>
      %slice3A_43 = vector.extract_strided_slice %squeeze3A {offsets = [0, 5, 0], sizes = [256, 1, 128], strides = [1, 1, 1]} : vector<256x16x128xf32> to vector<256x1x128xf32>
      %squeeze3A_44 = vector.shape_cast %slice3A_43 : vector<256x1x128xf32> to vector<256x128xf32>
      %transpose3A_45 = tpu.transpose %squeeze3A_44, [1, 0] : vector<256x128xf32> -> vector<128x256xf32>
      %slice3A_46 = vector.extract_strided_slice %squeeze3A {offsets = [0, 6, 0], sizes = [256, 1, 128], strides = [1, 1, 1]} : vector<256x16x128xf32> to vector<256x1x128xf32>
      %squeeze3A_47 = vector.shape_cast %slice3A_46 : vector<256x1x128xf32> to vector<256x128xf32>
      %transpose3A_48 = tpu.transpose %squeeze3A_47, [1, 0] : vector<256x128xf32> -> vector<128x256xf32>
      %slice3A_49 = vector.extract_strided_slice %squeeze3A {offsets = [0, 7, 0], sizes = [256, 1, 128], strides = [1, 1, 1]} : vector<256x16x128xf32> to vector<256x1x128xf32>
      %squeeze3A_50 = vector.shape_cast %slice3A_49 : vector<256x1x128xf32> to vector<256x128xf32>
      %transpose3A_51 = tpu.transpose %squeeze3A_50, [1, 0] : vector<256x128xf32> -> vector<128x256xf32>
      %slice3A_52 = vector.extract_strided_slice %squeeze3A {offsets = [0, 8, 0], sizes = [256, 1, 128], strides = [1, 1, 1]} : vector<256x16x128xf32> to vector<256x1x128xf32>
      %squeeze3A_53 = vector.shape_cast %slice3A_52 : vector<256x1x128xf32> to vector<256x128xf32>
      %transpose3A_54 = tpu.transpose %squeeze3A_53, [1, 0] : vector<256x128xf32> -> vector<128x256xf32>
      %slice3A_55 = vector.extract_strided_slice %squeeze3A {offsets = [0, 9, 0], sizes = [256, 1, 128], strides = [1, 1, 1]} : vector<256x16x128xf32> to vector<256x1x128xf32>
      %squeeze3A_56 = vector.shape_cast %slice3A_55 : vector<256x1x128xf32> to vector<256x128xf32>
      %transpose3A_57 = tpu.transpose %squeeze3A_56, [1, 0] : vector<256x128xf32> -> vector<128x256xf32>
      %slice3A_58 = vector.extract_strided_slice %squeeze3A {offsets = [0, 10, 0], sizes = [256, 1, 128], strides = [1, 1, 1]} : vector<256x16x128xf32> to vector<256x1x128xf32>
      %squeeze3A_59 = vector.shape_cast %slice3A_58 : vector<256x1x128xf32> to vector<256x128xf32>
      %transpose3A_60 = tpu.transpose %squeeze3A_59, [1, 0] : vector<256x128xf32> -> vector<128x256xf32>
      %slice3A_61 = vector.extract_strided_slice %squeeze3A {offsets = [0, 11, 0], sizes = [256, 1, 128], strides = [1, 1, 1]} : vector<256x16x128xf32> to vector<256x1x128xf32>
      %squeeze3A_62 = vector.shape_cast %slice3A_61 : vector<256x1x128xf32> to vector<256x128xf32>
      %transpose3A_63 = tpu.transpose %squeeze3A_62, [1, 0] : vector<256x128xf32> -> vector<128x256xf32>
      %slice3A_64 = vector.extract_strided_slice %squeeze3A {offsets = [0, 12, 0], sizes = [256, 1, 128], strides = [1, 1, 1]} : vector<256x16x128xf32> to vector<256x1x128xf32>
      %squeeze3A_65 = vector.shape_cast %slice3A_64 : vector<256x1x128xf32> to vector<256x128xf32>
      %transpose3A_66 = tpu.transpose %squeeze3A_65, [1, 0] : vector<256x128xf32> -> vector<128x256xf32>
      %slice3A_67 = vector.extract_strided_slice %squeeze3A {offsets = [0, 13, 0], sizes = [256, 1, 128], strides = [1, 1, 1]} : vector<256x16x128xf32> to vector<256x1x128xf32>
      %squeeze3A_68 = vector.shape_cast %slice3A_67 : vector<256x1x128xf32> to vector<256x128xf32>
      %transpose3A_69 = tpu.transpose %squeeze3A_68, [1, 0] : vector<256x128xf32> -> vector<128x256xf32>
      %slice3A_70 = vector.extract_strided_slice %squeeze3A {offsets = [0, 14, 0], sizes = [256, 1, 128], strides = [1, 1, 1]} : vector<256x16x128xf32> to vector<256x1x128xf32>
      %squeeze3A_71 = vector.shape_cast %slice3A_70 : vector<256x1x128xf32> to vector<256x128xf32>
      %transpose3A_72 = tpu.transpose %squeeze3A_71, [1, 0] : vector<256x128xf32> -> vector<128x256xf32>
      %slice3A_73 = vector.extract_strided_slice %squeeze3A {offsets = [0, 15, 0], sizes = [256, 1, 128], strides = [1, 1, 1]} : vector<256x16x128xf32> to vector<256x1x128xf32>
      %squeeze3A_74 = vector.shape_cast %slice3A_73 : vector<256x1x128xf32> to vector<256x128xf32>
      %transpose3A_75 = tpu.transpose %squeeze3A_74, [1, 0] : vector<256x128xf32> -> vector<128x256xf32>
      %concatenate3A = tpu.concatenate %transpose3A, %transpose3A_33, %transpose3A_36, %transpose3A_39, %transpose3A_42, %transpose3A_45, %transpose3A_48, %transpose3A_51, %transpose3A_54, %transpose3A_57, %transpose3A_60, %transpose3A_63, %transpose3A_66, %transpose3A_69, %transpose3A_72, %transpose3A_75 in 0 : vector<128x256xf32>, vector<128x256xf32>, vector<128x256xf32>, vector<128x256xf32>, vector<128x256xf32>, vector<128x256xf32>, vector<128x256xf32>, vector<128x256xf32>, vector<128x256xf32>, vector<128x256xf32>, vector<128x256xf32>, vector<128x256xf32>, vector<128x256xf32>, vector<128x256xf32>, vector<128x256xf32>, vector<128x256xf32> -> vector<2048x256xf32>
      %swap3A = arith.constant 0 : index
      %swap3A_76 = arith.constant 0 : index
      %swap3A_77 = vector.load %arg6[%swap3A, %swap3A_76] : memref<2048x256xf32, #tpu.memory_space<vmem>>, vector<2048x256xf32>
      tpu.vector_store %arg6[%swap3A, %swap3A_76], %concatenate3A {strides = array<i32>} : memref<2048x256xf32, #tpu.memory_space<vmem>>, vector<2048x256xf32>,
      %slice3A_78 = vector.extract_strided_slice %concatenate3A {offsets = [1, 0], sizes = [2047, 256], strides = [1, 1]} : vector<2048x256xf32> to vector<2047x256xf32>
      %swap3A_79 = arith.constant 0 : index
      %swap3A_80 = arith.constant 0 : index
      %swap3A_81 = vector.load %arg8[%swap3A_79, %swap3A_80] : memref<2048x256xf32, #tpu.memory_space<vmem>>, vector<2047x256xf32>
      tpu.vector_store %arg8[%swap3A_79, %swap3A_80], %slice3A_78 {strides = array<i32>} : memref<2048x256xf32, #tpu.memory_space<vmem>>, vector<2047x256xf32>,
      %eq3A_82 = arith.constant 0 : i32
      %eq3A_83 = arith.cmpi eq, %arg1, %eq3A_82 : i32
      %convert_element_type3A_84 = arith.extui %eq3A_83 : i1 to i32
      %cond3A_85 = arith.constant 0 : i32
      %cond3A_86 = arith.cmpi ne, %convert_element_type3A_84, %cond3A_85 : i32
      scf.if %cond3A_86 {
        %slice3A_98 = vector.extract_strided_slice %concatenate3A {offsets = [2047, 0], sizes = [1, 256], strides = [1, 1]} : vector<2048x256xf32> to vector<1x256xf32>
        %swap3A_99 = arith.constant 2047 : index
        %swap3A_100 = arith.constant 0 : index
        %swap3A_101 = vector.load %arg8[%swap3A_99, %swap3A_100] : memref<2048x256xf32, #tpu.memory_space<vmem>>, vector<1x256xf32>
        tpu.vector_store %arg8[%swap3A_99, %swap3A_100], %slice3A_98 {strides = array<i32>} : memref<2048x256xf32, #tpu.memory_space<vmem>>, vector<1x256xf32>,
      } else {
      }
      %ne3A = arith.constant 0 : i32
      %ne3A_87 = arith.cmpi ne, %arg1, %ne3A : i32
      %convert_element_type3A_88 = arith.extui %ne3A_87 : i1 to i32
      %cond3A_89 = arith.constant 0 : i32
      %cond3A_90 = arith.cmpi ne, %convert_element_type3A_88, %cond3A_89 : i32
      scf.if %cond3A_90 {
        %get3A_98 = arith.constant 0 : index
        %get3A_99 = arith.constant 0 : index
        %get3A_100 = vector.load %arg9[%get3A_98, %get3A_99] : memref<1x256xf32, #tpu.memory_space<vmem>>, vector<1x256xf32>
        %swap3A_101 = arith.constant 2047 : index
        %swap3A_102 = arith.constant 0 : index
        %swap3A_103 = vector.load %arg8[%swap3A_101, %swap3A_102] : memref<2048x256xf32, #tpu.memory_space<vmem>>, vector<1x256xf32>
        tpu.vector_store %arg8[%swap3A_101, %swap3A_102], %get3A_100 {strides = array<i32>} : memref<2048x256xf32, #tpu.memory_space<vmem>>, vector<1x256xf32>,
      } else {
      }
      %slice3A_91 = vector.extract_strided_slice %concatenate3A {offsets = [0, 0], sizes = [1, 256], strides = [1, 1]} : vector<2048x256xf32> to vector<1x256xf32>
      %swap3A_92 = arith.constant 0 : index
      %swap3A_93 = arith.constant 0 : index
      %swap3A_94 = vector.load %arg9[%swap3A_92, %swap3A_93] : memref<1x256xf32, #tpu.memory_space<vmem>>, vector<1x256xf32>
      tpu.vector_store %arg9[%swap3A_92, %swap3A_93], %slice3A_91 {strides = array<i32>} : memref<1x256xf32, #tpu.memory_space<vmem>>, vector<1x256xf32>,
      %dma_start3A = arith.constant 0 : i32
      %dma_start3A_95 = tpu.memref_slice %arg4[%add3A_9, %dma_start3A] : memref<174088x512xf32, #tpu.memory_space<hbm>> -> memref<2048x256xf32, #tpu.memory_space<hbm>>
      tpu.enqueue_dma source(%arg6 : memref<2048x256xf32, #tpu.memory_space<vmem>>) target(%dma_start3A_95 : memref<2048x256xf32, #tpu.memory_space<hbm>>) target_semaphore(%arg11 : memref<!tpu.dma_semaphore, #tpu.memory_space<semaphore_mem>>)
      %dma_start3A_96 = arith.constant 256 : i32
      %dma_start3A_97 = tpu.memref_slice %arg4[%add3A_9, %dma_start3A_96] : memref<174088x512xf32, #tpu.memory_space<hbm>> -> memref<2048x256xf32, #tpu.memory_space<hbm>>
      tpu.enqueue_dma source(%arg8 : memref<2048x256xf32, #tpu.memory_space<vmem>>) target(%dma_start3A_97 : memref<2048x256xf32, #tpu.memory_space<hbm>>) target_semaphore(%arg11 : memref<!tpu.dma_semaphore, #tpu.memory_space<semaphore_mem>>)
    } else {
    }
    %eq3A_17 = arith.constant 15 : i32
    %eq3A_18 = arith.cmpi eq, %add3A, %eq3A_17 : i32
    %convert_element_type3A_19 = arith.extui %eq3A_18 : i1 to i32
    %cond3A_20 = arith.constant 0 : i32
    %cond3A_21 = arith.cmpi ne, %convert_element_type3A_19, %cond3A_20 : i32
    scf.if %cond3A_21 {
      %dma_wait3A = arith.constant 0 : i32
      %dma_wait3A_22 = arith.constant 0 : i32
      %dma_wait3A_23 = tpu.memref_slice %arg4[%dma_wait3A, %dma_wait3A_22] : memref<174088x512xf32, #tpu.memory_space<hbm>> -> memref<2048x256xf32, #tpu.memory_space<hbm>>
      tpu.wait_dma2 semaphore(%arg11 : memref<!tpu.dma_semaphore, #tpu.memory_space<semaphore_mem>>) src(%arg5 : memref<2048x256xf32, #tpu.memory_space<vmem>>) dst(%dma_wait3A_23 : memref<2048x256xf32, #tpu.memory_space<hbm>>)
      %dma_wait3A_24 = arith.constant 0 : i32
      %dma_wait3A_25 = arith.constant 0 : i32
      %dma_wait3A_26 = tpu.memref_slice %arg4[%dma_wait3A_24, %dma_wait3A_25] : memref<174088x512xf32, #tpu.memory_space<hbm>> -> memref<2048x256xf32, #tpu.memory_space<hbm>>
      tpu.wait_dma2 semaphore(%arg11 : memref<!tpu.dma_semaphore, #tpu.memory_space<semaphore_mem>>) src(%arg5 : memref<2048x256xf32, #tpu.memory_space<vmem>>) dst(%dma_wait3A_26 : memref<2048x256xf32, #tpu.memory_space<hbm>>)
      %dma_wait3A_27 = arith.constant 0 : i32
      %dma_wait3A_28 = arith.constant 0 : i32
      %dma_wait3A_29 = tpu.memref_slice %arg4[%dma_wait3A_27, %dma_wait3A_28] : memref<174088x512xf32, #tpu.memory_space<hbm>> -> memref<2048x256xf32, #tpu.memory_space<hbm>>
      tpu.wait_dma2 semaphore(%arg10 : memref<!tpu.dma_semaphore, #tpu.memory_space<semaphore_mem>>) src(%arg5 : memref<2048x256xf32, #tpu.memory_space<vmem>>) dst(%dma_wait3A_29 : memref<2048x256xf32, #tpu.memory_space<hbm>>)
      %dma_wait3A_30 = arith.constant 0 : i32
      %dma_wait3A_31 = arith.constant 0 : i32
      %dma_wait3A_32 = tpu.memref_slice %arg4[%dma_wait3A_30, %dma_wait3A_31] : memref<174088x512xf32, #tpu.memory_space<hbm>> -> memref<2048x256xf32, #tpu.memory_space<hbm>>
      tpu.wait_dma2 semaphore(%arg10 : memref<!tpu.dma_semaphore, #tpu.memory_space<semaphore_mem>>) src(%arg5 : memref<2048x256xf32, #tpu.memory_space<vmem>>) dst(%dma_wait3A_32 : memref<2048x256xf32, #tpu.memory_space<hbm>>)
    } else {
    }
    return
  }
  func.func @transform_1(%arg0: i32, %arg1: i32) -> (i32, i32, i32, i32) {
    %sub3A = arith.constant 7 : i32
    %sub3A_0 = arith.subi %sub3A, %arg1 : i32
    %c0_i32 = arith.constant 0 : i32
    %c0_i32_1 = arith.constant 0 : i32
    %c0_i32_2 = arith.constant 0 : i32
    return %arg0, %c0_i32, %sub3A_0, %c0_i32_1 : i32, i32, i32, i32
  }
}

module attributes {stable_mosaic.version = 14 : i64} {
  func.func @body(%arg0: i32, %arg1: i32, %arg2: memref<174088x512xf32, #tpu.memory_space<hbm>>, %arg3: memref<1x256x32x64xf32, #tpu.memory_space<vmem>>, %arg4: memref<174088x512xf32, #tpu.memory_space<hbm>>, %arg5: memref<2048x256xf32, #tpu.memory_space<vmem>>, %arg6: memref<2048x256xf32, #tpu.memory_space<vmem>>, %arg7: memref<2048x256xf32, #tpu.memory_space<vmem>>, %arg8: memref<2048x256xf32, #tpu.memory_space<vmem>>, %arg9: memref<1x256xf32, #tpu.memory_space<vmem>>, %arg10: memref<!tpu.dma_semaphore, #tpu.memory_space<semaphore_mem>>, %arg11: memref<!tpu.dma_semaphore, #tpu.memory_space<semaphore_mem>>) attributes {dimension_semantics = [#tpu.dimension_semantics<arbitrary>, #tpu.dimension_semantics<arbitrary>], iteration_bounds = array<i64: 2, 2>, scalar_prefetch = 0 : i64, scratch_operands = 7 : i64, tpu.core_type = #tpu.core_type<tc>, window_params = [{}, {transform_indices = @transform_1, window_bounds = array<i64: 1, 256, 32, 64>}, {}]} {
    %sub3A = arith.constant 1 : i32
    %sub3A_0 = arith.subi %sub3A, %arg1 : i32
    %mul3A = arith.constant 2 : i32
    %mul3A_1 = arith.muli %arg0, %mul3A : i32
    %add3A = arith.addi %mul3A_1, %arg1 : i32
    %rem3A = arith.constant 2 : i32
    %rem3A_2 = arith.remsi %add3A, %rem3A : i32
    %mul3A_3 = arith.constant 4096 : i32
    %mul3A_4 = arith.muli %arg0, %mul3A_3 : i32
    %add3A_5 = arith.constant 163848 : i32
    %add3A_6 = arith.addi %add3A_5, %mul3A_4 : i32
    %mul3A_7 = arith.constant 2048 : i32
    %mul3A_8 = arith.muli %sub3A_0, %mul3A_7 : i32
    %add3A_9 = arith.addi %add3A_6, %mul3A_8 : i32
    %eq3A = arith.constant 0 : i32
    %eq3A_10 = arith.cmpi eq, %rem3A_2, %eq3A : i32
    %convert_element_type3A = arith.extui %eq3A_10 : i1 to i32
    %cond3A = arith.constant 0 : i32
    %cond3A_11 = arith.cmpi ne, %convert_element_type3A, %cond3A : i32
    scf.if %cond3A_11 {
      %ge3A = arith.constant 2 : i32
      %ge3A_22 = arith.cmpi sge, %add3A, %ge3A : i32
      %convert_element_type3A_23 = arith.extui %ge3A_22 : i1 to i32
      %cond3A_24 = arith.constant 0 : i32
      %cond3A_25 = arith.cmpi ne, %convert_element_type3A_23, %cond3A_24 : i32
      scf.if %cond3A_25 {
        %dma_wait3A = arith.constant 0 : i32
        %dma_wait3A_146 = arith.constant 0 : i32
        %dma_wait3A_147 = tpu.memref_slice %arg4[%dma_wait3A, %dma_wait3A_146] : memref<174088x512xf32, #tpu.memory_space<hbm>> -> memref<2048x256xf32, #tpu.memory_space<hbm>>
        tpu.wait_dma2 semaphore(%arg10 : memref<!tpu.dma_semaphore, #tpu.memory_space<semaphore_mem>>) src(%arg5 : memref<2048x256xf32, #tpu.memory_space<vmem>>) dst(%dma_wait3A_147 : memref<2048x256xf32, #tpu.memory_space<hbm>>)
        %dma_wait3A_148 = arith.constant 0 : i32
        %dma_wait3A_149 = arith.constant 0 : i32
        %dma_wait3A_150 = tpu.memref_slice %arg4[%dma_wait3A_148, %dma_wait3A_149] : memref<174088x512xf32, #tpu.memory_space<hbm>> -> memref<2048x256xf32, #tpu.memory_space<hbm>>
        tpu.wait_dma2 semaphore(%arg10 : memref<!tpu.dma_semaphore, #tpu.memory_space<semaphore_mem>>) src(%arg5 : memref<2048x256xf32, #tpu.memory_space<vmem>>) dst(%dma_wait3A_150 : memref<2048x256xf32, #tpu.memory_space<hbm>>)
      } else {
      }
      %get3A = arith.constant 0 : index
      %get3A_26 = arith.constant 0 : index
      %get3A_27 = arith.constant 0 : index
      %get3A_28 = arith.constant 0 : index
      %get3A_29 = vector.load %arg3[%get3A, %get3A_26, %get3A_27, %get3A_28] : memref<1x256x32x64xf32, #tpu.memory_space<vmem>>, vector<1x256x32x64xf32>
      %squeeze3A = vector.shape_cast %get3A_29 : vector<1x256x32x64xf32> to vector<256x32x64xf32>
      %slice3A = vector.extract_strided_slice %squeeze3A {offsets = [0, 0, 0], sizes = [256, 1, 64], strides = [1, 1, 1]} : vector<256x32x64xf32> to vector<256x1x64xf32>
      %squeeze3A_30 = vector.shape_cast %slice3A : vector<256x1x64xf32> to vector<256x64xf32>
      %transpose3A = tpu.transpose %squeeze3A_30, [1, 0] : vector<256x64xf32> -> vector<64x256xf32>
      %slice3A_31 = vector.extract_strided_slice %squeeze3A {offsets = [0, 1, 0], sizes = [256, 1, 64], strides = [1, 1, 1]} : vector<256x32x64xf32> to vector<256x1x64xf32>
      %squeeze3A_32 = vector.shape_cast %slice3A_31 : vector<256x1x64xf32> to vector<256x64xf32>
      %transpose3A_33 = tpu.transpose %squeeze3A_32, [1, 0] : vector<256x64xf32> -> vector<64x256xf32>
      %slice3A_34 = vector.extract_strided_slice %squeeze3A {offsets = [0, 2, 0], sizes = [256, 1, 64], strides = [1, 1, 1]} : vector<256x32x64xf32> to vector<256x1x64xf32>
      %squeeze3A_35 = vector.shape_cast %slice3A_34 : vector<256x1x64xf32> to vector<256x64xf32>
      %transpose3A_36 = tpu.transpose %squeeze3A_35, [1, 0] : vector<256x64xf32> -> vector<64x256xf32>
      %slice3A_37 = vector.extract_strided_slice %squeeze3A {offsets = [0, 3, 0], sizes = [256, 1, 64], strides = [1, 1, 1]} : vector<256x32x64xf32> to vector<256x1x64xf32>
      %squeeze3A_38 = vector.shape_cast %slice3A_37 : vector<256x1x64xf32> to vector<256x64xf32>
      %transpose3A_39 = tpu.transpose %squeeze3A_38, [1, 0] : vector<256x64xf32> -> vector<64x256xf32>
      %slice3A_40 = vector.extract_strided_slice %squeeze3A {offsets = [0, 4, 0], sizes = [256, 1, 64], strides = [1, 1, 1]} : vector<256x32x64xf32> to vector<256x1x64xf32>
      %squeeze3A_41 = vector.shape_cast %slice3A_40 : vector<256x1x64xf32> to vector<256x64xf32>
      %transpose3A_42 = tpu.transpose %squeeze3A_41, [1, 0] : vector<256x64xf32> -> vector<64x256xf32>
      %slice3A_43 = vector.extract_strided_slice %squeeze3A {offsets = [0, 5, 0], sizes = [256, 1, 64], strides = [1, 1, 1]} : vector<256x32x64xf32> to vector<256x1x64xf32>
      %squeeze3A_44 = vector.shape_cast %slice3A_43 : vector<256x1x64xf32> to vector<256x64xf32>
      %transpose3A_45 = tpu.transpose %squeeze3A_44, [1, 0] : vector<256x64xf32> -> vector<64x256xf32>
      %slice3A_46 = vector.extract_strided_slice %squeeze3A {offsets = [0, 6, 0], sizes = [256, 1, 64], strides = [1, 1, 1]} : vector<256x32x64xf32> to vector<256x1x64xf32>
      %squeeze3A_47 = vector.shape_cast %slice3A_46 : vector<256x1x64xf32> to vector<256x64xf32>
      %transpose3A_48 = tpu.transpose %squeeze3A_47, [1, 0] : vector<256x64xf32> -> vector<64x256xf32>
      %slice3A_49 = vector.extract_strided_slice %squeeze3A {offsets = [0, 7, 0], sizes = [256, 1, 64], strides = [1, 1, 1]} : vector<256x32x64xf32> to vector<256x1x64xf32>
      %squeeze3A_50 = vector.shape_cast %slice3A_49 : vector<256x1x64xf32> to vector<256x64xf32>
      %transpose3A_51 = tpu.transpose %squeeze3A_50, [1, 0] : vector<256x64xf32> -> vector<64x256xf32>
      %slice3A_52 = vector.extract_strided_slice %squeeze3A {offsets = [0, 8, 0], sizes = [256, 1, 64], strides = [1, 1, 1]} : vector<256x32x64xf32> to vector<256x1x64xf32>
      %squeeze3A_53 = vector.shape_cast %slice3A_52 : vector<256x1x64xf32> to vector<256x64xf32>
      %transpose3A_54 = tpu.transpose %squeeze3A_53, [1, 0] : vector<256x64xf32> -> vector<64x256xf32>
      %slice3A_55 = vector.extract_strided_slice %squeeze3A {offsets = [0, 9, 0], sizes = [256, 1, 64], strides = [1, 1, 1]} : vector<256x32x64xf32> to vector<256x1x64xf32>
      %squeeze3A_56 = vector.shape_cast %slice3A_55 : vector<256x1x64xf32> to vector<256x64xf32>
      %transpose3A_57 = tpu.transpose %squeeze3A_56, [1, 0] : vector<256x64xf32> -> vector<64x256xf32>
      %slice3A_58 = vector.extract_strided_slice %squeeze3A {offsets = [0, 10, 0], sizes = [256, 1, 64], strides = [1, 1, 1]} : vector<256x32x64xf32> to vector<256x1x64xf32>
      %squeeze3A_59 = vector.shape_cast %slice3A_58 : vector<256x1x64xf32> to vector<256x64xf32>
      %transpose3A_60 = tpu.transpose %squeeze3A_59, [1, 0] : vector<256x64xf32> -> vector<64x256xf32>
      %slice3A_61 = vector.extract_strided_slice %squeeze3A {offsets = [0, 11, 0], sizes = [256, 1, 64], strides = [1, 1, 1]} : vector<256x32x64xf32> to vector<256x1x64xf32>
      %squeeze3A_62 = vector.shape_cast %slice3A_61 : vector<256x1x64xf32> to vector<256x64xf32>
      %transpose3A_63 = tpu.transpose %squeeze3A_62, [1, 0] : vector<256x64xf32> -> vector<64x256xf32>
      %slice3A_64 = vector.extract_strided_slice %squeeze3A {offsets = [0, 12, 0], sizes = [256, 1, 64], strides = [1, 1, 1]} : vector<256x32x64xf32> to vector<256x1x64xf32>
      %squeeze3A_65 = vector.shape_cast %slice3A_64 : vector<256x1x64xf32> to vector<256x64xf32>
      %transpose3A_66 = tpu.transpose %squeeze3A_65, [1, 0] : vector<256x64xf32> -> vector<64x256xf32>
      %slice3A_67 = vector.extract_strided_slice %squeeze3A {offsets = [0, 13, 0], sizes = [256, 1, 64], strides = [1, 1, 1]} : vector<256x32x64xf32> to vector<256x1x64xf32>
      %squeeze3A_68 = vector.shape_cast %slice3A_67 : vector<256x1x64xf32> to vector<256x64xf32>
      %transpose3A_69 = tpu.transpose %squeeze3A_68, [1, 0] : vector<256x64xf32> -> vector<64x256xf32>
      %slice3A_70 = vector.extract_strided_slice %squeeze3A {offsets = [0, 14, 0], sizes = [256, 1, 64], strides = [1, 1, 1]} : vector<256x32x64xf32> to vector<256x1x64xf32>
      %squeeze3A_71 = vector.shape_cast %slice3A_70 : vector<256x1x64xf32> to vector<256x64xf32>
      %transpose3A_72 = tpu.transpose %squeeze3A_71, [1, 0] : vector<256x64xf32> -> vector<64x256xf32>
      %slice3A_73 = vector.extract_strided_slice %squeeze3A {offsets = [0, 15, 0], sizes = [256, 1, 64], strides = [1, 1, 1]} : vector<256x32x64xf32> to vector<256x1x64xf32>
      %squeeze3A_74 = vector.shape_cast %slice3A_73 : vector<256x1x64xf32> to vector<256x64xf32>
      %transpose3A_75 = tpu.transpose %squeeze3A_74, [1, 0] : vector<256x64xf32> -> vector<64x256xf32>
      %slice3A_76 = vector.extract_strided_slice %squeeze3A {offsets = [0, 16, 0], sizes = [256, 1, 64], strides = [1, 1, 1]} : vector<256x32x64xf32> to vector<256x1x64xf32>
      %squeeze3A_77 = vector.shape_cast %slice3A_76 : vector<256x1x64xf32> to vector<256x64xf32>
      %transpose3A_78 = tpu.transpose %squeeze3A_77, [1, 0] : vector<256x64xf32> -> vector<64x256xf32>
      %slice3A_79 = vector.extract_strided_slice %squeeze3A {offsets = [0, 17, 0], sizes = [256, 1, 64], strides = [1, 1, 1]} : vector<256x32x64xf32> to vector<256x1x64xf32>
      %squeeze3A_80 = vector.shape_cast %slice3A_79 : vector<256x1x64xf32> to vector<256x64xf32>
      %transpose3A_81 = tpu.transpose %squeeze3A_80, [1, 0] : vector<256x64xf32> -> vector<64x256xf32>
      %slice3A_82 = vector.extract_strided_slice %squeeze3A {offsets = [0, 18, 0], sizes = [256, 1, 64], strides = [1, 1, 1]} : vector<256x32x64xf32> to vector<256x1x64xf32>
      %squeeze3A_83 = vector.shape_cast %slice3A_82 : vector<256x1x64xf32> to vector<256x64xf32>
      %transpose3A_84 = tpu.transpose %squeeze3A_83, [1, 0] : vector<256x64xf32> -> vector<64x256xf32>
      %slice3A_85 = vector.extract_strided_slice %squeeze3A {offsets = [0, 19, 0], sizes = [256, 1, 64], strides = [1, 1, 1]} : vector<256x32x64xf32> to vector<256x1x64xf32>
      %squeeze3A_86 = vector.shape_cast %slice3A_85 : vector<256x1x64xf32> to vector<256x64xf32>
      %transpose3A_87 = tpu.transpose %squeeze3A_86, [1, 0] : vector<256x64xf32> -> vector<64x256xf32>
      %slice3A_88 = vector.extract_strided_slice %squeeze3A {offsets = [0, 20, 0], sizes = [256, 1, 64], strides = [1, 1, 1]} : vector<256x32x64xf32> to vector<256x1x64xf32>
      %squeeze3A_89 = vector.shape_cast %slice3A_88 : vector<256x1x64xf32> to vector<256x64xf32>
      %transpose3A_90 = tpu.transpose %squeeze3A_89, [1, 0] : vector<256x64xf32> -> vector<64x256xf32>
      %slice3A_91 = vector.extract_strided_slice %squeeze3A {offsets = [0, 21, 0], sizes = [256, 1, 64], strides = [1, 1, 1]} : vector<256x32x64xf32> to vector<256x1x64xf32>
      %squeeze3A_92 = vector.shape_cast %slice3A_91 : vector<256x1x64xf32> to vector<256x64xf32>
      %transpose3A_93 = tpu.transpose %squeeze3A_92, [1, 0] : vector<256x64xf32> -> vector<64x256xf32>
      %slice3A_94 = vector.extract_strided_slice %squeeze3A {offsets = [0, 22, 0], sizes = [256, 1, 64], strides = [1, 1, 1]} : vector<256x32x64xf32> to vector<256x1x64xf32>
      %squeeze3A_95 = vector.shape_cast %slice3A_94 : vector<256x1x64xf32> to vector<256x64xf32>
      %transpose3A_96 = tpu.transpose %squeeze3A_95, [1, 0] : vector<256x64xf32> -> vector<64x256xf32>
      %slice3A_97 = vector.extract_strided_slice %squeeze3A {offsets = [0, 23, 0], sizes = [256, 1, 64], strides = [1, 1, 1]} : vector<256x32x64xf32> to vector<256x1x64xf32>
      %squeeze3A_98 = vector.shape_cast %slice3A_97 : vector<256x1x64xf32> to vector<256x64xf32>
      %transpose3A_99 = tpu.transpose %squeeze3A_98, [1, 0] : vector<256x64xf32> -> vector<64x256xf32>
      %slice3A_100 = vector.extract_strided_slice %squeeze3A {offsets = [0, 24, 0], sizes = [256, 1, 64], strides = [1, 1, 1]} : vector<256x32x64xf32> to vector<256x1x64xf32>
      %squeeze3A_101 = vector.shape_cast %slice3A_100 : vector<256x1x64xf32> to vector<256x64xf32>
      %transpose3A_102 = tpu.transpose %squeeze3A_101, [1, 0] : vector<256x64xf32> -> vector<64x256xf32>
      %slice3A_103 = vector.extract_strided_slice %squeeze3A {offsets = [0, 25, 0], sizes = [256, 1, 64], strides = [1, 1, 1]} : vector<256x32x64xf32> to vector<256x1x64xf32>
      %squeeze3A_104 = vector.shape_cast %slice3A_103 : vector<256x1x64xf32> to vector<256x64xf32>
      %transpose3A_105 = tpu.transpose %squeeze3A_104, [1, 0] : vector<256x64xf32> -> vector<64x256xf32>
      %slice3A_106 = vector.extract_strided_slice %squeeze3A {offsets = [0, 26, 0], sizes = [256, 1, 64], strides = [1, 1, 1]} : vector<256x32x64xf32> to vector<256x1x64xf32>
      %squeeze3A_107 = vector.shape_cast %slice3A_106 : vector<256x1x64xf32> to vector<256x64xf32>
      %transpose3A_108 = tpu.transpose %squeeze3A_107, [1, 0] : vector<256x64xf32> -> vector<64x256xf32>
      %slice3A_109 = vector.extract_strided_slice %squeeze3A {offsets = [0, 27, 0], sizes = [256, 1, 64], strides = [1, 1, 1]} : vector<256x32x64xf32> to vector<256x1x64xf32>
      %squeeze3A_110 = vector.shape_cast %slice3A_109 : vector<256x1x64xf32> to vector<256x64xf32>
      %transpose3A_111 = tpu.transpose %squeeze3A_110, [1, 0] : vector<256x64xf32> -> vector<64x256xf32>
      %slice3A_112 = vector.extract_strided_slice %squeeze3A {offsets = [0, 28, 0], sizes = [256, 1, 64], strides = [1, 1, 1]} : vector<256x32x64xf32> to vector<256x1x64xf32>
      %squeeze3A_113 = vector.shape_cast %slice3A_112 : vector<256x1x64xf32> to vector<256x64xf32>
      %transpose3A_114 = tpu.transpose %squeeze3A_113, [1, 0] : vector<256x64xf32> -> vector<64x256xf32>
      %slice3A_115 = vector.extract_strided_slice %squeeze3A {offsets = [0, 29, 0], sizes = [256, 1, 64], strides = [1, 1, 1]} : vector<256x32x64xf32> to vector<256x1x64xf32>
      %squeeze3A_116 = vector.shape_cast %slice3A_115 : vector<256x1x64xf32> to vector<256x64xf32>
      %transpose3A_117 = tpu.transpose %squeeze3A_116, [1, 0] : vector<256x64xf32> -> vector<64x256xf32>
      %slice3A_118 = vector.extract_strided_slice %squeeze3A {offsets = [0, 30, 0], sizes = [256, 1, 64], strides = [1, 1, 1]} : vector<256x32x64xf32> to vector<256x1x64xf32>
      %squeeze3A_119 = vector.shape_cast %slice3A_118 : vector<256x1x64xf32> to vector<256x64xf32>
      %transpose3A_120 = tpu.transpose %squeeze3A_119, [1, 0] : vector<256x64xf32> -> vector<64x256xf32>
      %slice3A_121 = vector.extract_strided_slice %squeeze3A {offsets = [0, 31, 0], sizes = [256, 1, 64], strides = [1, 1, 1]} : vector<256x32x64xf32> to vector<256x1x64xf32>
      %squeeze3A_122 = vector.shape_cast %slice3A_121 : vector<256x1x64xf32> to vector<256x64xf32>
      %transpose3A_123 = tpu.transpose %squeeze3A_122, [1, 0] : vector<256x64xf32> -> vector<64x256xf32>
      %concatenate3A = tpu.concatenate %transpose3A, %transpose3A_33, %transpose3A_36, %transpose3A_39, %transpose3A_42, %transpose3A_45, %transpose3A_48, %transpose3A_51, %transpose3A_54, %transpose3A_57, %transpose3A_60, %transpose3A_63, %transpose3A_66, %transpose3A_69, %transpose3A_72, %transpose3A_75, %transpose3A_78, %transpose3A_81, %transpose3A_84, %transpose3A_87, %transpose3A_90, %transpose3A_93, %transpose3A_96, %transpose3A_99, %transpose3A_102, %transpose3A_105, %transpose3A_108, %transpose3A_111, %transpose3A_114, %transpose3A_117, %transpose3A_120, %transpose3A_123 in 0 : vector<64x256xf32>, vector<64x256xf32>, vector<64x256xf32>, vector<64x256xf32>, vector<64x256xf32>, vector<64x256xf32>, vector<64x256xf32>, vector<64x256xf32>, vector<64x256xf32>, vector<64x256xf32>, vector<64x256xf32>, vector<64x256xf32>, vector<64x256xf32>, vector<64x256xf32>, vector<64x256xf32>, vector<64x256xf32>, vector<64x256xf32>, vector<64x256xf32>, vector<64x256xf32>, vector<64x256xf32>, vector<64x256xf32>, vector<64x256xf32>, vector<64x256xf32>, vector<64x256xf32>, vector<64x256xf32>, vector<64x256xf32>, vector<64x256xf32>, vector<64x256xf32>, vector<64x256xf32>, vector<64x256xf32>, vector<64x256xf32>, vector<64x256xf32> -> vector<2048x256xf32>
      %swap3A = arith.constant 0 : index
      %swap3A_124 = arith.constant 0 : index
      %swap3A_125 = vector.load %arg5[%swap3A, %swap3A_124] : memref<2048x256xf32, #tpu.memory_space<vmem>>, vector<2048x256xf32>
      tpu.vector_store %arg5[%swap3A, %swap3A_124], %concatenate3A {strides = array<i32>} : memref<2048x256xf32, #tpu.memory_space<vmem>>, vector<2048x256xf32>,
      %slice3A_126 = vector.extract_strided_slice %concatenate3A {offsets = [1, 0], sizes = [2047, 256], strides = [1, 1]} : vector<2048x256xf32> to vector<2047x256xf32>
      %swap3A_127 = arith.constant 0 : index
      %swap3A_128 = arith.constant 0 : index
      %swap3A_129 = vector.load %arg7[%swap3A_127, %swap3A_128] : memref<2048x256xf32, #tpu.memory_space<vmem>>, vector<2047x256xf32>
      tpu.vector_store %arg7[%swap3A_127, %swap3A_128], %slice3A_126 {strides = array<i32>} : memref<2048x256xf32, #tpu.memory_space<vmem>>, vector<2047x256xf32>,
      %eq3A_130 = arith.constant 0 : i32
      %eq3A_131 = arith.cmpi eq, %arg1, %eq3A_130 : i32
      %convert_element_type3A_132 = arith.extui %eq3A_131 : i1 to i32
      %cond3A_133 = arith.constant 0 : i32
      %cond3A_134 = arith.cmpi ne, %convert_element_type3A_132, %cond3A_133 : i32
      scf.if %cond3A_134 {
        %slice3A_146 = vector.extract_strided_slice %concatenate3A {offsets = [2047, 0], sizes = [1, 256], strides = [1, 1]} : vector<2048x256xf32> to vector<1x256xf32>
        %swap3A_147 = arith.constant 2047 : index
        %swap3A_148 = arith.constant 0 : index
        %swap3A_149 = vector.load %arg7[%swap3A_147, %swap3A_148] : memref<2048x256xf32, #tpu.memory_space<vmem>>, vector<1x256xf32>
        tpu.vector_store %arg7[%swap3A_147, %swap3A_148], %slice3A_146 {strides = array<i32>} : memref<2048x256xf32, #tpu.memory_space<vmem>>, vector<1x256xf32>,
      } else {
      }
      %ne3A = arith.constant 0 : i32
      %ne3A_135 = arith.cmpi ne, %arg1, %ne3A : i32
      %convert_element_type3A_136 = arith.extui %ne3A_135 : i1 to i32
      %cond3A_137 = arith.constant 0 : i32
      %cond3A_138 = arith.cmpi ne, %convert_element_type3A_136, %cond3A_137 : i32
      scf.if %cond3A_138 {
        %get3A_146 = arith.constant 0 : index
        %get3A_147 = arith.constant 0 : index
        %get3A_148 = vector.load %arg9[%get3A_146, %get3A_147] : memref<1x256xf32, #tpu.memory_space<vmem>>, vector<1x256xf32>
        %swap3A_149 = arith.constant 2047 : index
        %swap3A_150 = arith.constant 0 : index
        %swap3A_151 = vector.load %arg7[%swap3A_149, %swap3A_150] : memref<2048x256xf32, #tpu.memory_space<vmem>>, vector<1x256xf32>
        tpu.vector_store %arg7[%swap3A_149, %swap3A_150], %get3A_148 {strides = array<i32>} : memref<2048x256xf32, #tpu.memory_space<vmem>>, vector<1x256xf32>,
      } else {
      }
      %slice3A_139 = vector.extract_strided_slice %concatenate3A {offsets = [0, 0], sizes = [1, 256], strides = [1, 1]} : vector<2048x256xf32> to vector<1x256xf32>
      %swap3A_140 = arith.constant 0 : index
      %swap3A_141 = arith.constant 0 : index
      %swap3A_142 = vector.load %arg9[%swap3A_140, %swap3A_141] : memref<1x256xf32, #tpu.memory_space<vmem>>, vector<1x256xf32>
      tpu.vector_store %arg9[%swap3A_140, %swap3A_141], %slice3A_139 {strides = array<i32>} : memref<1x256xf32, #tpu.memory_space<vmem>>, vector<1x256xf32>,
      %dma_start3A = arith.constant 0 : i32
      %dma_start3A_143 = tpu.memref_slice %arg4[%add3A_9, %dma_start3A] : memref<174088x512xf32, #tpu.memory_space<hbm>> -> memref<2048x256xf32, #tpu.memory_space<hbm>>
      tpu.enqueue_dma source(%arg5 : memref<2048x256xf32, #tpu.memory_space<vmem>>) target(%dma_start3A_143 : memref<2048x256xf32, #tpu.memory_space<hbm>>) target_semaphore(%arg10 : memref<!tpu.dma_semaphore, #tpu.memory_space<semaphore_mem>>)
      %dma_start3A_144 = arith.constant 256 : i32
      %dma_start3A_145 = tpu.memref_slice %arg4[%add3A_9, %dma_start3A_144] : memref<174088x512xf32, #tpu.memory_space<hbm>> -> memref<2048x256xf32, #tpu.memory_space<hbm>>
      tpu.enqueue_dma source(%arg7 : memref<2048x256xf32, #tpu.memory_space<vmem>>) target(%dma_start3A_145 : memref<2048x256xf32, #tpu.memory_space<hbm>>) target_semaphore(%arg10 : memref<!tpu.dma_semaphore, #tpu.memory_space<semaphore_mem>>)
    } else {
    }
    %eq3A_12 = arith.constant 1 : i32
    %eq3A_13 = arith.cmpi eq, %rem3A_2, %eq3A_12 : i32
    %convert_element_type3A_14 = arith.extui %eq3A_13 : i1 to i32
    %cond3A_15 = arith.constant 0 : i32
    %cond3A_16 = arith.cmpi ne, %convert_element_type3A_14, %cond3A_15 : i32
    scf.if %cond3A_16 {
      %ge3A = arith.constant 2 : i32
      %ge3A_22 = arith.cmpi sge, %add3A, %ge3A : i32
      %convert_element_type3A_23 = arith.extui %ge3A_22 : i1 to i32
      %cond3A_24 = arith.constant 0 : i32
      %cond3A_25 = arith.cmpi ne, %convert_element_type3A_23, %cond3A_24 : i32
      scf.if %cond3A_25 {
        %dma_wait3A = arith.constant 0 : i32
        %dma_wait3A_146 = arith.constant 0 : i32
        %dma_wait3A_147 = tpu.memref_slice %arg4[%dma_wait3A, %dma_wait3A_146] : memref<174088x512xf32, #tpu.memory_space<hbm>> -> memref<2048x256xf32, #tpu.memory_space<hbm>>
        tpu.wait_dma2 semaphore(%arg11 : memref<!tpu.dma_semaphore, #tpu.memory_space<semaphore_mem>>) src(%arg5 : memref<2048x256xf32, #tpu.memory_space<vmem>>) dst(%dma_wait3A_147 : memref<2048x256xf32, #tpu.memory_space<hbm>>)
        %dma_wait3A_148 = arith.constant 0 : i32
        %dma_wait3A_149 = arith.constant 0 : i32
        %dma_wait3A_150 = tpu.memref_slice %arg4[%dma_wait3A_148, %dma_wait3A_149] : memref<174088x512xf32, #tpu.memory_space<hbm>> -> memref<2048x256xf32, #tpu.memory_space<hbm>>
        tpu.wait_dma2 semaphore(%arg11 : memref<!tpu.dma_semaphore, #tpu.memory_space<semaphore_mem>>) src(%arg5 : memref<2048x256xf32, #tpu.memory_space<vmem>>) dst(%dma_wait3A_150 : memref<2048x256xf32, #tpu.memory_space<hbm>>)
      } else {
      }
      %get3A = arith.constant 0 : index
      %get3A_26 = arith.constant 0 : index
      %get3A_27 = arith.constant 0 : index
      %get3A_28 = arith.constant 0 : index
      %get3A_29 = vector.load %arg3[%get3A, %get3A_26, %get3A_27, %get3A_28] : memref<1x256x32x64xf32, #tpu.memory_space<vmem>>, vector<1x256x32x64xf32>
      %squeeze3A = vector.shape_cast %get3A_29 : vector<1x256x32x64xf32> to vector<256x32x64xf32>
      %slice3A = vector.extract_strided_slice %squeeze3A {offsets = [0, 0, 0], sizes = [256, 1, 64], strides = [1, 1, 1]} : vector<256x32x64xf32> to vector<256x1x64xf32>
      %squeeze3A_30 = vector.shape_cast %slice3A : vector<256x1x64xf32> to vector<256x64xf32>
      %transpose3A = tpu.transpose %squeeze3A_30, [1, 0] : vector<256x64xf32> -> vector<64x256xf32>
      %slice3A_31 = vector.extract_strided_slice %squeeze3A {offsets = [0, 1, 0], sizes = [256, 1, 64], strides = [1, 1, 1]} : vector<256x32x64xf32> to vector<256x1x64xf32>
      %squeeze3A_32 = vector.shape_cast %slice3A_31 : vector<256x1x64xf32> to vector<256x64xf32>
      %transpose3A_33 = tpu.transpose %squeeze3A_32, [1, 0] : vector<256x64xf32> -> vector<64x256xf32>
      %slice3A_34 = vector.extract_strided_slice %squeeze3A {offsets = [0, 2, 0], sizes = [256, 1, 64], strides = [1, 1, 1]} : vector<256x32x64xf32> to vector<256x1x64xf32>
      %squeeze3A_35 = vector.shape_cast %slice3A_34 : vector<256x1x64xf32> to vector<256x64xf32>
      %transpose3A_36 = tpu.transpose %squeeze3A_35, [1, 0] : vector<256x64xf32> -> vector<64x256xf32>
      %slice3A_37 = vector.extract_strided_slice %squeeze3A {offsets = [0, 3, 0], sizes = [256, 1, 64], strides = [1, 1, 1]} : vector<256x32x64xf32> to vector<256x1x64xf32>
      %squeeze3A_38 = vector.shape_cast %slice3A_37 : vector<256x1x64xf32> to vector<256x64xf32>
      %transpose3A_39 = tpu.transpose %squeeze3A_38, [1, 0] : vector<256x64xf32> -> vector<64x256xf32>
      %slice3A_40 = vector.extract_strided_slice %squeeze3A {offsets = [0, 4, 0], sizes = [256, 1, 64], strides = [1, 1, 1]} : vector<256x32x64xf32> to vector<256x1x64xf32>
      %squeeze3A_41 = vector.shape_cast %slice3A_40 : vector<256x1x64xf32> to vector<256x64xf32>
      %transpose3A_42 = tpu.transpose %squeeze3A_41, [1, 0] : vector<256x64xf32> -> vector<64x256xf32>
      %slice3A_43 = vector.extract_strided_slice %squeeze3A {offsets = [0, 5, 0], sizes = [256, 1, 64], strides = [1, 1, 1]} : vector<256x32x64xf32> to vector<256x1x64xf32>
      %squeeze3A_44 = vector.shape_cast %slice3A_43 : vector<256x1x64xf32> to vector<256x64xf32>
      %transpose3A_45 = tpu.transpose %squeeze3A_44, [1, 0] : vector<256x64xf32> -> vector<64x256xf32>
      %slice3A_46 = vector.extract_strided_slice %squeeze3A {offsets = [0, 6, 0], sizes = [256, 1, 64], strides = [1, 1, 1]} : vector<256x32x64xf32> to vector<256x1x64xf32>
      %squeeze3A_47 = vector.shape_cast %slice3A_46 : vector<256x1x64xf32> to vector<256x64xf32>
      %transpose3A_48 = tpu.transpose %squeeze3A_47, [1, 0] : vector<256x64xf32> -> vector<64x256xf32>
      %slice3A_49 = vector.extract_strided_slice %squeeze3A {offsets = [0, 7, 0], sizes = [256, 1, 64], strides = [1, 1, 1]} : vector<256x32x64xf32> to vector<256x1x64xf32>
      %squeeze3A_50 = vector.shape_cast %slice3A_49 : vector<256x1x64xf32> to vector<256x64xf32>
      %transpose3A_51 = tpu.transpose %squeeze3A_50, [1, 0] : vector<256x64xf32> -> vector<64x256xf32>
      %slice3A_52 = vector.extract_strided_slice %squeeze3A {offsets = [0, 8, 0], sizes = [256, 1, 64], strides = [1, 1, 1]} : vector<256x32x64xf32> to vector<256x1x64xf32>
      %squeeze3A_53 = vector.shape_cast %slice3A_52 : vector<256x1x64xf32> to vector<256x64xf32>
      %transpose3A_54 = tpu.transpose %squeeze3A_53, [1, 0] : vector<256x64xf32> -> vector<64x256xf32>
      %slice3A_55 = vector.extract_strided_slice %squeeze3A {offsets = [0, 9, 0], sizes = [256, 1, 64], strides = [1, 1, 1]} : vector<256x32x64xf32> to vector<256x1x64xf32>
      %squeeze3A_56 = vector.shape_cast %slice3A_55 : vector<256x1x64xf32> to vector<256x64xf32>
      %transpose3A_57 = tpu.transpose %squeeze3A_56, [1, 0] : vector<256x64xf32> -> vector<64x256xf32>
      %slice3A_58 = vector.extract_strided_slice %squeeze3A {offsets = [0, 10, 0], sizes = [256, 1, 64], strides = [1, 1, 1]} : vector<256x32x64xf32> to vector<256x1x64xf32>
      %squeeze3A_59 = vector.shape_cast %slice3A_58 : vector<256x1x64xf32> to vector<256x64xf32>
      %transpose3A_60 = tpu.transpose %squeeze3A_59, [1, 0] : vector<256x64xf32> -> vector<64x256xf32>
      %slice3A_61 = vector.extract_strided_slice %squeeze3A {offsets = [0, 11, 0], sizes = [256, 1, 64], strides = [1, 1, 1]} : vector<256x32x64xf32> to vector<256x1x64xf32>
      %squeeze3A_62 = vector.shape_cast %slice3A_61 : vector<256x1x64xf32> to vector<256x64xf32>
      %transpose3A_63 = tpu.transpose %squeeze3A_62, [1, 0] : vector<256x64xf32> -> vector<64x256xf32>
      %slice3A_64 = vector.extract_strided_slice %squeeze3A {offsets = [0, 12, 0], sizes = [256, 1, 64], strides = [1, 1, 1]} : vector<256x32x64xf32> to vector<256x1x64xf32>
      %squeeze3A_65 = vector.shape_cast %slice3A_64 : vector<256x1x64xf32> to vector<256x64xf32>
      %transpose3A_66 = tpu.transpose %squeeze3A_65, [1, 0] : vector<256x64xf32> -> vector<64x256xf32>
      %slice3A_67 = vector.extract_strided_slice %squeeze3A {offsets = [0, 13, 0], sizes = [256, 1, 64], strides = [1, 1, 1]} : vector<256x32x64xf32> to vector<256x1x64xf32>
      %squeeze3A_68 = vector.shape_cast %slice3A_67 : vector<256x1x64xf32> to vector<256x64xf32>
      %transpose3A_69 = tpu.transpose %squeeze3A_68, [1, 0] : vector<256x64xf32> -> vector<64x256xf32>
      %slice3A_70 = vector.extract_strided_slice %squeeze3A {offsets = [0, 14, 0], sizes = [256, 1, 64], strides = [1, 1, 1]} : vector<256x32x64xf32> to vector<256x1x64xf32>
      %squeeze3A_71 = vector.shape_cast %slice3A_70 : vector<256x1x64xf32> to vector<256x64xf32>
      %transpose3A_72 = tpu.transpose %squeeze3A_71, [1, 0] : vector<256x64xf32> -> vector<64x256xf32>
      %slice3A_73 = vector.extract_strided_slice %squeeze3A {offsets = [0, 15, 0], sizes = [256, 1, 64], strides = [1, 1, 1]} : vector<256x32x64xf32> to vector<256x1x64xf32>
      %squeeze3A_74 = vector.shape_cast %slice3A_73 : vector<256x1x64xf32> to vector<256x64xf32>
      %transpose3A_75 = tpu.transpose %squeeze3A_74, [1, 0] : vector<256x64xf32> -> vector<64x256xf32>
      %slice3A_76 = vector.extract_strided_slice %squeeze3A {offsets = [0, 16, 0], sizes = [256, 1, 64], strides = [1, 1, 1]} : vector<256x32x64xf32> to vector<256x1x64xf32>
      %squeeze3A_77 = vector.shape_cast %slice3A_76 : vector<256x1x64xf32> to vector<256x64xf32>
      %transpose3A_78 = tpu.transpose %squeeze3A_77, [1, 0] : vector<256x64xf32> -> vector<64x256xf32>
      %slice3A_79 = vector.extract_strided_slice %squeeze3A {offsets = [0, 17, 0], sizes = [256, 1, 64], strides = [1, 1, 1]} : vector<256x32x64xf32> to vector<256x1x64xf32>
      %squeeze3A_80 = vector.shape_cast %slice3A_79 : vector<256x1x64xf32> to vector<256x64xf32>
      %transpose3A_81 = tpu.transpose %squeeze3A_80, [1, 0] : vector<256x64xf32> -> vector<64x256xf32>
      %slice3A_82 = vector.extract_strided_slice %squeeze3A {offsets = [0, 18, 0], sizes = [256, 1, 64], strides = [1, 1, 1]} : vector<256x32x64xf32> to vector<256x1x64xf32>
      %squeeze3A_83 = vector.shape_cast %slice3A_82 : vector<256x1x64xf32> to vector<256x64xf32>
      %transpose3A_84 = tpu.transpose %squeeze3A_83, [1, 0] : vector<256x64xf32> -> vector<64x256xf32>
      %slice3A_85 = vector.extract_strided_slice %squeeze3A {offsets = [0, 19, 0], sizes = [256, 1, 64], strides = [1, 1, 1]} : vector<256x32x64xf32> to vector<256x1x64xf32>
      %squeeze3A_86 = vector.shape_cast %slice3A_85 : vector<256x1x64xf32> to vector<256x64xf32>
      %transpose3A_87 = tpu.transpose %squeeze3A_86, [1, 0] : vector<256x64xf32> -> vector<64x256xf32>
      %slice3A_88 = vector.extract_strided_slice %squeeze3A {offsets = [0, 20, 0], sizes = [256, 1, 64], strides = [1, 1, 1]} : vector<256x32x64xf32> to vector<256x1x64xf32>
      %squeeze3A_89 = vector.shape_cast %slice3A_88 : vector<256x1x64xf32> to vector<256x64xf32>
      %transpose3A_90 = tpu.transpose %squeeze3A_89, [1, 0] : vector<256x64xf32> -> vector<64x256xf32>
      %slice3A_91 = vector.extract_strided_slice %squeeze3A {offsets = [0, 21, 0], sizes = [256, 1, 64], strides = [1, 1, 1]} : vector<256x32x64xf32> to vector<256x1x64xf32>
      %squeeze3A_92 = vector.shape_cast %slice3A_91 : vector<256x1x64xf32> to vector<256x64xf32>
      %transpose3A_93 = tpu.transpose %squeeze3A_92, [1, 0] : vector<256x64xf32> -> vector<64x256xf32>
      %slice3A_94 = vector.extract_strided_slice %squeeze3A {offsets = [0, 22, 0], sizes = [256, 1, 64], strides = [1, 1, 1]} : vector<256x32x64xf32> to vector<256x1x64xf32>
      %squeeze3A_95 = vector.shape_cast %slice3A_94 : vector<256x1x64xf32> to vector<256x64xf32>
      %transpose3A_96 = tpu.transpose %squeeze3A_95, [1, 0] : vector<256x64xf32> -> vector<64x256xf32>
      %slice3A_97 = vector.extract_strided_slice %squeeze3A {offsets = [0, 23, 0], sizes = [256, 1, 64], strides = [1, 1, 1]} : vector<256x32x64xf32> to vector<256x1x64xf32>
      %squeeze3A_98 = vector.shape_cast %slice3A_97 : vector<256x1x64xf32> to vector<256x64xf32>
      %transpose3A_99 = tpu.transpose %squeeze3A_98, [1, 0] : vector<256x64xf32> -> vector<64x256xf32>
      %slice3A_100 = vector.extract_strided_slice %squeeze3A {offsets = [0, 24, 0], sizes = [256, 1, 64], strides = [1, 1, 1]} : vector<256x32x64xf32> to vector<256x1x64xf32>
      %squeeze3A_101 = vector.shape_cast %slice3A_100 : vector<256x1x64xf32> to vector<256x64xf32>
      %transpose3A_102 = tpu.transpose %squeeze3A_101, [1, 0] : vector<256x64xf32> -> vector<64x256xf32>
      %slice3A_103 = vector.extract_strided_slice %squeeze3A {offsets = [0, 25, 0], sizes = [256, 1, 64], strides = [1, 1, 1]} : vector<256x32x64xf32> to vector<256x1x64xf32>
      %squeeze3A_104 = vector.shape_cast %slice3A_103 : vector<256x1x64xf32> to vector<256x64xf32>
      %transpose3A_105 = tpu.transpose %squeeze3A_104, [1, 0] : vector<256x64xf32> -> vector<64x256xf32>
      %slice3A_106 = vector.extract_strided_slice %squeeze3A {offsets = [0, 26, 0], sizes = [256, 1, 64], strides = [1, 1, 1]} : vector<256x32x64xf32> to vector<256x1x64xf32>
      %squeeze3A_107 = vector.shape_cast %slice3A_106 : vector<256x1x64xf32> to vector<256x64xf32>
      %transpose3A_108 = tpu.transpose %squeeze3A_107, [1, 0] : vector<256x64xf32> -> vector<64x256xf32>
      %slice3A_109 = vector.extract_strided_slice %squeeze3A {offsets = [0, 27, 0], sizes = [256, 1, 64], strides = [1, 1, 1]} : vector<256x32x64xf32> to vector<256x1x64xf32>
      %squeeze3A_110 = vector.shape_cast %slice3A_109 : vector<256x1x64xf32> to vector<256x64xf32>
      %transpose3A_111 = tpu.transpose %squeeze3A_110, [1, 0] : vector<256x64xf32> -> vector<64x256xf32>
      %slice3A_112 = vector.extract_strided_slice %squeeze3A {offsets = [0, 28, 0], sizes = [256, 1, 64], strides = [1, 1, 1]} : vector<256x32x64xf32> to vector<256x1x64xf32>
      %squeeze3A_113 = vector.shape_cast %slice3A_112 : vector<256x1x64xf32> to vector<256x64xf32>
      %transpose3A_114 = tpu.transpose %squeeze3A_113, [1, 0] : vector<256x64xf32> -> vector<64x256xf32>
      %slice3A_115 = vector.extract_strided_slice %squeeze3A {offsets = [0, 29, 0], sizes = [256, 1, 64], strides = [1, 1, 1]} : vector<256x32x64xf32> to vector<256x1x64xf32>
      %squeeze3A_116 = vector.shape_cast %slice3A_115 : vector<256x1x64xf32> to vector<256x64xf32>
      %transpose3A_117 = tpu.transpose %squeeze3A_116, [1, 0] : vector<256x64xf32> -> vector<64x256xf32>
      %slice3A_118 = vector.extract_strided_slice %squeeze3A {offsets = [0, 30, 0], sizes = [256, 1, 64], strides = [1, 1, 1]} : vector<256x32x64xf32> to vector<256x1x64xf32>
      %squeeze3A_119 = vector.shape_cast %slice3A_118 : vector<256x1x64xf32> to vector<256x64xf32>
      %transpose3A_120 = tpu.transpose %squeeze3A_119, [1, 0] : vector<256x64xf32> -> vector<64x256xf32>
      %slice3A_121 = vector.extract_strided_slice %squeeze3A {offsets = [0, 31, 0], sizes = [256, 1, 64], strides = [1, 1, 1]} : vector<256x32x64xf32> to vector<256x1x64xf32>
      %squeeze3A_122 = vector.shape_cast %slice3A_121 : vector<256x1x64xf32> to vector<256x64xf32>
      %transpose3A_123 = tpu.transpose %squeeze3A_122, [1, 0] : vector<256x64xf32> -> vector<64x256xf32>
      %concatenate3A = tpu.concatenate %transpose3A, %transpose3A_33, %transpose3A_36, %transpose3A_39, %transpose3A_42, %transpose3A_45, %transpose3A_48, %transpose3A_51, %transpose3A_54, %transpose3A_57, %transpose3A_60, %transpose3A_63, %transpose3A_66, %transpose3A_69, %transpose3A_72, %transpose3A_75, %transpose3A_78, %transpose3A_81, %transpose3A_84, %transpose3A_87, %transpose3A_90, %transpose3A_93, %transpose3A_96, %transpose3A_99, %transpose3A_102, %transpose3A_105, %transpose3A_108, %transpose3A_111, %transpose3A_114, %transpose3A_117, %transpose3A_120, %transpose3A_123 in 0 : vector<64x256xf32>, vector<64x256xf32>, vector<64x256xf32>, vector<64x256xf32>, vector<64x256xf32>, vector<64x256xf32>, vector<64x256xf32>, vector<64x256xf32>, vector<64x256xf32>, vector<64x256xf32>, vector<64x256xf32>, vector<64x256xf32>, vector<64x256xf32>, vector<64x256xf32>, vector<64x256xf32>, vector<64x256xf32>, vector<64x256xf32>, vector<64x256xf32>, vector<64x256xf32>, vector<64x256xf32>, vector<64x256xf32>, vector<64x256xf32>, vector<64x256xf32>, vector<64x256xf32>, vector<64x256xf32>, vector<64x256xf32>, vector<64x256xf32>, vector<64x256xf32>, vector<64x256xf32>, vector<64x256xf32>, vector<64x256xf32>, vector<64x256xf32> -> vector<2048x256xf32>
      %swap3A = arith.constant 0 : index
      %swap3A_124 = arith.constant 0 : index
      %swap3A_125 = vector.load %arg6[%swap3A, %swap3A_124] : memref<2048x256xf32, #tpu.memory_space<vmem>>, vector<2048x256xf32>
      tpu.vector_store %arg6[%swap3A, %swap3A_124], %concatenate3A {strides = array<i32>} : memref<2048x256xf32, #tpu.memory_space<vmem>>, vector<2048x256xf32>,
      %slice3A_126 = vector.extract_strided_slice %concatenate3A {offsets = [1, 0], sizes = [2047, 256], strides = [1, 1]} : vector<2048x256xf32> to vector<2047x256xf32>
      %swap3A_127 = arith.constant 0 : index
      %swap3A_128 = arith.constant 0 : index
      %swap3A_129 = vector.load %arg8[%swap3A_127, %swap3A_128] : memref<2048x256xf32, #tpu.memory_space<vmem>>, vector<2047x256xf32>
      tpu.vector_store %arg8[%swap3A_127, %swap3A_128], %slice3A_126 {strides = array<i32>} : memref<2048x256xf32, #tpu.memory_space<vmem>>, vector<2047x256xf32>,
      %eq3A_130 = arith.constant 0 : i32
      %eq3A_131 = arith.cmpi eq, %arg1, %eq3A_130 : i32
      %convert_element_type3A_132 = arith.extui %eq3A_131 : i1 to i32
      %cond3A_133 = arith.constant 0 : i32
      %cond3A_134 = arith.cmpi ne, %convert_element_type3A_132, %cond3A_133 : i32
      scf.if %cond3A_134 {
        %slice3A_146 = vector.extract_strided_slice %concatenate3A {offsets = [2047, 0], sizes = [1, 256], strides = [1, 1]} : vector<2048x256xf32> to vector<1x256xf32>
        %swap3A_147 = arith.constant 2047 : index
        %swap3A_148 = arith.constant 0 : index
        %swap3A_149 = vector.load %arg8[%swap3A_147, %swap3A_148] : memref<2048x256xf32, #tpu.memory_space<vmem>>, vector<1x256xf32>
        tpu.vector_store %arg8[%swap3A_147, %swap3A_148], %slice3A_146 {strides = array<i32>} : memref<2048x256xf32, #tpu.memory_space<vmem>>, vector<1x256xf32>,
      } else {
      }
      %ne3A = arith.constant 0 : i32
      %ne3A_135 = arith.cmpi ne, %arg1, %ne3A : i32
      %convert_element_type3A_136 = arith.extui %ne3A_135 : i1 to i32
      %cond3A_137 = arith.constant 0 : i32
      %cond3A_138 = arith.cmpi ne, %convert_element_type3A_136, %cond3A_137 : i32
      scf.if %cond3A_138 {
        %get3A_146 = arith.constant 0 : index
        %get3A_147 = arith.constant 0 : index
        %get3A_148 = vector.load %arg9[%get3A_146, %get3A_147] : memref<1x256xf32, #tpu.memory_space<vmem>>, vector<1x256xf32>
        %swap3A_149 = arith.constant 2047 : index
        %swap3A_150 = arith.constant 0 : index
        %swap3A_151 = vector.load %arg8[%swap3A_149, %swap3A_150] : memref<2048x256xf32, #tpu.memory_space<vmem>>, vector<1x256xf32>
        tpu.vector_store %arg8[%swap3A_149, %swap3A_150], %get3A_148 {strides = array<i32>} : memref<2048x256xf32, #tpu.memory_space<vmem>>, vector<1x256xf32>,
      } else {
      }
      %slice3A_139 = vector.extract_strided_slice %concatenate3A {offsets = [0, 0], sizes = [1, 256], strides = [1, 1]} : vector<2048x256xf32> to vector<1x256xf32>
      %swap3A_140 = arith.constant 0 : index
      %swap3A_141 = arith.constant 0 : index
      %swap3A_142 = vector.load %arg9[%swap3A_140, %swap3A_141] : memref<1x256xf32, #tpu.memory_space<vmem>>, vector<1x256xf32>
      tpu.vector_store %arg9[%swap3A_140, %swap3A_141], %slice3A_139 {strides = array<i32>} : memref<1x256xf32, #tpu.memory_space<vmem>>, vector<1x256xf32>,
      %dma_start3A = arith.constant 0 : i32
      %dma_start3A_143 = tpu.memref_slice %arg4[%add3A_9, %dma_start3A] : memref<174088x512xf32, #tpu.memory_space<hbm>> -> memref<2048x256xf32, #tpu.memory_space<hbm>>
      tpu.enqueue_dma source(%arg6 : memref<2048x256xf32, #tpu.memory_space<vmem>>) target(%dma_start3A_143 : memref<2048x256xf32, #tpu.memory_space<hbm>>) target_semaphore(%arg11 : memref<!tpu.dma_semaphore, #tpu.memory_space<semaphore_mem>>)
      %dma_start3A_144 = arith.constant 256 : i32
      %dma_start3A_145 = tpu.memref_slice %arg4[%add3A_9, %dma_start3A_144] : memref<174088x512xf32, #tpu.memory_space<hbm>> -> memref<2048x256xf32, #tpu.memory_space<hbm>>
      tpu.enqueue_dma source(%arg8 : memref<2048x256xf32, #tpu.memory_space<vmem>>) target(%dma_start3A_145 : memref<2048x256xf32, #tpu.memory_space<hbm>>) target_semaphore(%arg11 : memref<!tpu.dma_semaphore, #tpu.memory_space<semaphore_mem>>)
    } else {
    }
    %eq3A_17 = arith.constant 3 : i32
    %eq3A_18 = arith.cmpi eq, %add3A, %eq3A_17 : i32
    %convert_element_type3A_19 = arith.extui %eq3A_18 : i1 to i32
    %cond3A_20 = arith.constant 0 : i32
    %cond3A_21 = arith.cmpi ne, %convert_element_type3A_19, %cond3A_20 : i32
    scf.if %cond3A_21 {
      %dma_wait3A = arith.constant 0 : i32
      %dma_wait3A_22 = arith.constant 0 : i32
      %dma_wait3A_23 = tpu.memref_slice %arg4[%dma_wait3A, %dma_wait3A_22] : memref<174088x512xf32, #tpu.memory_space<hbm>> -> memref<2048x256xf32, #tpu.memory_space<hbm>>
      tpu.wait_dma2 semaphore(%arg11 : memref<!tpu.dma_semaphore, #tpu.memory_space<semaphore_mem>>) src(%arg5 : memref<2048x256xf32, #tpu.memory_space<vmem>>) dst(%dma_wait3A_23 : memref<2048x256xf32, #tpu.memory_space<hbm>>)
      %dma_wait3A_24 = arith.constant 0 : i32
      %dma_wait3A_25 = arith.constant 0 : i32
      %dma_wait3A_26 = tpu.memref_slice %arg4[%dma_wait3A_24, %dma_wait3A_25] : memref<174088x512xf32, #tpu.memory_space<hbm>> -> memref<2048x256xf32, #tpu.memory_space<hbm>>
      tpu.wait_dma2 semaphore(%arg11 : memref<!tpu.dma_semaphore, #tpu.memory_space<semaphore_mem>>) src(%arg5 : memref<2048x256xf32, #tpu.memory_space<vmem>>) dst(%dma_wait3A_26 : memref<2048x256xf32, #tpu.memory_space<hbm>>)
      %dma_wait3A_27 = arith.constant 0 : i32
      %dma_wait3A_28 = arith.constant 0 : i32
      %dma_wait3A_29 = tpu.memref_slice %arg4[%dma_wait3A_27, %dma_wait3A_28] : memref<174088x512xf32, #tpu.memory_space<hbm>> -> memref<2048x256xf32, #tpu.memory_space<hbm>>
      tpu.wait_dma2 semaphore(%arg10 : memref<!tpu.dma_semaphore, #tpu.memory_space<semaphore_mem>>) src(%arg5 : memref<2048x256xf32, #tpu.memory_space<vmem>>) dst(%dma_wait3A_29 : memref<2048x256xf32, #tpu.memory_space<hbm>>)
      %dma_wait3A_30 = arith.constant 0 : i32
      %dma_wait3A_31 = arith.constant 0 : i32
      %dma_wait3A_32 = tpu.memref_slice %arg4[%dma_wait3A_30, %dma_wait3A_31] : memref<174088x512xf32, #tpu.memory_space<hbm>> -> memref<2048x256xf32, #tpu.memory_space<hbm>>
      tpu.wait_dma2 semaphore(%arg10 : memref<!tpu.dma_semaphore, #tpu.memory_space<semaphore_mem>>) src(%arg5 : memref<2048x256xf32, #tpu.memory_space<vmem>>) dst(%dma_wait3A_32 : memref<2048x256xf32, #tpu.memory_space<hbm>>)
    } else {
    }
    return
  }
  func.func @transform_1(%arg0: i32, %arg1: i32) -> (i32, i32, i32, i32) {
    %sub3A = arith.constant 1 : i32
    %sub3A_0 = arith.subi %sub3A, %arg1 : i32
    %c0_i32 = arith.constant 0 : i32
    %c0_i32_1 = arith.constant 0 : i32
    %c0_i32_2 = arith.constant 0 : i32
    return %arg0, %c0_i32, %sub3A_0, %c0_i32_1 : i32, i32, i32, i32
  }
}

module attributes {stable_mosaic.version = 14 : i64} {
  func.func @body(%arg0: i32, %arg1: i32, %arg2: memref<174088x512xf32, #tpu.memory_space<hbm>>, %arg3: memref<1x256x32x32xf32, #tpu.memory_space<vmem>>, %arg4: memref<174088x512xf32, #tpu.memory_space<hbm>>, %arg5: memref<1024x256xf32, #tpu.memory_space<vmem>>, %arg6: memref<1024x256xf32, #tpu.memory_space<vmem>>, %arg7: memref<1024x256xf32, #tpu.memory_space<vmem>>, %arg8: memref<1024x256xf32, #tpu.memory_space<vmem>>, %arg9: memref<1x256xf32, #tpu.memory_space<vmem>>, %arg10: memref<!tpu.dma_semaphore, #tpu.memory_space<semaphore_mem>>, %arg11: memref<!tpu.dma_semaphore, #tpu.memory_space<semaphore_mem>>) attributes {dimension_semantics = [#tpu.dimension_semantics<arbitrary>, #tpu.dimension_semantics<arbitrary>], iteration_bounds = array<i64: 2, 1>, scalar_prefetch = 0 : i64, scratch_operands = 7 : i64, tpu.core_type = #tpu.core_type<tc>, window_params = [{}, {transform_indices = @transform_1, window_bounds = array<i64: 1, 256, 32, 32>}, {}]} {
    %sub3A = arith.constant 0 : i32
    %sub3A_0 = arith.subi %sub3A, %arg1 : i32
    %mul3A = arith.constant 1 : i32
    %mul3A_1 = arith.muli %arg0, %mul3A : i32
    %add3A = arith.addi %mul3A_1, %arg1 : i32
    %rem3A = arith.constant 2 : i32
    %rem3A_2 = arith.remsi %add3A, %rem3A : i32
    %mul3A_3 = arith.constant 1024 : i32
    %mul3A_4 = arith.muli %arg0, %mul3A_3 : i32
    %add3A_5 = arith.constant 172040 : i32
    %add3A_6 = arith.addi %add3A_5, %mul3A_4 : i32
    %mul3A_7 = arith.constant 1024 : i32
    %mul3A_8 = arith.muli %sub3A_0, %mul3A_7 : i32
    %add3A_9 = arith.addi %add3A_6, %mul3A_8 : i32
    %eq3A = arith.constant 0 : i32
    %eq3A_10 = arith.cmpi eq, %rem3A_2, %eq3A : i32
    %convert_element_type3A = arith.extui %eq3A_10 : i1 to i32
    %cond3A = arith.constant 0 : i32
    %cond3A_11 = arith.cmpi ne, %convert_element_type3A, %cond3A : i32
    scf.if %cond3A_11 {
      %ge3A = arith.constant 2 : i32
      %ge3A_22 = arith.cmpi sge, %add3A, %ge3A : i32
      %convert_element_type3A_23 = arith.extui %ge3A_22 : i1 to i32
      %cond3A_24 = arith.constant 0 : i32
      %cond3A_25 = arith.cmpi ne, %convert_element_type3A_23, %cond3A_24 : i32
      scf.if %cond3A_25 {
        %dma_wait3A = arith.constant 0 : i32
        %dma_wait3A_146 = arith.constant 0 : i32
        %dma_wait3A_147 = tpu.memref_slice %arg4[%dma_wait3A, %dma_wait3A_146] : memref<174088x512xf32, #tpu.memory_space<hbm>> -> memref<1024x256xf32, #tpu.memory_space<hbm>>
        tpu.wait_dma2 semaphore(%arg10 : memref<!tpu.dma_semaphore, #tpu.memory_space<semaphore_mem>>) src(%arg5 : memref<1024x256xf32, #tpu.memory_space<vmem>>) dst(%dma_wait3A_147 : memref<1024x256xf32, #tpu.memory_space<hbm>>)
        %dma_wait3A_148 = arith.constant 0 : i32
        %dma_wait3A_149 = arith.constant 0 : i32
        %dma_wait3A_150 = tpu.memref_slice %arg4[%dma_wait3A_148, %dma_wait3A_149] : memref<174088x512xf32, #tpu.memory_space<hbm>> -> memref<1024x256xf32, #tpu.memory_space<hbm>>
        tpu.wait_dma2 semaphore(%arg10 : memref<!tpu.dma_semaphore, #tpu.memory_space<semaphore_mem>>) src(%arg5 : memref<1024x256xf32, #tpu.memory_space<vmem>>) dst(%dma_wait3A_150 : memref<1024x256xf32, #tpu.memory_space<hbm>>)
      } else {
      }
      %get3A = arith.constant 0 : index
      %get3A_26 = arith.constant 0 : index
      %get3A_27 = arith.constant 0 : index
      %get3A_28 = arith.constant 0 : index
      %get3A_29 = vector.load %arg3[%get3A, %get3A_26, %get3A_27, %get3A_28] : memref<1x256x32x32xf32, #tpu.memory_space<vmem>>, vector<1x256x32x32xf32>
      %squeeze3A = vector.shape_cast %get3A_29 : vector<1x256x32x32xf32> to vector<256x32x32xf32>
      %slice3A = vector.extract_strided_slice %squeeze3A {offsets = [0, 0, 0], sizes = [256, 1, 32], strides = [1, 1, 1]} : vector<256x32x32xf32> to vector<256x1x32xf32>
      %squeeze3A_30 = vector.shape_cast %slice3A : vector<256x1x32xf32> to vector<256x32xf32>
      %transpose3A = tpu.transpose %squeeze3A_30, [1, 0] : vector<256x32xf32> -> vector<32x256xf32>
      %slice3A_31 = vector.extract_strided_slice %squeeze3A {offsets = [0, 1, 0], sizes = [256, 1, 32], strides = [1, 1, 1]} : vector<256x32x32xf32> to vector<256x1x32xf32>
      %squeeze3A_32 = vector.shape_cast %slice3A_31 : vector<256x1x32xf32> to vector<256x32xf32>
      %transpose3A_33 = tpu.transpose %squeeze3A_32, [1, 0] : vector<256x32xf32> -> vector<32x256xf32>
      %slice3A_34 = vector.extract_strided_slice %squeeze3A {offsets = [0, 2, 0], sizes = [256, 1, 32], strides = [1, 1, 1]} : vector<256x32x32xf32> to vector<256x1x32xf32>
      %squeeze3A_35 = vector.shape_cast %slice3A_34 : vector<256x1x32xf32> to vector<256x32xf32>
      %transpose3A_36 = tpu.transpose %squeeze3A_35, [1, 0] : vector<256x32xf32> -> vector<32x256xf32>
      %slice3A_37 = vector.extract_strided_slice %squeeze3A {offsets = [0, 3, 0], sizes = [256, 1, 32], strides = [1, 1, 1]} : vector<256x32x32xf32> to vector<256x1x32xf32>
      %squeeze3A_38 = vector.shape_cast %slice3A_37 : vector<256x1x32xf32> to vector<256x32xf32>
      %transpose3A_39 = tpu.transpose %squeeze3A_38, [1, 0] : vector<256x32xf32> -> vector<32x256xf32>
      %slice3A_40 = vector.extract_strided_slice %squeeze3A {offsets = [0, 4, 0], sizes = [256, 1, 32], strides = [1, 1, 1]} : vector<256x32x32xf32> to vector<256x1x32xf32>
      %squeeze3A_41 = vector.shape_cast %slice3A_40 : vector<256x1x32xf32> to vector<256x32xf32>
      %transpose3A_42 = tpu.transpose %squeeze3A_41, [1, 0] : vector<256x32xf32> -> vector<32x256xf32>
      %slice3A_43 = vector.extract_strided_slice %squeeze3A {offsets = [0, 5, 0], sizes = [256, 1, 32], strides = [1, 1, 1]} : vector<256x32x32xf32> to vector<256x1x32xf32>
      %squeeze3A_44 = vector.shape_cast %slice3A_43 : vector<256x1x32xf32> to vector<256x32xf32>
      %transpose3A_45 = tpu.transpose %squeeze3A_44, [1, 0] : vector<256x32xf32> -> vector<32x256xf32>
      %slice3A_46 = vector.extract_strided_slice %squeeze3A {offsets = [0, 6, 0], sizes = [256, 1, 32], strides = [1, 1, 1]} : vector<256x32x32xf32> to vector<256x1x32xf32>
      %squeeze3A_47 = vector.shape_cast %slice3A_46 : vector<256x1x32xf32> to vector<256x32xf32>
      %transpose3A_48 = tpu.transpose %squeeze3A_47, [1, 0] : vector<256x32xf32> -> vector<32x256xf32>
      %slice3A_49 = vector.extract_strided_slice %squeeze3A {offsets = [0, 7, 0], sizes = [256, 1, 32], strides = [1, 1, 1]} : vector<256x32x32xf32> to vector<256x1x32xf32>
      %squeeze3A_50 = vector.shape_cast %slice3A_49 : vector<256x1x32xf32> to vector<256x32xf32>
      %transpose3A_51 = tpu.transpose %squeeze3A_50, [1, 0] : vector<256x32xf32> -> vector<32x256xf32>
      %slice3A_52 = vector.extract_strided_slice %squeeze3A {offsets = [0, 8, 0], sizes = [256, 1, 32], strides = [1, 1, 1]} : vector<256x32x32xf32> to vector<256x1x32xf32>
      %squeeze3A_53 = vector.shape_cast %slice3A_52 : vector<256x1x32xf32> to vector<256x32xf32>
      %transpose3A_54 = tpu.transpose %squeeze3A_53, [1, 0] : vector<256x32xf32> -> vector<32x256xf32>
      %slice3A_55 = vector.extract_strided_slice %squeeze3A {offsets = [0, 9, 0], sizes = [256, 1, 32], strides = [1, 1, 1]} : vector<256x32x32xf32> to vector<256x1x32xf32>
      %squeeze3A_56 = vector.shape_cast %slice3A_55 : vector<256x1x32xf32> to vector<256x32xf32>
      %transpose3A_57 = tpu.transpose %squeeze3A_56, [1, 0] : vector<256x32xf32> -> vector<32x256xf32>
      %slice3A_58 = vector.extract_strided_slice %squeeze3A {offsets = [0, 10, 0], sizes = [256, 1, 32], strides = [1, 1, 1]} : vector<256x32x32xf32> to vector<256x1x32xf32>
      %squeeze3A_59 = vector.shape_cast %slice3A_58 : vector<256x1x32xf32> to vector<256x32xf32>
      %transpose3A_60 = tpu.transpose %squeeze3A_59, [1, 0] : vector<256x32xf32> -> vector<32x256xf32>
      %slice3A_61 = vector.extract_strided_slice %squeeze3A {offsets = [0, 11, 0], sizes = [256, 1, 32], strides = [1, 1, 1]} : vector<256x32x32xf32> to vector<256x1x32xf32>
      %squeeze3A_62 = vector.shape_cast %slice3A_61 : vector<256x1x32xf32> to vector<256x32xf32>
      %transpose3A_63 = tpu.transpose %squeeze3A_62, [1, 0] : vector<256x32xf32> -> vector<32x256xf32>
      %slice3A_64 = vector.extract_strided_slice %squeeze3A {offsets = [0, 12, 0], sizes = [256, 1, 32], strides = [1, 1, 1]} : vector<256x32x32xf32> to vector<256x1x32xf32>
      %squeeze3A_65 = vector.shape_cast %slice3A_64 : vector<256x1x32xf32> to vector<256x32xf32>
      %transpose3A_66 = tpu.transpose %squeeze3A_65, [1, 0] : vector<256x32xf32> -> vector<32x256xf32>
      %slice3A_67 = vector.extract_strided_slice %squeeze3A {offsets = [0, 13, 0], sizes = [256, 1, 32], strides = [1, 1, 1]} : vector<256x32x32xf32> to vector<256x1x32xf32>
      %squeeze3A_68 = vector.shape_cast %slice3A_67 : vector<256x1x32xf32> to vector<256x32xf32>
      %transpose3A_69 = tpu.transpose %squeeze3A_68, [1, 0] : vector<256x32xf32> -> vector<32x256xf32>
      %slice3A_70 = vector.extract_strided_slice %squeeze3A {offsets = [0, 14, 0], sizes = [256, 1, 32], strides = [1, 1, 1]} : vector<256x32x32xf32> to vector<256x1x32xf32>
      %squeeze3A_71 = vector.shape_cast %slice3A_70 : vector<256x1x32xf32> to vector<256x32xf32>
      %transpose3A_72 = tpu.transpose %squeeze3A_71, [1, 0] : vector<256x32xf32> -> vector<32x256xf32>
      %slice3A_73 = vector.extract_strided_slice %squeeze3A {offsets = [0, 15, 0], sizes = [256, 1, 32], strides = [1, 1, 1]} : vector<256x32x32xf32> to vector<256x1x32xf32>
      %squeeze3A_74 = vector.shape_cast %slice3A_73 : vector<256x1x32xf32> to vector<256x32xf32>
      %transpose3A_75 = tpu.transpose %squeeze3A_74, [1, 0] : vector<256x32xf32> -> vector<32x256xf32>
      %slice3A_76 = vector.extract_strided_slice %squeeze3A {offsets = [0, 16, 0], sizes = [256, 1, 32], strides = [1, 1, 1]} : vector<256x32x32xf32> to vector<256x1x32xf32>
      %squeeze3A_77 = vector.shape_cast %slice3A_76 : vector<256x1x32xf32> to vector<256x32xf32>
      %transpose3A_78 = tpu.transpose %squeeze3A_77, [1, 0] : vector<256x32xf32> -> vector<32x256xf32>
      %slice3A_79 = vector.extract_strided_slice %squeeze3A {offsets = [0, 17, 0], sizes = [256, 1, 32], strides = [1, 1, 1]} : vector<256x32x32xf32> to vector<256x1x32xf32>
      %squeeze3A_80 = vector.shape_cast %slice3A_79 : vector<256x1x32xf32> to vector<256x32xf32>
      %transpose3A_81 = tpu.transpose %squeeze3A_80, [1, 0] : vector<256x32xf32> -> vector<32x256xf32>
      %slice3A_82 = vector.extract_strided_slice %squeeze3A {offsets = [0, 18, 0], sizes = [256, 1, 32], strides = [1, 1, 1]} : vector<256x32x32xf32> to vector<256x1x32xf32>
      %squeeze3A_83 = vector.shape_cast %slice3A_82 : vector<256x1x32xf32> to vector<256x32xf32>
      %transpose3A_84 = tpu.transpose %squeeze3A_83, [1, 0] : vector<256x32xf32> -> vector<32x256xf32>
      %slice3A_85 = vector.extract_strided_slice %squeeze3A {offsets = [0, 19, 0], sizes = [256, 1, 32], strides = [1, 1, 1]} : vector<256x32x32xf32> to vector<256x1x32xf32>
      %squeeze3A_86 = vector.shape_cast %slice3A_85 : vector<256x1x32xf32> to vector<256x32xf32>
      %transpose3A_87 = tpu.transpose %squeeze3A_86, [1, 0] : vector<256x32xf32> -> vector<32x256xf32>
      %slice3A_88 = vector.extract_strided_slice %squeeze3A {offsets = [0, 20, 0], sizes = [256, 1, 32], strides = [1, 1, 1]} : vector<256x32x32xf32> to vector<256x1x32xf32>
      %squeeze3A_89 = vector.shape_cast %slice3A_88 : vector<256x1x32xf32> to vector<256x32xf32>
      %transpose3A_90 = tpu.transpose %squeeze3A_89, [1, 0] : vector<256x32xf32> -> vector<32x256xf32>
      %slice3A_91 = vector.extract_strided_slice %squeeze3A {offsets = [0, 21, 0], sizes = [256, 1, 32], strides = [1, 1, 1]} : vector<256x32x32xf32> to vector<256x1x32xf32>
      %squeeze3A_92 = vector.shape_cast %slice3A_91 : vector<256x1x32xf32> to vector<256x32xf32>
      %transpose3A_93 = tpu.transpose %squeeze3A_92, [1, 0] : vector<256x32xf32> -> vector<32x256xf32>
      %slice3A_94 = vector.extract_strided_slice %squeeze3A {offsets = [0, 22, 0], sizes = [256, 1, 32], strides = [1, 1, 1]} : vector<256x32x32xf32> to vector<256x1x32xf32>
      %squeeze3A_95 = vector.shape_cast %slice3A_94 : vector<256x1x32xf32> to vector<256x32xf32>
      %transpose3A_96 = tpu.transpose %squeeze3A_95, [1, 0] : vector<256x32xf32> -> vector<32x256xf32>
      %slice3A_97 = vector.extract_strided_slice %squeeze3A {offsets = [0, 23, 0], sizes = [256, 1, 32], strides = [1, 1, 1]} : vector<256x32x32xf32> to vector<256x1x32xf32>
      %squeeze3A_98 = vector.shape_cast %slice3A_97 : vector<256x1x32xf32> to vector<256x32xf32>
      %transpose3A_99 = tpu.transpose %squeeze3A_98, [1, 0] : vector<256x32xf32> -> vector<32x256xf32>
      %slice3A_100 = vector.extract_strided_slice %squeeze3A {offsets = [0, 24, 0], sizes = [256, 1, 32], strides = [1, 1, 1]} : vector<256x32x32xf32> to vector<256x1x32xf32>
      %squeeze3A_101 = vector.shape_cast %slice3A_100 : vector<256x1x32xf32> to vector<256x32xf32>
      %transpose3A_102 = tpu.transpose %squeeze3A_101, [1, 0] : vector<256x32xf32> -> vector<32x256xf32>
      %slice3A_103 = vector.extract_strided_slice %squeeze3A {offsets = [0, 25, 0], sizes = [256, 1, 32], strides = [1, 1, 1]} : vector<256x32x32xf32> to vector<256x1x32xf32>
      %squeeze3A_104 = vector.shape_cast %slice3A_103 : vector<256x1x32xf32> to vector<256x32xf32>
      %transpose3A_105 = tpu.transpose %squeeze3A_104, [1, 0] : vector<256x32xf32> -> vector<32x256xf32>
      %slice3A_106 = vector.extract_strided_slice %squeeze3A {offsets = [0, 26, 0], sizes = [256, 1, 32], strides = [1, 1, 1]} : vector<256x32x32xf32> to vector<256x1x32xf32>
      %squeeze3A_107 = vector.shape_cast %slice3A_106 : vector<256x1x32xf32> to vector<256x32xf32>
      %transpose3A_108 = tpu.transpose %squeeze3A_107, [1, 0] : vector<256x32xf32> -> vector<32x256xf32>
      %slice3A_109 = vector.extract_strided_slice %squeeze3A {offsets = [0, 27, 0], sizes = [256, 1, 32], strides = [1, 1, 1]} : vector<256x32x32xf32> to vector<256x1x32xf32>
      %squeeze3A_110 = vector.shape_cast %slice3A_109 : vector<256x1x32xf32> to vector<256x32xf32>
      %transpose3A_111 = tpu.transpose %squeeze3A_110, [1, 0] : vector<256x32xf32> -> vector<32x256xf32>
      %slice3A_112 = vector.extract_strided_slice %squeeze3A {offsets = [0, 28, 0], sizes = [256, 1, 32], strides = [1, 1, 1]} : vector<256x32x32xf32> to vector<256x1x32xf32>
      %squeeze3A_113 = vector.shape_cast %slice3A_112 : vector<256x1x32xf32> to vector<256x32xf32>
      %transpose3A_114 = tpu.transpose %squeeze3A_113, [1, 0] : vector<256x32xf32> -> vector<32x256xf32>
      %slice3A_115 = vector.extract_strided_slice %squeeze3A {offsets = [0, 29, 0], sizes = [256, 1, 32], strides = [1, 1, 1]} : vector<256x32x32xf32> to vector<256x1x32xf32>
      %squeeze3A_116 = vector.shape_cast %slice3A_115 : vector<256x1x32xf32> to vector<256x32xf32>
      %transpose3A_117 = tpu.transpose %squeeze3A_116, [1, 0] : vector<256x32xf32> -> vector<32x256xf32>
      %slice3A_118 = vector.extract_strided_slice %squeeze3A {offsets = [0, 30, 0], sizes = [256, 1, 32], strides = [1, 1, 1]} : vector<256x32x32xf32> to vector<256x1x32xf32>
      %squeeze3A_119 = vector.shape_cast %slice3A_118 : vector<256x1x32xf32> to vector<256x32xf32>
      %transpose3A_120 = tpu.transpose %squeeze3A_119, [1, 0] : vector<256x32xf32> -> vector<32x256xf32>
      %slice3A_121 = vector.extract_strided_slice %squeeze3A {offsets = [0, 31, 0], sizes = [256, 1, 32], strides = [1, 1, 1]} : vector<256x32x32xf32> to vector<256x1x32xf32>
      %squeeze3A_122 = vector.shape_cast %slice3A_121 : vector<256x1x32xf32> to vector<256x32xf32>
      %transpose3A_123 = tpu.transpose %squeeze3A_122, [1, 0] : vector<256x32xf32> -> vector<32x256xf32>
      %concatenate3A = tpu.concatenate %transpose3A, %transpose3A_33, %transpose3A_36, %transpose3A_39, %transpose3A_42, %transpose3A_45, %transpose3A_48, %transpose3A_51, %transpose3A_54, %transpose3A_57, %transpose3A_60, %transpose3A_63, %transpose3A_66, %transpose3A_69, %transpose3A_72, %transpose3A_75, %transpose3A_78, %transpose3A_81, %transpose3A_84, %transpose3A_87, %transpose3A_90, %transpose3A_93, %transpose3A_96, %transpose3A_99, %transpose3A_102, %transpose3A_105, %transpose3A_108, %transpose3A_111, %transpose3A_114, %transpose3A_117, %transpose3A_120, %transpose3A_123 in 0 : vector<32x256xf32>, vector<32x256xf32>, vector<32x256xf32>, vector<32x256xf32>, vector<32x256xf32>, vector<32x256xf32>, vector<32x256xf32>, vector<32x256xf32>, vector<32x256xf32>, vector<32x256xf32>, vector<32x256xf32>, vector<32x256xf32>, vector<32x256xf32>, vector<32x256xf32>, vector<32x256xf32>, vector<32x256xf32>, vector<32x256xf32>, vector<32x256xf32>, vector<32x256xf32>, vector<32x256xf32>, vector<32x256xf32>, vector<32x256xf32>, vector<32x256xf32>, vector<32x256xf32>, vector<32x256xf32>, vector<32x256xf32>, vector<32x256xf32>, vector<32x256xf32>, vector<32x256xf32>, vector<32x256xf32>, vector<32x256xf32>, vector<32x256xf32> -> vector<1024x256xf32>
      %swap3A = arith.constant 0 : index
      %swap3A_124 = arith.constant 0 : index
      %swap3A_125 = vector.load %arg5[%swap3A, %swap3A_124] : memref<1024x256xf32, #tpu.memory_space<vmem>>, vector<1024x256xf32>
      tpu.vector_store %arg5[%swap3A, %swap3A_124], %concatenate3A {strides = array<i32>} : memref<1024x256xf32, #tpu.memory_space<vmem>>, vector<1024x256xf32>,
      %slice3A_126 = vector.extract_strided_slice %concatenate3A {offsets = [1, 0], sizes = [1023, 256], strides = [1, 1]} : vector<1024x256xf32> to vector<1023x256xf32>
      %swap3A_127 = arith.constant 0 : index
      %swap3A_128 = arith.constant 0 : index
      %swap3A_129 = vector.load %arg7[%swap3A_127, %swap3A_128] : memref<1024x256xf32, #tpu.memory_space<vmem>>, vector<1023x256xf32>
      tpu.vector_store %arg7[%swap3A_127, %swap3A_128], %slice3A_126 {strides = array<i32>} : memref<1024x256xf32, #tpu.memory_space<vmem>>, vector<1023x256xf32>,
      %eq3A_130 = arith.constant 0 : i32
      %eq3A_131 = arith.cmpi eq, %arg1, %eq3A_130 : i32
      %convert_element_type3A_132 = arith.extui %eq3A_131 : i1 to i32
      %cond3A_133 = arith.constant 0 : i32
      %cond3A_134 = arith.cmpi ne, %convert_element_type3A_132, %cond3A_133 : i32
      scf.if %cond3A_134 {
        %slice3A_146 = vector.extract_strided_slice %concatenate3A {offsets = [1023, 0], sizes = [1, 256], strides = [1, 1]} : vector<1024x256xf32> to vector<1x256xf32>
        %swap3A_147 = arith.constant 1023 : index
        %swap3A_148 = arith.constant 0 : index
        %swap3A_149 = vector.load %arg7[%swap3A_147, %swap3A_148] : memref<1024x256xf32, #tpu.memory_space<vmem>>, vector<1x256xf32>
        tpu.vector_store %arg7[%swap3A_147, %swap3A_148], %slice3A_146 {strides = array<i32>} : memref<1024x256xf32, #tpu.memory_space<vmem>>, vector<1x256xf32>,
      } else {
      }
      %ne3A = arith.constant 0 : i32
      %ne3A_135 = arith.cmpi ne, %arg1, %ne3A : i32
      %convert_element_type3A_136 = arith.extui %ne3A_135 : i1 to i32
      %cond3A_137 = arith.constant 0 : i32
      %cond3A_138 = arith.cmpi ne, %convert_element_type3A_136, %cond3A_137 : i32
      scf.if %cond3A_138 {
        %get3A_146 = arith.constant 0 : index
        %get3A_147 = arith.constant 0 : index
        %get3A_148 = vector.load %arg9[%get3A_146, %get3A_147] : memref<1x256xf32, #tpu.memory_space<vmem>>, vector<1x256xf32>
        %swap3A_149 = arith.constant 1023 : index
        %swap3A_150 = arith.constant 0 : index
        %swap3A_151 = vector.load %arg7[%swap3A_149, %swap3A_150] : memref<1024x256xf32, #tpu.memory_space<vmem>>, vector<1x256xf32>
        tpu.vector_store %arg7[%swap3A_149, %swap3A_150], %get3A_148 {strides = array<i32>} : memref<1024x256xf32, #tpu.memory_space<vmem>>, vector<1x256xf32>,
      } else {
      }
      %slice3A_139 = vector.extract_strided_slice %concatenate3A {offsets = [0, 0], sizes = [1, 256], strides = [1, 1]} : vector<1024x256xf32> to vector<1x256xf32>
      %swap3A_140 = arith.constant 0 : index
      %swap3A_141 = arith.constant 0 : index
      %swap3A_142 = vector.load %arg9[%swap3A_140, %swap3A_141] : memref<1x256xf32, #tpu.memory_space<vmem>>, vector<1x256xf32>
      tpu.vector_store %arg9[%swap3A_140, %swap3A_141], %slice3A_139 {strides = array<i32>} : memref<1x256xf32, #tpu.memory_space<vmem>>, vector<1x256xf32>,
      %dma_start3A = arith.constant 0 : i32
      %dma_start3A_143 = tpu.memref_slice %arg4[%add3A_9, %dma_start3A] : memref<174088x512xf32, #tpu.memory_space<hbm>> -> memref<1024x256xf32, #tpu.memory_space<hbm>>
      tpu.enqueue_dma source(%arg5 : memref<1024x256xf32, #tpu.memory_space<vmem>>) target(%dma_start3A_143 : memref<1024x256xf32, #tpu.memory_space<hbm>>) target_semaphore(%arg10 : memref<!tpu.dma_semaphore, #tpu.memory_space<semaphore_mem>>)
      %dma_start3A_144 = arith.constant 256 : i32
      %dma_start3A_145 = tpu.memref_slice %arg4[%add3A_9, %dma_start3A_144] : memref<174088x512xf32, #tpu.memory_space<hbm>> -> memref<1024x256xf32, #tpu.memory_space<hbm>>
      tpu.enqueue_dma source(%arg7 : memref<1024x256xf32, #tpu.memory_space<vmem>>) target(%dma_start3A_145 : memref<1024x256xf32, #tpu.memory_space<hbm>>) target_semaphore(%arg10 : memref<!tpu.dma_semaphore, #tpu.memory_space<semaphore_mem>>)
    } else {
    }
    %eq3A_12 = arith.constant 1 : i32
    %eq3A_13 = arith.cmpi eq, %rem3A_2, %eq3A_12 : i32
    %convert_element_type3A_14 = arith.extui %eq3A_13 : i1 to i32
    %cond3A_15 = arith.constant 0 : i32
    %cond3A_16 = arith.cmpi ne, %convert_element_type3A_14, %cond3A_15 : i32
    scf.if %cond3A_16 {
      %ge3A = arith.constant 2 : i32
      %ge3A_22 = arith.cmpi sge, %add3A, %ge3A : i32
      %convert_element_type3A_23 = arith.extui %ge3A_22 : i1 to i32
      %cond3A_24 = arith.constant 0 : i32
      %cond3A_25 = arith.cmpi ne, %convert_element_type3A_23, %cond3A_24 : i32
      scf.if %cond3A_25 {
        %dma_wait3A = arith.constant 0 : i32
        %dma_wait3A_146 = arith.constant 0 : i32
        %dma_wait3A_147 = tpu.memref_slice %arg4[%dma_wait3A, %dma_wait3A_146] : memref<174088x512xf32, #tpu.memory_space<hbm>> -> memref<1024x256xf32, #tpu.memory_space<hbm>>
        tpu.wait_dma2 semaphore(%arg11 : memref<!tpu.dma_semaphore, #tpu.memory_space<semaphore_mem>>) src(%arg5 : memref<1024x256xf32, #tpu.memory_space<vmem>>) dst(%dma_wait3A_147 : memref<1024x256xf32, #tpu.memory_space<hbm>>)
        %dma_wait3A_148 = arith.constant 0 : i32
        %dma_wait3A_149 = arith.constant 0 : i32
        %dma_wait3A_150 = tpu.memref_slice %arg4[%dma_wait3A_148, %dma_wait3A_149] : memref<174088x512xf32, #tpu.memory_space<hbm>> -> memref<1024x256xf32, #tpu.memory_space<hbm>>
        tpu.wait_dma2 semaphore(%arg11 : memref<!tpu.dma_semaphore, #tpu.memory_space<semaphore_mem>>) src(%arg5 : memref<1024x256xf32, #tpu.memory_space<vmem>>) dst(%dma_wait3A_150 : memref<1024x256xf32, #tpu.memory_space<hbm>>)
      } else {
      }
      %get3A = arith.constant 0 : index
      %get3A_26 = arith.constant 0 : index
      %get3A_27 = arith.constant 0 : index
      %get3A_28 = arith.constant 0 : index
      %get3A_29 = vector.load %arg3[%get3A, %get3A_26, %get3A_27, %get3A_28] : memref<1x256x32x32xf32, #tpu.memory_space<vmem>>, vector<1x256x32x32xf32>
      %squeeze3A = vector.shape_cast %get3A_29 : vector<1x256x32x32xf32> to vector<256x32x32xf32>
      %slice3A = vector.extract_strided_slice %squeeze3A {offsets = [0, 0, 0], sizes = [256, 1, 32], strides = [1, 1, 1]} : vector<256x32x32xf32> to vector<256x1x32xf32>
      %squeeze3A_30 = vector.shape_cast %slice3A : vector<256x1x32xf32> to vector<256x32xf32>
      %transpose3A = tpu.transpose %squeeze3A_30, [1, 0] : vector<256x32xf32> -> vector<32x256xf32>
      %slice3A_31 = vector.extract_strided_slice %squeeze3A {offsets = [0, 1, 0], sizes = [256, 1, 32], strides = [1, 1, 1]} : vector<256x32x32xf32> to vector<256x1x32xf32>
      %squeeze3A_32 = vector.shape_cast %slice3A_31 : vector<256x1x32xf32> to vector<256x32xf32>
      %transpose3A_33 = tpu.transpose %squeeze3A_32, [1, 0] : vector<256x32xf32> -> vector<32x256xf32>
      %slice3A_34 = vector.extract_strided_slice %squeeze3A {offsets = [0, 2, 0], sizes = [256, 1, 32], strides = [1, 1, 1]} : vector<256x32x32xf32> to vector<256x1x32xf32>
      %squeeze3A_35 = vector.shape_cast %slice3A_34 : vector<256x1x32xf32> to vector<256x32xf32>
      %transpose3A_36 = tpu.transpose %squeeze3A_35, [1, 0] : vector<256x32xf32> -> vector<32x256xf32>
      %slice3A_37 = vector.extract_strided_slice %squeeze3A {offsets = [0, 3, 0], sizes = [256, 1, 32], strides = [1, 1, 1]} : vector<256x32x32xf32> to vector<256x1x32xf32>
      %squeeze3A_38 = vector.shape_cast %slice3A_37 : vector<256x1x32xf32> to vector<256x32xf32>
      %transpose3A_39 = tpu.transpose %squeeze3A_38, [1, 0] : vector<256x32xf32> -> vector<32x256xf32>
      %slice3A_40 = vector.extract_strided_slice %squeeze3A {offsets = [0, 4, 0], sizes = [256, 1, 32], strides = [1, 1, 1]} : vector<256x32x32xf32> to vector<256x1x32xf32>
      %squeeze3A_41 = vector.shape_cast %slice3A_40 : vector<256x1x32xf32> to vector<256x32xf32>
      %transpose3A_42 = tpu.transpose %squeeze3A_41, [1, 0] : vector<256x32xf32> -> vector<32x256xf32>
      %slice3A_43 = vector.extract_strided_slice %squeeze3A {offsets = [0, 5, 0], sizes = [256, 1, 32], strides = [1, 1, 1]} : vector<256x32x32xf32> to vector<256x1x32xf32>
      %squeeze3A_44 = vector.shape_cast %slice3A_43 : vector<256x1x32xf32> to vector<256x32xf32>
      %transpose3A_45 = tpu.transpose %squeeze3A_44, [1, 0] : vector<256x32xf32> -> vector<32x256xf32>
      %slice3A_46 = vector.extract_strided_slice %squeeze3A {offsets = [0, 6, 0], sizes = [256, 1, 32], strides = [1, 1, 1]} : vector<256x32x32xf32> to vector<256x1x32xf32>
      %squeeze3A_47 = vector.shape_cast %slice3A_46 : vector<256x1x32xf32> to vector<256x32xf32>
      %transpose3A_48 = tpu.transpose %squeeze3A_47, [1, 0] : vector<256x32xf32> -> vector<32x256xf32>
      %slice3A_49 = vector.extract_strided_slice %squeeze3A {offsets = [0, 7, 0], sizes = [256, 1, 32], strides = [1, 1, 1]} : vector<256x32x32xf32> to vector<256x1x32xf32>
      %squeeze3A_50 = vector.shape_cast %slice3A_49 : vector<256x1x32xf32> to vector<256x32xf32>
      %transpose3A_51 = tpu.transpose %squeeze3A_50, [1, 0] : vector<256x32xf32> -> vector<32x256xf32>
      %slice3A_52 = vector.extract_strided_slice %squeeze3A {offsets = [0, 8, 0], sizes = [256, 1, 32], strides = [1, 1, 1]} : vector<256x32x32xf32> to vector<256x1x32xf32>
      %squeeze3A_53 = vector.shape_cast %slice3A_52 : vector<256x1x32xf32> to vector<256x32xf32>
      %transpose3A_54 = tpu.transpose %squeeze3A_53, [1, 0] : vector<256x32xf32> -> vector<32x256xf32>
      %slice3A_55 = vector.extract_strided_slice %squeeze3A {offsets = [0, 9, 0], sizes = [256, 1, 32], strides = [1, 1, 1]} : vector<256x32x32xf32> to vector<256x1x32xf32>
      %squeeze3A_56 = vector.shape_cast %slice3A_55 : vector<256x1x32xf32> to vector<256x32xf32>
      %transpose3A_57 = tpu.transpose %squeeze3A_56, [1, 0] : vector<256x32xf32> -> vector<32x256xf32>
      %slice3A_58 = vector.extract_strided_slice %squeeze3A {offsets = [0, 10, 0], sizes = [256, 1, 32], strides = [1, 1, 1]} : vector<256x32x32xf32> to vector<256x1x32xf32>
      %squeeze3A_59 = vector.shape_cast %slice3A_58 : vector<256x1x32xf32> to vector<256x32xf32>
      %transpose3A_60 = tpu.transpose %squeeze3A_59, [1, 0] : vector<256x32xf32> -> vector<32x256xf32>
      %slice3A_61 = vector.extract_strided_slice %squeeze3A {offsets = [0, 11, 0], sizes = [256, 1, 32], strides = [1, 1, 1]} : vector<256x32x32xf32> to vector<256x1x32xf32>
      %squeeze3A_62 = vector.shape_cast %slice3A_61 : vector<256x1x32xf32> to vector<256x32xf32>
      %transpose3A_63 = tpu.transpose %squeeze3A_62, [1, 0] : vector<256x32xf32> -> vector<32x256xf32>
      %slice3A_64 = vector.extract_strided_slice %squeeze3A {offsets = [0, 12, 0], sizes = [256, 1, 32], strides = [1, 1, 1]} : vector<256x32x32xf32> to vector<256x1x32xf32>
      %squeeze3A_65 = vector.shape_cast %slice3A_64 : vector<256x1x32xf32> to vector<256x32xf32>
      %transpose3A_66 = tpu.transpose %squeeze3A_65, [1, 0] : vector<256x32xf32> -> vector<32x256xf32>
      %slice3A_67 = vector.extract_strided_slice %squeeze3A {offsets = [0, 13, 0], sizes = [256, 1, 32], strides = [1, 1, 1]} : vector<256x32x32xf32> to vector<256x1x32xf32>
      %squeeze3A_68 = vector.shape_cast %slice3A_67 : vector<256x1x32xf32> to vector<256x32xf32>
      %transpose3A_69 = tpu.transpose %squeeze3A_68, [1, 0] : vector<256x32xf32> -> vector<32x256xf32>
      %slice3A_70 = vector.extract_strided_slice %squeeze3A {offsets = [0, 14, 0], sizes = [256, 1, 32], strides = [1, 1, 1]} : vector<256x32x32xf32> to vector<256x1x32xf32>
      %squeeze3A_71 = vector.shape_cast %slice3A_70 : vector<256x1x32xf32> to vector<256x32xf32>
      %transpose3A_72 = tpu.transpose %squeeze3A_71, [1, 0] : vector<256x32xf32> -> vector<32x256xf32>
      %slice3A_73 = vector.extract_strided_slice %squeeze3A {offsets = [0, 15, 0], sizes = [256, 1, 32], strides = [1, 1, 1]} : vector<256x32x32xf32> to vector<256x1x32xf32>
      %squeeze3A_74 = vector.shape_cast %slice3A_73 : vector<256x1x32xf32> to vector<256x32xf32>
      %transpose3A_75 = tpu.transpose %squeeze3A_74, [1, 0] : vector<256x32xf32> -> vector<32x256xf32>
      %slice3A_76 = vector.extract_strided_slice %squeeze3A {offsets = [0, 16, 0], sizes = [256, 1, 32], strides = [1, 1, 1]} : vector<256x32x32xf32> to vector<256x1x32xf32>
      %squeeze3A_77 = vector.shape_cast %slice3A_76 : vector<256x1x32xf32> to vector<256x32xf32>
      %transpose3A_78 = tpu.transpose %squeeze3A_77, [1, 0] : vector<256x32xf32> -> vector<32x256xf32>
      %slice3A_79 = vector.extract_strided_slice %squeeze3A {offsets = [0, 17, 0], sizes = [256, 1, 32], strides = [1, 1, 1]} : vector<256x32x32xf32> to vector<256x1x32xf32>
      %squeeze3A_80 = vector.shape_cast %slice3A_79 : vector<256x1x32xf32> to vector<256x32xf32>
      %transpose3A_81 = tpu.transpose %squeeze3A_80, [1, 0] : vector<256x32xf32> -> vector<32x256xf32>
      %slice3A_82 = vector.extract_strided_slice %squeeze3A {offsets = [0, 18, 0], sizes = [256, 1, 32], strides = [1, 1, 1]} : vector<256x32x32xf32> to vector<256x1x32xf32>
      %squeeze3A_83 = vector.shape_cast %slice3A_82 : vector<256x1x32xf32> to vector<256x32xf32>
      %transpose3A_84 = tpu.transpose %squeeze3A_83, [1, 0] : vector<256x32xf32> -> vector<32x256xf32>
      %slice3A_85 = vector.extract_strided_slice %squeeze3A {offsets = [0, 19, 0], sizes = [256, 1, 32], strides = [1, 1, 1]} : vector<256x32x32xf32> to vector<256x1x32xf32>
      %squeeze3A_86 = vector.shape_cast %slice3A_85 : vector<256x1x32xf32> to vector<256x32xf32>
      %transpose3A_87 = tpu.transpose %squeeze3A_86, [1, 0] : vector<256x32xf32> -> vector<32x256xf32>
      %slice3A_88 = vector.extract_strided_slice %squeeze3A {offsets = [0, 20, 0], sizes = [256, 1, 32], strides = [1, 1, 1]} : vector<256x32x32xf32> to vector<256x1x32xf32>
      %squeeze3A_89 = vector.shape_cast %slice3A_88 : vector<256x1x32xf32> to vector<256x32xf32>
      %transpose3A_90 = tpu.transpose %squeeze3A_89, [1, 0] : vector<256x32xf32> -> vector<32x256xf32>
      %slice3A_91 = vector.extract_strided_slice %squeeze3A {offsets = [0, 21, 0], sizes = [256, 1, 32], strides = [1, 1, 1]} : vector<256x32x32xf32> to vector<256x1x32xf32>
      %squeeze3A_92 = vector.shape_cast %slice3A_91 : vector<256x1x32xf32> to vector<256x32xf32>
      %transpose3A_93 = tpu.transpose %squeeze3A_92, [1, 0] : vector<256x32xf32> -> vector<32x256xf32>
      %slice3A_94 = vector.extract_strided_slice %squeeze3A {offsets = [0, 22, 0], sizes = [256, 1, 32], strides = [1, 1, 1]} : vector<256x32x32xf32> to vector<256x1x32xf32>
      %squeeze3A_95 = vector.shape_cast %slice3A_94 : vector<256x1x32xf32> to vector<256x32xf32>
      %transpose3A_96 = tpu.transpose %squeeze3A_95, [1, 0] : vector<256x32xf32> -> vector<32x256xf32>
      %slice3A_97 = vector.extract_strided_slice %squeeze3A {offsets = [0, 23, 0], sizes = [256, 1, 32], strides = [1, 1, 1]} : vector<256x32x32xf32> to vector<256x1x32xf32>
      %squeeze3A_98 = vector.shape_cast %slice3A_97 : vector<256x1x32xf32> to vector<256x32xf32>
      %transpose3A_99 = tpu.transpose %squeeze3A_98, [1, 0] : vector<256x32xf32> -> vector<32x256xf32>
      %slice3A_100 = vector.extract_strided_slice %squeeze3A {offsets = [0, 24, 0], sizes = [256, 1, 32], strides = [1, 1, 1]} : vector<256x32x32xf32> to vector<256x1x32xf32>
      %squeeze3A_101 = vector.shape_cast %slice3A_100 : vector<256x1x32xf32> to vector<256x32xf32>
      %transpose3A_102 = tpu.transpose %squeeze3A_101, [1, 0] : vector<256x32xf32> -> vector<32x256xf32>
      %slice3A_103 = vector.extract_strided_slice %squeeze3A {offsets = [0, 25, 0], sizes = [256, 1, 32], strides = [1, 1, 1]} : vector<256x32x32xf32> to vector<256x1x32xf32>
      %squeeze3A_104 = vector.shape_cast %slice3A_103 : vector<256x1x32xf32> to vector<256x32xf32>
      %transpose3A_105 = tpu.transpose %squeeze3A_104, [1, 0] : vector<256x32xf32> -> vector<32x256xf32>
      %slice3A_106 = vector.extract_strided_slice %squeeze3A {offsets = [0, 26, 0], sizes = [256, 1, 32], strides = [1, 1, 1]} : vector<256x32x32xf32> to vector<256x1x32xf32>
      %squeeze3A_107 = vector.shape_cast %slice3A_106 : vector<256x1x32xf32> to vector<256x32xf32>
      %transpose3A_108 = tpu.transpose %squeeze3A_107, [1, 0] : vector<256x32xf32> -> vector<32x256xf32>
      %slice3A_109 = vector.extract_strided_slice %squeeze3A {offsets = [0, 27, 0], sizes = [256, 1, 32], strides = [1, 1, 1]} : vector<256x32x32xf32> to vector<256x1x32xf32>
      %squeeze3A_110 = vector.shape_cast %slice3A_109 : vector<256x1x32xf32> to vector<256x32xf32>
      %transpose3A_111 = tpu.transpose %squeeze3A_110, [1, 0] : vector<256x32xf32> -> vector<32x256xf32>
      %slice3A_112 = vector.extract_strided_slice %squeeze3A {offsets = [0, 28, 0], sizes = [256, 1, 32], strides = [1, 1, 1]} : vector<256x32x32xf32> to vector<256x1x32xf32>
      %squeeze3A_113 = vector.shape_cast %slice3A_112 : vector<256x1x32xf32> to vector<256x32xf32>
      %transpose3A_114 = tpu.transpose %squeeze3A_113, [1, 0] : vector<256x32xf32> -> vector<32x256xf32>
      %slice3A_115 = vector.extract_strided_slice %squeeze3A {offsets = [0, 29, 0], sizes = [256, 1, 32], strides = [1, 1, 1]} : vector<256x32x32xf32> to vector<256x1x32xf32>
      %squeeze3A_116 = vector.shape_cast %slice3A_115 : vector<256x1x32xf32> to vector<256x32xf32>
      %transpose3A_117 = tpu.transpose %squeeze3A_116, [1, 0] : vector<256x32xf32> -> vector<32x256xf32>
      %slice3A_118 = vector.extract_strided_slice %squeeze3A {offsets = [0, 30, 0], sizes = [256, 1, 32], strides = [1, 1, 1]} : vector<256x32x32xf32> to vector<256x1x32xf32>
      %squeeze3A_119 = vector.shape_cast %slice3A_118 : vector<256x1x32xf32> to vector<256x32xf32>
      %transpose3A_120 = tpu.transpose %squeeze3A_119, [1, 0] : vector<256x32xf32> -> vector<32x256xf32>
      %slice3A_121 = vector.extract_strided_slice %squeeze3A {offsets = [0, 31, 0], sizes = [256, 1, 32], strides = [1, 1, 1]} : vector<256x32x32xf32> to vector<256x1x32xf32>
      %squeeze3A_122 = vector.shape_cast %slice3A_121 : vector<256x1x32xf32> to vector<256x32xf32>
      %transpose3A_123 = tpu.transpose %squeeze3A_122, [1, 0] : vector<256x32xf32> -> vector<32x256xf32>
      %concatenate3A = tpu.concatenate %transpose3A, %transpose3A_33, %transpose3A_36, %transpose3A_39, %transpose3A_42, %transpose3A_45, %transpose3A_48, %transpose3A_51, %transpose3A_54, %transpose3A_57, %transpose3A_60, %transpose3A_63, %transpose3A_66, %transpose3A_69, %transpose3A_72, %transpose3A_75, %transpose3A_78, %transpose3A_81, %transpose3A_84, %transpose3A_87, %transpose3A_90, %transpose3A_93, %transpose3A_96, %transpose3A_99, %transpose3A_102, %transpose3A_105, %transpose3A_108, %transpose3A_111, %transpose3A_114, %transpose3A_117, %transpose3A_120, %transpose3A_123 in 0 : vector<32x256xf32>, vector<32x256xf32>, vector<32x256xf32>, vector<32x256xf32>, vector<32x256xf32>, vector<32x256xf32>, vector<32x256xf32>, vector<32x256xf32>, vector<32x256xf32>, vector<32x256xf32>, vector<32x256xf32>, vector<32x256xf32>, vector<32x256xf32>, vector<32x256xf32>, vector<32x256xf32>, vector<32x256xf32>, vector<32x256xf32>, vector<32x256xf32>, vector<32x256xf32>, vector<32x256xf32>, vector<32x256xf32>, vector<32x256xf32>, vector<32x256xf32>, vector<32x256xf32>, vector<32x256xf32>, vector<32x256xf32>, vector<32x256xf32>, vector<32x256xf32>, vector<32x256xf32>, vector<32x256xf32>, vector<32x256xf32>, vector<32x256xf32> -> vector<1024x256xf32>
      %swap3A = arith.constant 0 : index
      %swap3A_124 = arith.constant 0 : index
      %swap3A_125 = vector.load %arg6[%swap3A, %swap3A_124] : memref<1024x256xf32, #tpu.memory_space<vmem>>, vector<1024x256xf32>
      tpu.vector_store %arg6[%swap3A, %swap3A_124], %concatenate3A {strides = array<i32>} : memref<1024x256xf32, #tpu.memory_space<vmem>>, vector<1024x256xf32>,
      %slice3A_126 = vector.extract_strided_slice %concatenate3A {offsets = [1, 0], sizes = [1023, 256], strides = [1, 1]} : vector<1024x256xf32> to vector<1023x256xf32>
      %swap3A_127 = arith.constant 0 : index
      %swap3A_128 = arith.constant 0 : index
      %swap3A_129 = vector.load %arg8[%swap3A_127, %swap3A_128] : memref<1024x256xf32, #tpu.memory_space<vmem>>, vector<1023x256xf32>
      tpu.vector_store %arg8[%swap3A_127, %swap3A_128], %slice3A_126 {strides = array<i32>} : memref<1024x256xf32, #tpu.memory_space<vmem>>, vector<1023x256xf32>,
      %eq3A_130 = arith.constant 0 : i32
      %eq3A_131 = arith.cmpi eq, %arg1, %eq3A_130 : i32
      %convert_element_type3A_132 = arith.extui %eq3A_131 : i1 to i32
      %cond3A_133 = arith.constant 0 : i32
      %cond3A_134 = arith.cmpi ne, %convert_element_type3A_132, %cond3A_133 : i32
      scf.if %cond3A_134 {
        %slice3A_146 = vector.extract_strided_slice %concatenate3A {offsets = [1023, 0], sizes = [1, 256], strides = [1, 1]} : vector<1024x256xf32> to vector<1x256xf32>
        %swap3A_147 = arith.constant 1023 : index
        %swap3A_148 = arith.constant 0 : index
        %swap3A_149 = vector.load %arg8[%swap3A_147, %swap3A_148] : memref<1024x256xf32, #tpu.memory_space<vmem>>, vector<1x256xf32>
        tpu.vector_store %arg8[%swap3A_147, %swap3A_148], %slice3A_146 {strides = array<i32>} : memref<1024x256xf32, #tpu.memory_space<vmem>>, vector<1x256xf32>,
      } else {
      }
      %ne3A = arith.constant 0 : i32
      %ne3A_135 = arith.cmpi ne, %arg1, %ne3A : i32
      %convert_element_type3A_136 = arith.extui %ne3A_135 : i1 to i32
      %cond3A_137 = arith.constant 0 : i32
      %cond3A_138 = arith.cmpi ne, %convert_element_type3A_136, %cond3A_137 : i32
      scf.if %cond3A_138 {
        %get3A_146 = arith.constant 0 : index
        %get3A_147 = arith.constant 0 : index
        %get3A_148 = vector.load %arg9[%get3A_146, %get3A_147] : memref<1x256xf32, #tpu.memory_space<vmem>>, vector<1x256xf32>
        %swap3A_149 = arith.constant 1023 : index
        %swap3A_150 = arith.constant 0 : index
        %swap3A_151 = vector.load %arg8[%swap3A_149, %swap3A_150] : memref<1024x256xf32, #tpu.memory_space<vmem>>, vector<1x256xf32>
        tpu.vector_store %arg8[%swap3A_149, %swap3A_150], %get3A_148 {strides = array<i32>} : memref<1024x256xf32, #tpu.memory_space<vmem>>, vector<1x256xf32>,
      } else {
      }
      %slice3A_139 = vector.extract_strided_slice %concatenate3A {offsets = [0, 0], sizes = [1, 256], strides = [1, 1]} : vector<1024x256xf32> to vector<1x256xf32>
      %swap3A_140 = arith.constant 0 : index
      %swap3A_141 = arith.constant 0 : index
      %swap3A_142 = vector.load %arg9[%swap3A_140, %swap3A_141] : memref<1x256xf32, #tpu.memory_space<vmem>>, vector<1x256xf32>
      tpu.vector_store %arg9[%swap3A_140, %swap3A_141], %slice3A_139 {strides = array<i32>} : memref<1x256xf32, #tpu.memory_space<vmem>>, vector<1x256xf32>,
      %dma_start3A = arith.constant 0 : i32
      %dma_start3A_143 = tpu.memref_slice %arg4[%add3A_9, %dma_start3A] : memref<174088x512xf32, #tpu.memory_space<hbm>> -> memref<1024x256xf32, #tpu.memory_space<hbm>>
      tpu.enqueue_dma source(%arg6 : memref<1024x256xf32, #tpu.memory_space<vmem>>) target(%dma_start3A_143 : memref<1024x256xf32, #tpu.memory_space<hbm>>) target_semaphore(%arg11 : memref<!tpu.dma_semaphore, #tpu.memory_space<semaphore_mem>>)
      %dma_start3A_144 = arith.constant 256 : i32
      %dma_start3A_145 = tpu.memref_slice %arg4[%add3A_9, %dma_start3A_144] : memref<174088x512xf32, #tpu.memory_space<hbm>> -> memref<1024x256xf32, #tpu.memory_space<hbm>>
      tpu.enqueue_dma source(%arg8 : memref<1024x256xf32, #tpu.memory_space<vmem>>) target(%dma_start3A_145 : memref<1024x256xf32, #tpu.memory_space<hbm>>) target_semaphore(%arg11 : memref<!tpu.dma_semaphore, #tpu.memory_space<semaphore_mem>>)
    } else {
    }
    %eq3A_17 = arith.constant 1 : i32
    %eq3A_18 = arith.cmpi eq, %add3A, %eq3A_17 : i32
    %convert_element_type3A_19 = arith.extui %eq3A_18 : i1 to i32
    %cond3A_20 = arith.constant 0 : i32
    %cond3A_21 = arith.cmpi ne, %convert_element_type3A_19, %cond3A_20 : i32
    scf.if %cond3A_21 {
      %dma_wait3A = arith.constant 0 : i32
      %dma_wait3A_22 = arith.constant 0 : i32
      %dma_wait3A_23 = tpu.memref_slice %arg4[%dma_wait3A, %dma_wait3A_22] : memref<174088x512xf32, #tpu.memory_space<hbm>> -> memref<1024x256xf32, #tpu.memory_space<hbm>>
      tpu.wait_dma2 semaphore(%arg11 : memref<!tpu.dma_semaphore, #tpu.memory_space<semaphore_mem>>) src(%arg5 : memref<1024x256xf32, #tpu.memory_space<vmem>>) dst(%dma_wait3A_23 : memref<1024x256xf32, #tpu.memory_space<hbm>>)
      %dma_wait3A_24 = arith.constant 0 : i32
      %dma_wait3A_25 = arith.constant 0 : i32
      %dma_wait3A_26 = tpu.memref_slice %arg4[%dma_wait3A_24, %dma_wait3A_25] : memref<174088x512xf32, #tpu.memory_space<hbm>> -> memref<1024x256xf32, #tpu.memory_space<hbm>>
      tpu.wait_dma2 semaphore(%arg11 : memref<!tpu.dma_semaphore, #tpu.memory_space<semaphore_mem>>) src(%arg5 : memref<1024x256xf32, #tpu.memory_space<vmem>>) dst(%dma_wait3A_26 : memref<1024x256xf32, #tpu.memory_space<hbm>>)
      %dma_wait3A_27 = arith.constant 0 : i32
      %dma_wait3A_28 = arith.constant 0 : i32
      %dma_wait3A_29 = tpu.memref_slice %arg4[%dma_wait3A_27, %dma_wait3A_28] : memref<174088x512xf32, #tpu.memory_space<hbm>> -> memref<1024x256xf32, #tpu.memory_space<hbm>>
      tpu.wait_dma2 semaphore(%arg10 : memref<!tpu.dma_semaphore, #tpu.memory_space<semaphore_mem>>) src(%arg5 : memref<1024x256xf32, #tpu.memory_space<vmem>>) dst(%dma_wait3A_29 : memref<1024x256xf32, #tpu.memory_space<hbm>>)
      %dma_wait3A_30 = arith.constant 0 : i32
      %dma_wait3A_31 = arith.constant 0 : i32
      %dma_wait3A_32 = tpu.memref_slice %arg4[%dma_wait3A_30, %dma_wait3A_31] : memref<174088x512xf32, #tpu.memory_space<hbm>> -> memref<1024x256xf32, #tpu.memory_space<hbm>>
      tpu.wait_dma2 semaphore(%arg10 : memref<!tpu.dma_semaphore, #tpu.memory_space<semaphore_mem>>) src(%arg5 : memref<1024x256xf32, #tpu.memory_space<vmem>>) dst(%dma_wait3A_32 : memref<1024x256xf32, #tpu.memory_space<hbm>>)
    } else {
    }
    return
  }
  func.func @transform_1(%arg0: i32, %arg1: i32) -> (i32, i32, i32, i32) {
    %sub3A = arith.constant 0 : i32
    %sub3A_0 = arith.subi %sub3A, %arg1 : i32
    %c0_i32 = arith.constant 0 : i32
    %c0_i32_1 = arith.constant 0 : i32
    %c0_i32_2 = arith.constant 0 : i32
    return %arg0, %c0_i32, %sub3A_0, %c0_i32_1 : i32, i32, i32, i32
  }
}

</mosaic_0001>

<sc_bundles>
// kernel: kernel.8.cloned.1.call-start
scs
__scs_entry_jumppad:
0x0: {  	(pc) =	sbr.rel $0x88, $3  }
0x1: {  	(tag) =	ssettag $0x0;
	lr =	simm.s32 $0x1  }
0x2: {  	[smem:$0x3F9C] =	sst lr;
	_ =	strace $0xD0000000  }
0x3: {  	_ = 	snop  }
0x4: {  	_ = 	snop  }
0x5: {  	_ = 	snop  }
0x6: {  	_ = 	snop  }
0x7: {  	_ = 	snop  }
__scs_overlays_trampoline_lowered:
0x8: {  	[smem:$0x3FAB] =	sst s0  }
0x9: {  	[smem:$0x3FAC] =	sst s1  }
0xa: {  	[smem:$0x3FAD] =	sst s2  }
0xb: {  	[smem:$0x3FAE] =	sst s3  }
0xc: {  	[smem:$0x3FAF] =	sst s4  }
0xd: {  	[smem:$0x3FB0] =	sst s5  }
0xe: {  	[smem:$0x3FB1] =	sst s6  }
0xf: {  	[smem:$0x3FB2] =	sst s7  }
0x10: {  	[smem:$0x3FB3] =	sst s8  }
0x11: {  	[smem:$0x3FB4] =	sst s9;
	s0 =	simm.s32 @!p0 $0x0  }
0x12: {  	s1 =	sld [smem:$0x3F9A];
	s0 =	simm.s32 @p0 $0x1  }
0x13: {  	[smem:$0x3FB5] =	sst s0;
	s0 =	simm.s32 @!p1 $0x0  }
0x14: {  	s2 =	sld [smem:$0x3F99];
	s0 =	simm.s32 @p1 $0x1  }
0x15: {  	[smem:$0x3FB6] =	sst s0;
	s0 =	simm.s32 @!p2 $0x0  }
0x16: {  	s3 =	sld [smem:$0x3FDB];
	s0 =	simm.s32 @p2 $0x1  }
0x17: {  	s4 =	simm.s32 $0x1BF5;
	[smem:$0x3FB8] =	sst s0  }
0x18: {  	s0 =	sld [smem:$0x3F9B];
	_ =	swait.ge [sflag:s4], $0x0  }
0x19: {  	s7 =	sld [smem:$0x3F9C]  }
0x1a: {  	s8 =	sadd.s32 $0xFFFFE003, lr  }
0x1b: {  	s9 =	sadd.s32 $0xFFFFFEF7, lr;
	s5 =	simm.s32 $0xFFFFFFFF;
	p2 =	slt.u32 s8, $0xFFFFF086  }
0x1c: {  	p1 =	slt.u32 s9, $0xF7A;
	s5 =	simm.s32 @!p2 $0x0  }
0x1d: {  	s5 =	simm.s32 @p1 $0x1;
	p0 =	seq.s32 s7, s2  }
0x1e: {  	s7 =	smul.u32 @!p0 $0xF7A, s2;
	p2 =	seq.s32 @!p0 s5, $0x0  }
0x1f: {  	s9 =	smul.u32 $0xF7A, s1;
	s8 =	simm.s32 @!p0 $0x1BF5;
	p2 =	por !p2, p0  }
0x20: {  	[sflag:s8] =	ssyncset.s32 @!p0 $0xFFFFF086;
	s6 =	sadd.s32 @!p0 s3, s7;
	s7 =	simm.s32 @!p0 $0x108  }
0x21: {  	s3 =	sadd.s32 s3, s9;
	s6 =	sadd.s32 @!p0 $0x88, s6;
	s7 =	simm.s32 @p2 $0x1082  }
0x22: {  	[simem:s7], [sflag:s8] =	dma.local @!p0 [hbm:s6], $0xF7A  }
0x23: {  	s9 =	sor.u32 $0xD0000000, s2;
	s6 =	simm.s32 $0x108;
	_ =	swait.ge @!p0 [sflag:s8], $0x0  }
0x24: {  	s3 =	sadd.s32 $0x88, s3;
	s6 =	simm.s32 @!p1 $0x1082;
	[sflag:s4] =	ssyncset.s32 $0xFFFFF086  }
0x25: {  	[simem:s6], [sflag:s4] =	dma.local [hbm:s3], $0xF7A  }
0x26: {  	[smem:$0x3F9C] =	sst s1;
	(tag) =	ssettag s2;
	_ =	strace s9  }
0x27: {  	s1 =	sld [smem:$0x3FAC]  }
0x28: {  	s2 =	sld [smem:$0x3FAD]  }
0x29: {  	s4 =	sld [smem:$0x3FAF]  }
0x2a: {  	p0 =	seq.s32 s5, $0x0;
	s5 =	sld [smem:$0x3FB0]  }
0x2b: {  	s6 =	sld [smem:$0x3FB1]  }
0x2c: {  	s7 =	sld [smem:$0x3FB2]  }
0x2d: {  	s3 =	simm.s32 $0x108;
	s8 =	sld [smem:$0x3FB3]  }
0x2e: {  	s3 =	simm.s32 @!p0 $0x1082;
	s9 =	sld [smem:$0x3FB4]  }
0x2f: {  	lr =	sadd.s32 s0, s3;
	s0 =	sld [smem:$0x3FAB]  }
0x30: {  	s3 =	sld [smem:$0x3FAE]  }
0x31: {  	[smem:$0x3FB7] =	sst s10  }
0x32: {  	s10 =	sld [smem:$0x3FB5];
	_ =	sdelay $0x3  }
0x33: {  	p0 =	seq.s32 s10, $0x1;
	s10 =	sld [smem:$0x3FB7];
	_ =	sdelay $0x3  }
0x34: {  	[smem:$0x3FB7] =	sst s10  }
0x35: {  	s10 =	sld [smem:$0x3FB6];
	_ =	sdelay $0x3  }
0x36: {  	p1 =	seq.s32 s10, $0x1;
	s10 =	sld [smem:$0x3FB7];
	_ =	sdelay $0x3  }
0x37: {  	[smem:$0x3FB7] =	sst s10  }
0x38: {  	s10 =	sld [smem:$0x3FB8]  }
0x39: {  	_ = 	snop;
	(pc) =	sbr.ind lr, $3  }
0x3a: {  	_ = 	snop  }
0x3b: {  	_ = 	snop  }
0x3c: {  	p2 =	seq.s32 s10, $0x1;
	s10 =	sld [smem:$0x3FB7]  }
0x3d: {  	_ =	shalt  }
0x3e: {  	_ =	shalt  }
0x3f: {  	_ =	shalt  }
0x40: {  	_ =	shalt  }
0x41: {  	_ =	shalt  }
0x42: {  	_ =	shalt  }
0x43: {  	_ =	shalt  }
0x44: {  	_ =	shalt  }
0x45: {  	_ =	shalt  }
0x46: {  	_ =	shalt  }
0x47: {  	_ =	shalt  }
0x48: {  	_ =	shalt  }
0x49: {  	_ =	shalt  }
0x4a: {  	_ =	shalt  }
0x4b: {  	_ =	shalt  }
0x4c: {  	_ =	shalt  }
0x4d: {  	_ =	shalt  }
0x4e: {  	_ =	shalt  }
0x4f: {  	_ =	shalt  }
0x50: {  	_ =	shalt  }
0x51: {  	_ =	shalt  }
0x52: {  	_ =	shalt  }
0x53: {  	_ =	shalt  }
0x54: {  	_ =	shalt  }
0x55: {  	_ =	shalt  }
0x56: {  	_ =	shalt  }
0x57: {  	_ =	shalt  }
0x58: {  	_ =	shalt  }
0x59: {  	_ =	shalt  }
0x5a: {  	_ =	shalt  }
0x5b: {  	_ =	shalt  }
0x5c: {  	_ =	shalt  }
0x5d: {  	_ =	shalt  }
0x5e: {  	_ =	shalt  }
0x5f: {  	_ =	shalt  }
0x60: {  	_ =	shalt  }
0x61: {  	_ =	shalt  }
0x62: {  	_ =	shalt  }
0x63: {  	_ =	shalt  }
0x64: {  	_ =	shalt  }
0x65: {  	_ =	shalt  }
0x66: {  	_ =	shalt  }
0x67: {  	_ =	shalt  }
0x68: {  	_ =	shalt  }
0x69: {  	_ =	shalt  }
0x6a: {  	_ =	shalt  }
0x6b: {  	_ =	shalt  }
0x6c: {  	_ =	shalt  }
0x6d: {  	_ =	shalt  }
0x6e: {  	_ =	shalt  }
0x6f: {  	_ =	shalt  }
0x70: {  	_ =	shalt  }
0x71: {  	_ =	shalt  }
0x72: {  	_ =	shalt  }
0x73: {  	_ =	shalt  }
0x74: {  	_ =	shalt  }
0x75: {  	_ =	shalt  }
0x76: {  	_ =	shalt  }
0x77: {  	_ =	shalt  }
0x78: {  	_ =	shalt  }
0x79: {  	_ =	shalt  }
0x7a: {  	_ =	shalt  }
0x7b: {  	_ =	shalt  }
0x7c: {  	_ =	shalt  }
0x7d: {  	_ =	shalt  }
0x7e: {  	_ =	shalt  }
0x7f: {  	_ =	shalt  }
0x80: {  	_ =	shalt  }
0x81: {  	_ =	shalt  }
0x82: {  	_ =	shalt  }
0x83: {  	_ =	shalt  }
0x84: {  	_ =	shalt  }
0x85: {  	_ =	shalt  }
0x86: {  	_ =	shalt  }
0x87: {  	_ =	shalt  }
.Lfunc_end0:
.L_simem_size_0:
called_computation.1_lowered:
.L_overlay_start_0:
0x88: {  	s2 =	sld [smem:$0x3FD9]  }
0x89: {  	s3 =	sld [smem:$0x3FFE];
	_ =	sdelay $0x1  }
0x8a: {  	s1 =	srdreg.scid  }
0x8b: {  	s0 =	sand.u32 $0x1, s1  }
0x8c: {  	s16 =	sshll.u32 s0, $0xA;
	s2 =	sadd.s32 s3, s2  }
0x8d: {  	s2 =	sadd.s32 s2, s16  }
0x8e: {  	[smem:$0x3FC3] =	sst s2  }
0x8f: {  	_ = 	snop  }
0x90: {  	(tm) =	ssettm $0x1  }
0x91: {  	s17 =	sld [smem:$0x3FFB];
	_ =	sdelay $0x3  }
0x92: {  	_ =	strace s17  }
0x93: {  	s2 =	sld [smem:$0x3FFC];
	_ =	sdelay $0x3  }
0x94: {  	_ =	strace s2  }
0x95: {  	s2 =	sld [smem:$0x3FFD];
	_ =	sdelay $0x3  }
0x96: {  	_ =	strace s2  }
0x97: {  	_ =	strace $0x8FFFFFFF  }
0x98: {  	s18 =	sld [smem:$0x3FDB];
	_ =	sdelay $0x1  }
0x99: {  	s19 =	simm.s32 $_scs_section_size  }
0x9a: {  	s4 =	simm.s32 $_size__tile_overlayer_lowered;
	s5 =	simm.s32 $_tile_overlayer_lowered  }
0x9b: {  	s22 =	simm.s32 $0x1BFF;
	s21 =	sshll.u32 s5, $0x1;
	s2 =	sadd.s32 s19, s18  }
0x9c: {  	s6 =	simm.s32 $0x0;
	s20 =	sshll.u32 s4, $0x1;
	s4 =	sadd.s32 s21, s2  }
0x9d: {  	[timem:s6], [sflag:s22] =	dma.local [hbm:s4], s20  }
0x9e: {  	_ =	swait.ge [sflag:s22], s20  }
0x9f: {  	s3 =	ssub.s32 $0x0, s20;
	[sflag:s22] =	ssyncset.done $0x0  }
0xa0: {  	[sflag:s22] =	ssyncadd.s32 s3;
	_ =	sdelay $0x1  }
0xa1: {  	s23 =	simm.s32 $0x1B8B  }
0xa2: {  	_ =	swait.ge [sflag:s23], $0x1  }
0xa3: {  	[sflag:s23] =	ssyncset.done $0x0  }
0xa4: {  	s25 =	simm.s32 $0x1B8E;
	s24 =	sld [smem:$0x3FFE];
	[sflag:s23] =	ssyncadd.s32 $0xFFFFFFFF  }
0xa5: {  	s26 =	simm.s32 $execute0_lowered;
	[smem:$0x3FD2] =	sst s25  }
0xa6: {  	s4 =	sshll.u32 s26, $0x1;
	_ =	strace $0x80000046;
	[dreg:$0x1] =	wrdreg $0xFFFFFFFF  }
0xa7: {  	s28 =	simm.s32 $_size_execute0_lowered;
	s2 =	sadd.s32 s2, s4;
	[dreg:$0x0] =	wrdreg $0x0  }
0xa8: {  	s4 =	sshll.u32 s28, $0x1;
	[dreg:$0x2] =	wrdreg s2  }
0xa9: {  	[dreg:$0x3] =	wrdreg s4  }
0xaa: {  	[dreg:$0x4] =	wrdreg $0xC0  }
0xab: {  	_ =	task [dreg:s6], $0x5FFFF  }
0xac: {  	[dreg:$0x1] =	wrdreg $0xFFFFFFFF  }
0xad: {  	[dreg:$0x0] =	wrdreg $0x60  }
0xae: {  	[dreg:$0x2] =	wrdreg s24  }
0xaf: {  	[dreg:$0x3] =	wrdreg $0x9  }
0xb0: {  	_ =	task.clear_ibuf [dreg:s6], $0x4FFFF;
	_ =	strace $0x90000046  }
0xb1: {  	s29 =	simm.s32 $0x9;
	_ =	strace $0x80000048  }
0xb2: {  	_ =	swait.ge [sflag:s29], $0x1  }
0xb3: {  	[sflag:s29] =	ssyncadd.s32 $0xFFFFFFFF  }
0xb4: {  	_ =	strace $0x90000048  }
0xb5: {  	_ =	sfence  }
0xb6: {  	s30 =	sld [smem:$0x0];
	_ =	sdelay $0x2  }
0xb7: {  	s31 =	sshll.u32 s1, $0xD;
	s1 =	sshrl.u32 s1, $0x2  }
0xb8: {  	s3 =	sand.u32 $0x4000, s31;
	s1 =	sadd.s32 s1, s30  }
0xb9: {  	s0 =	sor.u32 s3, s0;
	s1 =	sshll.u32 s1, $0x11  }
0xba: {  	s0 =	sor.u32 s1, s0  }
0xbb: {  	s0 =	sadd.s32 $0x8F2B, s0  }
0xbc: {  	[sflag:s0] =	ssyncadd.remote.s32 $0x1  }
0xbd: {  	_ =	sfence.sel $0xFFFF  }
0xbe: {  	[dreg:$0x0] =	wrdreg $0xFFFFFFFF;
	(pc) =	sbr.abs _section_cstart, $3  }
0xbf: {  	[dreg:$0x1] =	wrdreg $0xFFFFFFFF  }
0xc0: {  	_ =	task.clear_ibuf [dreg:s6], $0x2FFFF;
	_ =	strace $0x9FFFFFFF  }
0xc1: {  	(tm) =	ssettm $0x7FFFFFFF  }
tec
execute0_lowered:
.L_overlay_start_1:
0x0: {  	(tag) =	ssettag $0x1  }
0x1: {  	s0 =	rddreg [dreg:$0x0]  }
0x2: {  	s1 =	srdreg.scid;
	s3 =	stileid.u32;
	s2 =	simm.s32 $0x0  }
0x3: {  	s12 =	simm.s32 $0x4;
	s13 =	simm.s32 $0x800;
	s11 =	simm.s32 $0xBD00  }
0x4: {  	s14 =	simm.s32 $0xC500;
	s15 =	simm.s32 $0xCD00;
	s16 =	simm.s32 $0xD500  }
0x5: {  	s17 =	simm.s32 $0xDD00;
	s18 =	simm.s32 $0x1B500;
	s19 =	simm.s32 $0x80  }
0x6: {  	s20 =	simm.s32 $0x400;
	s21 =	simm.s32 $0x3;
	s22 =	simm.s32 $0x0  }
0x7: {  	s1 =	sand.u32 $0x1, s1;
	s3 =	sshll.u32 s3, $0x1;
	[smem:$0x7FF] =	sst s2  }
0x8: {  	v3 =	vlaneseq.u32;
	s7 =	sadd.s32 $0xAE5800, s0;
	s5 =	sor.u32 s1, s3;
	_ =	strace $0x80000047  }
0x9: {  	vm0 =	vmmov $0xffff;
	v2 =	vshrl.u32 v3, $0x3;
	v1 =	vmul.u32 $0x31, v3;
	s3 =	sadd.s32 $0x1600, s0;
	s1 =	ssub.s32 $0x2, s1;
	s9 =	smul.u32 $0x1A00, s5  }
0xa: {  	v0 =	vand.u32 $0x7, v3;
	v3 =	vor.u32 $0x8, v3;
	v2 =	vmul.u32 $0x8, v2;
	s4 =	sshll.u32 s5, $0x9;
	s8 =	sshrl.u32 s1, $0x1;
	s29 =	smul.u32 $0x340, s5  }
0xb: {  	s5 =	sshll.u32 s5, $0x5;
	v4 =	vadd.s32 $0x310, v1;
	v5 =	vadd.s32 $0x620, v1;
	v6 =	vadd.s32 $0x930, v1;
	s6 =	sadd.s32 s4, s0;
	s4 =	sadd.s32 $0xAEC000, s0  }
0xc: {  	v7 =	vadd.s32 $0xC40, v1;
	v8 =	vadd.s32 $0xF50, v1;
	v9 =	vadd.s32 $0x1260, v1;
	s1 =	ssub.s32 s1, s8;
	s10 =	sadd.s32 $0xAE1800, s6;
	s9 =	sshrl.u32 s9, $0x3  }
0xd: {  	v10 =	vadd.s32 $0x1570, v1;
	v11 =	vadd.s32 $0x1880, v1;
	v12 =	vadd.s32 $0x1B90, v1;
	s8 =	sadd.s32 s7, s29;
	s31 =	smax.u32 s1, $0x1;
	[dreg:$0x3] =	wrdreg s10  }
0xe: {  	v13 =	vadd.s32 $0x1EA0, v1;
	v14 =	vadd.s32 $0x21B0, v1;
	v15 =	vadd.s32 $0x24C0, v1;
	[dreg:$0x4] =	wrdreg s8;
	s8 =	sadd.s32 $0x1700, s0;
	s30 =	sadd.s32 s7, s9  }
0xf: {  	v16 =	vadd.s32 $0x27D0, v1;
	v17 =	vadd.s32 $0x2AE0, v1;
	v18 =	vadd.s32 $0x2DF0, v1;
	s10 =	sadd.s32 $0xAE1900, s6;
	[dreg:$0x5] =	wrdreg s31;
	s9 =	sadd.s32 $0x1A0, s30  }
.LBB2_1:
0x10: {  	s0 =	rddreg [dreg:$0x3]  }
0x11: {  	[tilespmem:s2], [sflag:$0x4] =	stream.linear.gather [hbm4b:s0+s2], $0x800, $0x38;
	[tilespmem:$0x1E600] =	vst v63  }
0x12: {  	_ =	swait.ge [sflag:s12], $0x800  }
0x13: {  	[sflag:s12] =	ssyncset.done $0x0  }
0x14: {  	s1 =	rddreg [dreg:$0x4];
	[sflag:s12] =	ssyncadd.s32 $0xFFFFF800  }
0x15: {  	[tilespmem:s13], [sflag:$0x4] =	stream.linear.gather [hbm4b:s1+s2], $0xD00, $0x38;
	[tilespmem:$0x1E600] =	vst v63  }
0x16: {  	_ =	swait.ge [sflag:s12], $0xD00  }
0x17: {  	[sflag:s12] =	ssyncset.done $0x0  }
0x18: {  	[sflag:s12] =	ssyncadd.s32 $0xFFFFF300  }
0x19: {  	v19 =	vld [tilespmem:$0x0];
	_ =	sdelay $0x4  }
0x1a: {  	v20 =	vshll.u32 v19, $0x2  }
0x1b: {  	v19 =	vand.u32 $0x7, v19;
	v20 =	vand.u32 $0xFFFFFFE0, v20  }
0x1c: {  	v19 =	vor.u32 v19, v20  }
0x1d: {  	v20 =	vperm.xlane v19, v0;
	_ =	sdelay $0x1  }
0x1e: {  	v20 =	vadd.s32 v2, v20;
	_ =	sdelay $0x1  }
0x1f: {  	v19 =	vperm.xlane v19, v3;
	_ =	sdelay $0x1  }
0x20: {  	s6 =	simm.s32 $0x1500;
	v19 =	vadd.s32 v2, v19  }
0x21: {  	[tilespmem:s6], [sflag:$0x1] =	stream.indirect_vreg.gather [hbm4b:s3+s2], $0x80, v20, vm0, $0xb8;
	[tilespmem:$0x1E600] =	vst v63  }
0x22: {  	s7 =	simm.s32 $0x1D00  }
0x23: {  	[tilespmem:s7], [sflag:$0x1] =	stream.indirect_vreg.gather [hbm4b:s8+s2], $0x80, v20, vm0, $0xb8;
	[tilespmem:$0x1E600] =	vst v63  }
0x24: {  	s23 =	simm.s32 $0x2500  }
0x25: {  	[tilespmem:s23], [sflag:$0x1] =	stream.indirect_vreg.gather [hbm4b:s3+s2], $0x80, v19, vm0, $0xb8;
	[tilespmem:$0x1E600] =	vst v63  }
0x26: {  	s24 =	simm.s32 $0x2D00  }
0x27: {  	[tilespmem:s24], [sflag:$0x1] =	stream.indirect_vreg.gather [hbm4b:s8+s2], $0x80, v19, vm0, $0xb8;
	[tilespmem:$0x1E600] =	vst v63  }
0x28: {  	v19 =	vld [tilespmem:$0x10];
	_ =	sdelay $0x4  }
0x29: {  	v20 =	vshll.u32 v19, $0x2  }
0x2a: {  	v19 =	vand.u32 $0x7, v19;
	v20 =	vand.u32 $0xFFFFFFE0, v20  }
0x2b: {  	v19 =	vor.u32 v19, v20  }
0x2c: {  	v20 =	vperm.xlane v19, v0;
	_ =	sdelay $0x1  }
0x2d: {  	v20 =	vadd.s32 v2, v20;
	_ =	sdelay $0x1  }
0x2e: {  	v19 =	vperm.xlane v19, v3;
	_ =	sdelay $0x1  }
0x2f: {  	s25 =	simm.s32 $0x3500;
	v19 =	vadd.s32 v2, v19  }
0x30: {  	[tilespmem:s25], [sflag:$0x1] =	stream.indirect_vreg.gather [hbm4b:s3+s2], $0x80, v20, vm0, $0xb8;
	[tilespmem:$0x1E600] =	vst v63  }
0x31: {  	s26 =	simm.s32 $0x3D00  }
0x32: {  	[tilespmem:s26], [sflag:$0x1] =	stream.indirect_vreg.gather [hbm4b:s8+s2], $0x80, v20, vm0, $0xb8;
	[tilespmem:$0x1E600] =	vst v63  }
0x33: {  	s28 =	simm.s32 $0x4500  }
0x34: {  	[tilespmem:s28], [sflag:$0x1] =	stream.indirect_vreg.gather [hbm4b:s3+s2], $0x80, v19, vm0, $0xb8;
	[tilespmem:$0x1E600] =	vst v63  }
0x35: {  	s29 =	simm.s32 $0x4D00  }
0x36: {  	[tilespmem:s29], [sflag:$0x1] =	stream.indirect_vreg.gather [hbm4b:s8+s2], $0x80, v19, vm0, $0xb8;
	[tilespmem:$0x1E600] =	vst v63  }
0x37: {  	v19 =	vld [tilespmem:$0x20];
	_ =	sdelay $0x4  }
0x38: {  	v20 =	vshll.u32 v19, $0x2  }
0x39: {  	v19 =	vand.u32 $0x7, v19;
	v20 =	vand.u32 $0xFFFFFFE0, v20  }
0x3a: {  	v19 =	vor.u32 v19, v20  }
0x3b: {  	v20 =	vperm.xlane v19, v0;
	_ =	sdelay $0x1  }
0x3c: {  	v20 =	vadd.s32 v2, v20;
	_ =	sdelay $0x1  }
0x3d: {  	v19 =	vperm.xlane v19, v3;
	_ =	sdelay $0x1  }
0x3e: {  	s30 =	simm.s32 $0x5500;
	v19 =	vadd.s32 v2, v19  }
0x3f: {  	[tilespmem:s30], [sflag:$0x1] =	stream.indirect_vreg.gather [hbm4b:s3+s2], $0x80, v20, vm0, $0xb8;
	[tilespmem:$0x1E600] =	vst v63  }
0x40: {  	s31 =	simm.s32 $0x5D00  }
0x41: {  	[tilespmem:s31], [sflag:$0x1] =	stream.indirect_vreg.gather [hbm4b:s8+s2], $0x80, v20, vm0, $0xb8;
	[tilespmem:$0x1E600] =	vst v63  }
0x42: {  	s1 =	simm.s32 $0x6500  }
0x43: {  	[tilespmem:s1], [sflag:$0x1] =	stream.indirect_vreg.gather [hbm4b:s3+s2], $0x80, v19, vm0, $0xb8;
	[tilespmem:$0x1E600] =	vst v63  }
0x44: {  	s6 =	simm.s32 $0x6D00  }
0x45: {  	[tilespmem:s6], [sflag:$0x1] =	stream.indirect_vreg.gather [hbm4b:s8+s2], $0x80, v19, vm0, $0xb8;
	[tilespmem:$0x1E600] =	vst v63  }
0x46: {  	v19 =	vld [tilespmem:$0x30];
	_ =	sdelay $0x4  }
0x47: {  	v20 =	vshll.u32 v19, $0x2  }
0x48: {  	v19 =	vand.u32 $0x7, v19;
	v20 =	vand.u32 $0xFFFFFFE0, v20  }
0x49: {  	v19 =	vor.u32 v19, v20  }
0x4a: {  	v20 =	vperm.xlane v19, v0;
	_ =	sdelay $0x1  }
0x4b: {  	v20 =	vadd.s32 v2, v20;
	_ =	sdelay $0x1  }
0x4c: {  	v19 =	vperm.xlane v19, v3;
	_ =	sdelay $0x1  }
0x4d: {  	s7 =	simm.s32 $0x7500;
	v19 =	vadd.s32 v2, v19  }
0x4e: {  	[tilespmem:s7], [sflag:$0x1] =	stream.indirect_vreg.gather [hbm4b:s3+s2], $0x80, v20, vm0, $0xb8;
	[tilespmem:$0x1E600] =	vst v63  }
0x4f: {  	s23 =	simm.s32 $0x7D00  }
0x50: {  	[tilespmem:s23], [sflag:$0x1] =	stream.indirect_vreg.gather [hbm4b:s8+s2], $0x80, v20, vm0, $0xb8;
	[tilespmem:$0x1E600] =	vst v63  }
0x51: {  	s24 =	simm.s32 $0x8500  }
0x52: {  	[tilespmem:s24], [sflag:$0x1] =	stream.indirect_vreg.gather [hbm4b:s3+s2], $0x80, v19, vm0, $0xb8;
	[tilespmem:$0x1E600] =	vst v63  }
0x53: {  	s25 =	simm.s32 $0x8D00  }
0x54: {  	[tilespmem:s25], [sflag:$0x1] =	stream.indirect_vreg.gather [hbm4b:s8+s2], $0x80, v19, vm0, $0xb8;
	[tilespmem:$0x1E600] =	vst v63  }
0x55: {  	v19 =	vld [tilespmem:$0x40];
	_ =	sdelay $0x4  }
0x56: {  	v20 =	vshll.u32 v19, $0x2  }
0x57: {  	v19 =	vand.u32 $0x7, v19;
	v20 =	vand.u32 $0xFFFFFFE0, v20  }
0x58: {  	v19 =	vor.u32 v19, v20  }
0x59: {  	v20 =	vperm.xlane v19, v0;
	_ =	sdelay $0x1  }
0x5a: {  	v20 =	vadd.s32 v2, v20;
	_ =	sdelay $0x1  }
0x5b: {  	v19 =	vperm.xlane v19, v3;
	_ =	sdelay $0x1  }
0x5c: {  	s26 =	simm.s32 $0x9500;
	v19 =	vadd.s32 v2, v19  }
0x5d: {  	[tilespmem:s26], [sflag:$0x1] =	stream.indirect_vreg.gather [hbm4b:s3+s2], $0x80, v20, vm0, $0xb8;
	[tilespmem:$0x1E600] =	vst v63  }
0x5e: {  	s28 =	simm.s32 $0x9D00  }
0x5f: {  	[tilespmem:s28], [sflag:$0x1] =	stream.indirect_vreg.gather [hbm4b:s8+s2], $0x80, v20, vm0, $0xb8;
	[tilespmem:$0x1E600] =	vst v63  }
0x60: {  	s29 =	simm.s32 $0xA500  }
0x61: {  	[tilespmem:s29], [sflag:$0x1] =	stream.indirect_vreg.gather [hbm4b:s3+s2], $0x80, v19, vm0, $0xb8;
	[tilespmem:$0x1E600] =	vst v63  }
0x62: {  	s30 =	simm.s32 $0xAD00  }
0x63: {  	[tilespmem:s30], [sflag:$0x1] =	stream.indirect_vreg.gather [hbm4b:s8+s2], $0x80, v19, vm0, $0xb8;
	[tilespmem:$0x1E600] =	vst v63  }
0x64: {  	v19 =	vld [tilespmem:$0x50];
	_ =	sdelay $0x4  }
0x65: {  	v20 =	vshll.u32 v19, $0x2  }
0x66: {  	v19 =	vand.u32 $0x7, v19;
	v20 =	vand.u32 $0xFFFFFFE0, v20  }
0x67: {  	v19 =	vor.u32 v19, v20  }
0x68: {  	v20 =	vperm.xlane v19, v0;
	_ =	sdelay $0x1  }
0x69: {  	v20 =	vadd.s32 v2, v20;
	_ =	sdelay $0x1  }
0x6a: {  	v19 =	vperm.xlane v19, v3;
	_ =	sdelay $0x1  }
0x6b: {  	s31 =	simm.s32 $0xB500;
	v19 =	vadd.s32 v2, v19  }
0x6c: {  	[tilespmem:s31], [sflag:$0x1] =	stream.indirect_vreg.gather [hbm4b:s3+s2], $0x80, v20, vm0, $0xb8;
	[tilespmem:$0x1E600] =	vst v63  }
0x6d: {  	_ = 	snop  }
0x6e: {  	[tilespmem:s11], [sflag:$0x1] =	stream.indirect_vreg.gather [hbm4b:s8+s2], $0x80, v20, vm0, $0xb8;
	[tilespmem:$0x1E600] =	vst v63  }
0x6f: {  	_ = 	snop  }
0x70: {  	[tilespmem:s14], [sflag:$0x1] =	stream.indirect_vreg.gather [hbm4b:s3+s2], $0x80, v19, vm0, $0xb8;
	[tilespmem:$0x1E600] =	vst v63  }
0x71: {  	_ = 	snop  }
0x72: {  	[tilespmem:s15], [sflag:$0x1] =	stream.indirect_vreg.gather [hbm4b:s8+s2], $0x80, v19, vm0, $0xb8;
	[tilespmem:$0x1E600] =	vst v63  }
0x73: {  	v19 =	vld.msk [tilespmem:$0x60], $0xff;
	_ =	sdelay $0x4  }
0x74: {  	v20 =	vshll.u32 v19, $0x2  }
0x75: {  	v19 =	vand.u32 $0x7, v19;
	v20 =	vand.u32 $0xFFFFFFE0, v20  }
0x76: {  	v19 =	vor.u32 v19, v20  }
0x77: {  	v19 =	vperm.xlane v19, v0;
	_ =	sdelay $0x1  }
0x78: {  	v19 =	vadd.s32 v2, v19;
	_ =	sdelay $0x4  }
0x79: {  	[tilespmem:s16], [sflag:$0x1] =	stream.indirect_vreg.gather [hbm4b:s3+s2], $0x80, v19, vm0, $0xb8;
	[tilespmem:$0x1E600] =	vst v63  }
0x7a: {  	p0 =	por $0x0, $0x0;
	s23 =	simm.s32 $0x0  }
0x7b: {  	[tilespmem:s17], [sflag:$0x1] =	stream.indirect_vreg.gather [hbm4b:s8+s2], $0x80, v19, vm0, $0xb8;
	[tilespmem:$0x1E600] =	vst v63  }
.LBB2_2:
0x7c: {  	s0 =	sand.u32 $0xF, s23  }
0x7d: {  	p1 =	seq.s32 s0, $0xF  }
.Ltmp0:
0x7e: {  	_ = 	snop;
	(pc) =	sbr.rel @p1 .LBB2_4-.Ltmp0, $1  }
0x7f: {  	_ =	sdelay $0x3  }
0x80: {  	s6 =	sadd.s32 $0x1, s23  }
0x81: {  	s1 =	sshll.u32 s6, $0x7  }
0x82: {  	s1 =	sand.u32 $0x780, s1  }
0x83: {  	v19 =	vld [tilespmem:s1+$0x0];
	_ =	sdelay $0x4  }
0x84: {  	v20 =	vshll.u32 v19, $0x2  }
0x85: {  	v19 =	vand.u32 $0x7, v19;
	v20 =	vand.u32 $0xFFFFFFE0, v20  }
0x86: {  	v19 =	vor.u32 v19, v20  }
0x87: {  	v20 =	vperm.xlane v19, v0;
	_ =	sdelay $0x1  }
0x88: {  	s6 =	sand.u32 $0x1, s6;
	v20 =	vadd.s32 v2, v20  }
0x89: {  	s24 =	smul.u32 $0x34000, s6  }
0x8a: {  	v19 =	vperm.xlane v19, v3  }
0x8b: {  	s24 =	sshrl.u32 s24, $0x2  }
0x8c: {  	s6 =	sadd.s32 $0x1, s6;
	s25 =	sadd.s32 $0x1500, s24;
	v19 =	vadd.s32 v2, v19  }
0x8d: {  	[tilespmem:s25], [sflag:s6] =	stream.indirect_vreg.gather [hbm4b:s3+s2], $0x80, v20, vm0, $0xb8;
	[tilespmem:$0x1E600] =	vst v63  }
0x8e: {  	s31 =	sadd.s32 $0x1D00, s24  }
0x8f: {  	[tilespmem:s31], [sflag:s6] =	stream.indirect_vreg.gather [hbm4b:s8+s2], $0x80, v20, vm0, $0xb8;
	[tilespmem:$0x1E600] =	vst v63  }
0x90: {  	s7 =	sadd.s32 $0x2500, s24  }
0x91: {  	[tilespmem:s7], [sflag:s6] =	stream.indirect_vreg.gather [hbm4b:s3+s2], $0x80, v19, vm0, $0xb8;
	[tilespmem:$0x1E600] =	vst v63  }
0x92: {  	s26 =	sadd.s32 $0x2D00, s24  }
0x93: {  	[tilespmem:s26], [sflag:s6] =	stream.indirect_vreg.gather [hbm4b:s8+s2], $0x80, v19, vm0, $0xb8;
	[tilespmem:$0x1E600] =	vst v63  }
0x94: {  	v19 =	vld [tilespmem:s1+$0x10];
	_ =	sdelay $0x4  }
0x95: {  	v20 =	vshll.u32 v19, $0x2  }
0x96: {  	v19 =	vand.u32 $0x7, v19;
	v20 =	vand.u32 $0xFFFFFFE0, v20  }
0x97: {  	v19 =	vor.u32 v19, v20  }
0x98: {  	v20 =	vperm.xlane v19, v0;
	_ =	sdelay $0x1  }
0x99: {  	v20 =	vadd.s32 v2, v20;
	_ =	sdelay $0x1  }
0x9a: {  	v19 =	vperm.xlane v19, v3;
	_ =	sdelay $0x1  }
0x9b: {  	s28 =	sadd.s32 $0x3500, s24;
	v19 =	vadd.s32 v2, v19  }
0x9c: {  	[tilespmem:s28], [sflag:s6] =	stream.indirect_vreg.gather [hbm4b:s3+s2], $0x80, v20, vm0, $0xb8;
	[tilespmem:$0x1E600] =	vst v63  }
0x9d: {  	s29 =	sadd.s32 $0x3D00, s24  }
0x9e: {  	[tilespmem:s29], [sflag:s6] =	stream.indirect_vreg.gather [hbm4b:s8+s2], $0x80, v20, vm0, $0xb8;
	[tilespmem:$0x1E600] =	vst v63  }
0x9f: {  	s30 =	sadd.s32 $0x4500, s24  }
0xa0: {  	[tilespmem:s30], [sflag:s6] =	stream.indirect_vreg.gather [hbm4b:s3+s2], $0x80, v19, vm0, $0xb8;
	[tilespmem:$0x1E600] =	vst v63  }
0xa1: {  	s31 =	sadd.s32 $0x4D00, s24  }
0xa2: {  	[tilespmem:s31], [sflag:s6] =	stream.indirect_vreg.gather [hbm4b:s8+s2], $0x80, v19, vm0, $0xb8;
	[tilespmem:$0x1E600] =	vst v63  }
0xa3: {  	v19 =	vld [tilespmem:s1+$0x20];
	_ =	sdelay $0x4  }
0xa4: {  	v20 =	vshll.u32 v19, $0x2  }
0xa5: {  	v19 =	vand.u32 $0x7, v19;
	v20 =	vand.u32 $0xFFFFFFE0, v20  }
0xa6: {  	v19 =	vor.u32 v19, v20  }
0xa7: {  	v20 =	vperm.xlane v19, v0;
	_ =	sdelay $0x1  }
0xa8: {  	v20 =	vadd.s32 v2, v20;
	_ =	sdelay $0x1  }
0xa9: {  	v19 =	vperm.xlane v19, v3;
	_ =	sdelay $0x1  }
0xaa: {  	s7 =	sadd.s32 $0x5500, s24;
	v19 =	vadd.s32 v2, v19  }
0xab: {  	[tilespmem:s7], [sflag:s6] =	stream.indirect_vreg.gather [hbm4b:s3+s2], $0x80, v20, vm0, $0xb8;
	[tilespmem:$0x1E600] =	vst v63  }
0xac: {  	s26 =	sadd.s32 $0x5D00, s24  }
0xad: {  	[tilespmem:s26], [sflag:s6] =	stream.indirect_vreg.gather [hbm4b:s8+s2], $0x80, v20, vm0, $0xb8;
	[tilespmem:$0x1E600] =	vst v63  }
0xae: {  	s28 =	sadd.s32 $0x6500, s24  }
0xaf: {  	[tilespmem:s28], [sflag:s6] =	stream.indirect_vreg.gather [hbm4b:s3+s2], $0x80, v19, vm0, $0xb8;
	[tilespmem:$0x1E600] =	vst v63  }
0xb0: {  	s29 =	sadd.s32 $0x6D00, s24  }
0xb1: {  	[tilespmem:s29], [sflag:s6] =	stream.indirect_vreg.gather [hbm4b:s8+s2], $0x80, v19, vm0, $0xb8;
	[tilespmem:$0x1E600] =	vst v63  }
0xb2: {  	v19 =	vld [tilespmem:s1+$0x30];
	_ =	sdelay $0x4  }
0xb3: {  	v20 =	vshll.u32 v19, $0x2  }
0xb4: {  	v19 =	vand.u32 $0x7, v19;
	v20 =	vand.u32 $0xFFFFFFE0, v20  }
0xb5: {  	v19 =	vor.u32 v19, v20  }
0xb6: {  	v20 =	vperm.xlane v19, v0;
	_ =	sdelay $0x1  }
0xb7: {  	v20 =	vadd.s32 v2, v20;
	_ =	sdelay $0x1  }
0xb8: {  	v19 =	vperm.xlane v19, v3;
	_ =	sdelay $0x1  }
0xb9: {  	s30 =	sadd.s32 $0x7500, s24;
	v19 =	vadd.s32 v2, v19  }
0xba: {  	[tilespmem:s30], [sflag:s6] =	stream.indirect_vreg.gather [hbm4b:s3+s2], $0x80, v20, vm0, $0xb8;
	[tilespmem:$0x1E600] =	vst v63  }
0xbb: {  	s31 =	sadd.s32 $0x7D00, s24  }
0xbc: {  	[tilespmem:s31], [sflag:s6] =	stream.indirect_vreg.gather [hbm4b:s8+s2], $0x80, v20, vm0, $0xb8;
	[tilespmem:$0x1E600] =	vst v63  }
0xbd: {  	s7 =	sadd.s32 $0x8500, s24  }
0xbe: {  	[tilespmem:s7], [sflag:s6] =	stream.indirect_vreg.gather [hbm4b:s3+s2], $0x80, v19, vm0, $0xb8;
	[tilespmem:$0x1E600] =	vst v63  }
0xbf: {  	s26 =	sadd.s32 $0x8D00, s24  }
0xc0: {  	[tilespmem:s26], [sflag:s6] =	stream.indirect_vreg.gather [hbm4b:s8+s2], $0x80, v19, vm0, $0xb8;
	[tilespmem:$0x1E600] =	vst v63  }
0xc1: {  	v19 =	vld [tilespmem:s1+$0x40];
	_ =	sdelay $0x4  }
0xc2: {  	v20 =	vshll.u32 v19, $0x2  }
0xc3: {  	v19 =	vand.u32 $0x7, v19;
	v20 =	vand.u32 $0xFFFFFFE0, v20  }
0xc4: {  	v19 =	vor.u32 v19, v20  }
0xc5: {  	v20 =	vperm.xlane v19, v0;
	_ =	sdelay $0x1  }
0xc6: {  	v20 =	vadd.s32 v2, v20;
	_ =	sdelay $0x1  }
0xc7: {  	v19 =	vperm.xlane v19, v3;
	_ =	sdelay $0x1  }
0xc8: {  	s28 =	sadd.s32 $0x9500, s24;
	v19 =	vadd.s32 v2, v19  }
0xc9: {  	[tilespmem:s28], [sflag:s6] =	stream.indirect_vreg.gather [hbm4b:s3+s2], $0x80, v20, vm0, $0xb8;
	[tilespmem:$0x1E600] =	vst v63  }
0xca: {  	s29 =	sadd.s32 $0x9D00, s24  }
0xcb: {  	[tilespmem:s29], [sflag:s6] =	stream.indirect_vreg.gather [hbm4b:s8+s2], $0x80, v20, vm0, $0xb8;
	[tilespmem:$0x1E600] =	vst v63  }
0xcc: {  	s30 =	sadd.s32 $0xA500, s24  }
0xcd: {  	[tilespmem:s30], [sflag:s6] =	stream.indirect_vreg.gather [hbm4b:s3+s2], $0x80, v19, vm0, $0xb8;
	[tilespmem:$0x1E600] =	vst v63  }
0xce: {  	s31 =	sadd.s32 $0xAD00, s24  }
0xcf: {  	[tilespmem:s31], [sflag:s6] =	stream.indirect_vreg.gather [hbm4b:s8+s2], $0x80, v19, vm0, $0xb8;
	[tilespmem:$0x1E600] =	vst v63  }
0xd0: {  	v19 =	vld [tilespmem:s1+$0x50];
	_ =	sdelay $0x4  }
0xd1: {  	v20 =	vshll.u32 v19, $0x2  }
0xd2: {  	v19 =	vand.u32 $0x7, v19;
	v20 =	vand.u32 $0xFFFFFFE0, v20  }
0xd3: {  	v19 =	vor.u32 v19, v20  }
0xd4: {  	v20 =	vperm.xlane v19, v0;
	_ =	sdelay $0x1  }
0xd5: {  	v20 =	vadd.s32 v2, v20;
	_ =	sdelay $0x1  }
0xd6: {  	v19 =	vperm.xlane v19, v3;
	_ =	sdelay $0x1  }
0xd7: {  	s7 =	sadd.s32 $0xB500, s24;
	v19 =	vadd.s32 v2, v19  }
0xd8: {  	[tilespmem:s7], [sflag:s6] =	stream.indirect_vreg.gather [hbm4b:s3+s2], $0x80, v20, vm0, $0xb8;
	[tilespmem:$0x1E600] =	vst v63  }
0xd9: {  	s26 =	sadd.s32 $0xBD00, s24  }
0xda: {  	[tilespmem:s26], [sflag:s6] =	stream.indirect_vreg.gather [hbm4b:s8+s2], $0x80, v20, vm0, $0xb8;
	[tilespmem:$0x1E600] =	vst v63  }
0xdb: {  	s28 =	sadd.s32 $0xC500, s24  }
0xdc: {  	[tilespmem:s28], [sflag:s6] =	stream.indirect_vreg.gather [hbm4b:s3+s2], $0x80, v19, vm0, $0xb8;
	[tilespmem:$0x1E600] =	vst v63  }
0xdd: {  	s29 =	sadd.s32 $0xCD00, s24;
	s1 =	sor.u32 $0x60, s1  }
0xde: {  	[tilespmem:s29], [sflag:s6] =	stream.indirect_vreg.gather [hbm4b:s8+s2], $0x80, v19, vm0, $0xb8;
	[tilespmem:$0x1E600] =	vst v63  }
0xdf: {  	v19 =	vld.msk [tilespmem:s1+$0x0], $0xff;
	_ =	sdelay $0x4  }
0xe0: {  	v20 =	vshll.u32 v19, $0x2  }
0xe1: {  	v19 =	vand.u32 $0x7, v19;
	v20 =	vand.u32 $0xFFFFFFE0, v20  }
0xe2: {  	v19 =	vor.u32 v19, v20  }
0xe3: {  	v19 =	vperm.xlane v19, v0;
	_ =	sdelay $0x1  }
0xe4: {  	v19 =	vadd.s32 v2, v19;
	_ =	sdelay $0x3  }
0xe5: {  	s30 =	sadd.s32 $0xD500, s24  }
0xe6: {  	[tilespmem:s30], [sflag:s6] =	stream.indirect_vreg.gather [hbm4b:s3+s2], $0x80, v19, vm0, $0xb8;
	[tilespmem:$0x1E600] =	vst v63  }
0xe7: {  	s31 =	sadd.s32 $0xDD00, s24  }
0xe8: {  	[tilespmem:s31], [sflag:s6] =	stream.indirect_vreg.gather [hbm4b:s8+s2], $0x80, v19, vm0, $0xb8;
	[tilespmem:$0x1E600] =	vst v63  }
.LBB2_4:
0xe9: {  	p1 =	seq.s32 s23, $0x0  }
.Ltmp1:
0xea: {  	s1 =	sand.u32 $0x1, s23;
	(pc) =	sbr.rel @p1 .LBB2_10-.Ltmp1, $4  }
0xeb: {  	s1 =	sadd.s32 $0x1, s1  }
0xec: {  	_ =	swait.ge [sflag:s1], $0xD000  }
0xed: {  	[sflag:s1] =	ssyncset.done $0x0  }
0xee: {  	[sflag:s1] =	ssyncadd.s32 $0xFFFF3000  }
0xef: {  	p1 =	seq.s32 s23, $0x10  }
.Ltmp2:
0xf0: {  	_ = 	snop;
	(pc) =	sbr.rel @p1 .LBB2_8-.Ltmp2, $1  }
0xf1: {  	_ =	sdelay $0x3  }
0xf2: {  	p1 =	sne.s32 s23, $0xF  }
.Ltmp3:
0xf3: {  	_ = 	snop;
	(pc) =	sbr.rel @p1 .LBB2_9-.Ltmp3, $1  }
0xf4: {  	_ =	sdelay $0x3  }
0xf5: {  	[tilespmem:s2], [sflag:$0x4] =	stream.linear.gather [hbm4b:s10+s2], $0x800, $0x38;
	[tilespmem:$0x1E600] =	vst v63  }
0xf6: {  	_ =	swait.ge [sflag:s12], $0x800  }
0xf7: {  	[sflag:s12] =	ssyncset.done $0x0  }
0xf8: {  	[sflag:s12] =	ssyncadd.s32 $0xFFFFF800  }
0xf9: {  	v19 =	vld [tilespmem:$0x0];
	_ =	sdelay $0x4  }
0xfa: {  	v20 =	vshll.u32 v19, $0x2  }
0xfb: {  	v19 =	vand.u32 $0x7, v19;
	v20 =	vand.u32 $0xFFFFFFE0, v20  }
0xfc: {  	v19 =	vor.u32 v19, v20  }
0xfd: {  	v20 =	vperm.xlane v19, v0;
	_ =	sdelay $0x1  }
0xfe: {  	v20 =	vadd.s32 v2, v20;
	_ =	sdelay $0x1  }
0xff: {  	v19 =	vperm.xlane v19, v3;
	_ =	sdelay $0x1  }
0x100: {  	s1 =	simm.s32 $0x1500;
	v19 =	vadd.s32 v2, v19  }
0x101: {  	[tilespmem:s1], [sflag:$0x1] =	stream.indirect_vreg.gather [hbm4b:s3+s2], $0x80, v20, vm0, $0xb8;
	[tilespmem:$0x1E600] =	vst v63  }
0x102: {  	s30 =	simm.s32 $0x1D00  }
0x103: {  	[tilespmem:s30], [sflag:$0x1] =	stream.indirect_vreg.gather [hbm4b:s8+s2], $0x80, v20, vm0, $0xb8;
	[tilespmem:$0x1E600] =	vst v63  }
0x104: {  	s31 =	simm.s32 $0x2500  }
0x105: {  	[tilespmem:s31], [sflag:$0x1] =	stream.indirect_vreg.gather [hbm4b:s3+s2], $0x80, v19, vm0, $0xb8;
	[tilespmem:$0x1E600] =	vst v63  }
0x106: {  	s6 =	simm.s32 $0x2D00  }
0x107: {  	[tilespmem:s6], [sflag:$0x1] =	stream.indirect_vreg.gather [hbm4b:s8+s2], $0x80, v19, vm0, $0xb8;
	[tilespmem:$0x1E600] =	vst v63  }
0x108: {  	v19 =	vld [tilespmem:$0x10];
	_ =	sdelay $0x4  }
0x109: {  	v20 =	vshll.u32 v19, $0x2  }
0x10a: {  	v19 =	vand.u32 $0x7, v19;
	v20 =	vand.u32 $0xFFFFFFE0, v20  }
0x10b: {  	v19 =	vor.u32 v19, v20  }
0x10c: {  	v20 =	vperm.xlane v19, v0;
	_ =	sdelay $0x1  }
0x10d: {  	v20 =	vadd.s32 v2, v20;
	_ =	sdelay $0x1  }
0x10e: {  	v19 =	vperm.xlane v19, v3;
	_ =	sdelay $0x1  }
0x10f: {  	s7 =	simm.s32 $0x3500;
	v19 =	vadd.s32 v2, v19  }
0x110: {  	[tilespmem:s7], [sflag:$0x1] =	stream.indirect_vreg.gather [hbm4b:s3+s2], $0x80, v20, vm0, $0xb8;
	[tilespmem:$0x1E600] =	vst v63  }
0x111: {  	s24 =	simm.s32 $0x3D00  }
0x112: {  	[tilespmem:s24], [sflag:$0x1] =	stream.indirect_vreg.gather [hbm4b:s8+s2], $0x80, v20, vm0, $0xb8;
	[tilespmem:$0x1E600] =	vst v63  }
0x113: {  	s25 =	simm.s32 $0x4500  }
0x114: {  	[tilespmem:s25], [sflag:$0x1] =	stream.indirect_vreg.gather [hbm4b:s3+s2], $0x80, v19, vm0, $0xb8;
	[tilespmem:$0x1E600] =	vst v63  }
0x115: {  	s26 =	simm.s32 $0x4D00  }
0x116: {  	[tilespmem:s26], [sflag:$0x1] =	stream.indirect_vreg.gather [hbm4b:s8+s2], $0x80, v19, vm0, $0xb8;
	[tilespmem:$0x1E600] =	vst v63  }
0x117: {  	v19 =	vld [tilespmem:$0x20];
	_ =	sdelay $0x4  }
0x118: {  	v20 =	vshll.u32 v19, $0x2  }
0x119: {  	v19 =	vand.u32 $0x7, v19;
	v20 =	vand.u32 $0xFFFFFFE0, v20  }
0x11a: {  	v19 =	vor.u32 v19, v20  }
0x11b: {  	v20 =	vperm.xlane v19, v0;
	_ =	sdelay $0x1  }
0x11c: {  	v20 =	vadd.s32 v2, v20;
	_ =	sdelay $0x1  }
0x11d: {  	v19 =	vperm.xlane v19, v3;
	_ =	sdelay $0x1  }
0x11e: {  	s28 =	simm.s32 $0x5500;
	v19 =	vadd.s32 v2, v19  }
0x11f: {  	[tilespmem:s28], [sflag:$0x1] =	stream.indirect_vreg.gather [hbm4b:s3+s2], $0x80, v20, vm0, $0xb8;
	[tilespmem:$0x1E600] =	vst v63  }
0x120: {  	s29 =	simm.s32 $0x5D00  }
0x121: {  	[tilespmem:s29], [sflag:$0x1] =	stream.indirect_vreg.gather [hbm4b:s8+s2], $0x80, v20, vm0, $0xb8;
	[tilespmem:$0x1E600] =	vst v63  }
0x122: {  	s30 =	simm.s32 $0x6500  }
0x123: {  	[tilespmem:s30], [sflag:$0x1] =	stream.indirect_vreg.gather [hbm4b:s3+s2], $0x80, v19, vm0, $0xb8;
	[tilespmem:$0x1E600] =	vst v63  }
0x124: {  	s31 =	simm.s32 $0x6D00  }
0x125: {  	[tilespmem:s31], [sflag:$0x1] =	stream.indirect_vreg.gather [hbm4b:s8+s2], $0x80, v19, vm0, $0xb8;
	[tilespmem:$0x1E600] =	vst v63  }
0x126: {  	v19 =	vld [tilespmem:$0x30];
	_ =	sdelay $0x4  }
0x127: {  	v20 =	vshll.u32 v19, $0x2  }
0x128: {  	v19 =	vand.u32 $0x7, v19;
	v20 =	vand.u32 $0xFFFFFFE0, v20  }
0x129: {  	v19 =	vor.u32 v19, v20  }
0x12a: {  	v20 =	vperm.xlane v19, v0;
	_ =	sdelay $0x1  }
0x12b: {  	v20 =	vadd.s32 v2, v20;
	_ =	sdelay $0x1  }
0x12c: {  	v19 =	vperm.xlane v19, v3;
	_ =	sdelay $0x1  }
0x12d: {  	s6 =	simm.s32 $0x7500;
	v19 =	vadd.s32 v2, v19  }
0x12e: {  	[tilespmem:s6], [sflag:$0x1] =	stream.indirect_vreg.gather [hbm4b:s3+s2], $0x80, v20, vm0, $0xb8;
	[tilespmem:$0x1E600] =	vst v63  }
0x12f: {  	s7 =	simm.s32 $0x7D00  }
0x130: {  	[tilespmem:s7], [sflag:$0x1] =	stream.indirect_vreg.gather [hbm4b:s8+s2], $0x80, v20, vm0, $0xb8;
	[tilespmem:$0x1E600] =	vst v63  }
0x131: {  	s24 =	simm.s32 $0x8500  }
0x132: {  	[tilespmem:s24], [sflag:$0x1] =	stream.indirect_vreg.gather [hbm4b:s3+s2], $0x80, v19, vm0, $0xb8;
	[tilespmem:$0x1E600] =	vst v63  }
0x133: {  	s25 =	simm.s32 $0x8D00  }
0x134: {  	[tilespmem:s25], [sflag:$0x1] =	stream.indirect_vreg.gather [hbm4b:s8+s2], $0x80, v19, vm0, $0xb8;
	[tilespmem:$0x1E600] =	vst v63  }
0x135: {  	v19 =	vld [tilespmem:$0x40];
	_ =	sdelay $0x4  }
0x136: {  	v20 =	vshll.u32 v19, $0x2  }
0x137: {  	v19 =	vand.u32 $0x7, v19;
	v20 =	vand.u32 $0xFFFFFFE0, v20  }
0x138: {  	v19 =	vor.u32 v19, v20  }
0x139: {  	v20 =	vperm.xlane v19, v0;
	_ =	sdelay $0x1  }
0x13a: {  	v20 =	vadd.s32 v2, v20;
	_ =	sdelay $0x1  }
0x13b: {  	v19 =	vperm.xlane v19, v3;
	_ =	sdelay $0x1  }
0x13c: {  	s26 =	simm.s32 $0x9500;
	v19 =	vadd.s32 v2, v19  }
0x13d: {  	[tilespmem:s26], [sflag:$0x1] =	stream.indirect_vreg.gather [hbm4b:s3+s2], $0x80, v20, vm0, $0xb8;
	[tilespmem:$0x1E600] =	vst v63  }
0x13e: {  	s28 =	simm.s32 $0x9D00  }
0x13f: {  	[tilespmem:s28], [sflag:$0x1] =	stream.indirect_vreg.gather [hbm4b:s8+s2], $0x80, v20, vm0, $0xb8;
	[tilespmem:$0x1E600] =	vst v63  }
0x140: {  	s29 =	simm.s32 $0xA500  }
0x141: {  	[tilespmem:s29], [sflag:$0x1] =	stream.indirect_vreg.gather [hbm4b:s3+s2], $0x80, v19, vm0, $0xb8;
	[tilespmem:$0x1E600] =	vst v63  }
0x142: {  	s30 =	simm.s32 $0xAD00  }
0x143: {  	[tilespmem:s30], [sflag:$0x1] =	stream.indirect_vreg.gather [hbm4b:s8+s2], $0x80, v19, vm0, $0xb8;
	[tilespmem:$0x1E600] =	vst v63  }
0x144: {  	v19 =	vld [tilespmem:$0x50];
	_ =	sdelay $0x4  }
0x145: {  	v20 =	vshll.u32 v19, $0x2  }
0x146: {  	v19 =	vand.u32 $0x7, v19;
	v20 =	vand.u32 $0xFFFFFFE0, v20  }
0x147: {  	v19 =	vor.u32 v19, v20  }
0x148: {  	v20 =	vperm.xlane v19, v0;
	_ =	sdelay $0x1  }
0x149: {  	v20 =	vadd.s32 v2, v20;
	_ =	sdelay $0x1  }
0x14a: {  	v19 =	vperm.xlane v19, v3;
	_ =	sdelay $0x1  }
0x14b: {  	s31 =	simm.s32 $0xB500;
	v19 =	vadd.s32 v2, v19  }
0x14c: {  	[tilespmem:s31], [sflag:$0x1] =	stream.indirect_vreg.gather [hbm4b:s3+s2], $0x80, v20, vm0, $0xb8;
	[tilespmem:$0x1E600] =	vst v63  }
0x14d: {  	_ = 	snop  }
0x14e: {  	[tilespmem:s11], [sflag:$0x1] =	stream.indirect_vreg.gather [hbm4b:s8+s2], $0x80, v20, vm0, $0xb8;
	[tilespmem:$0x1E600] =	vst v63  }
0x14f: {  	_ = 	snop  }
0x150: {  	[tilespmem:s14], [sflag:$0x1] =	stream.indirect_vreg.gather [hbm4b:s3+s2], $0x80, v19, vm0, $0xb8;
	[tilespmem:$0x1E600] =	vst v63  }
0x151: {  	_ = 	snop  }
0x152: {  	[tilespmem:s15], [sflag:$0x1] =	stream.indirect_vreg.gather [hbm4b:s8+s2], $0x80, v19, vm0, $0xb8;
	[tilespmem:$0x1E600] =	vst v63  }
0x153: {  	v19 =	vld.msk [tilespmem:$0x60], $0xff;
	_ =	sdelay $0x4  }
0x154: {  	v20 =	vshll.u32 v19, $0x2  }
0x155: {  	v19 =	vand.u32 $0x7, v19;
	v20 =	vand.u32 $0xFFFFFFE0, v20  }
0x156: {  	v19 =	vor.u32 v19, v20  }
0x157: {  	v19 =	vperm.xlane v19, v0;
	_ =	sdelay $0x1  }
0x158: {  	v19 =	vadd.s32 v2, v19;
	_ =	sdelay $0x2  }
.Ltmp4:
0x159: {  	_ = 	snop;
	(pc) =	sbr.rel .LBB2_9-.Ltmp4, $4  }
0x15a: {  	_ = 	snop  }
0x15b: {  	[tilespmem:s16], [sflag:$0x1] =	stream.indirect_vreg.gather [hbm4b:s3+s2], $0x80, v19, vm0, $0xb8;
	[tilespmem:$0x1E600] =	vst v63  }
0x15c: {  	_ = 	snop  }
0x15d: {  	[tilespmem:s17], [sflag:$0x1] =	stream.indirect_vreg.gather [hbm4b:s8+s2], $0x80, v19, vm0, $0xb8;
	[tilespmem:$0x1E600] =	vst v63  }
.LBB2_8:
0x15e: {  	[tilespmem:s13], [sflag:$0x4] =	stream.linear.gather [hbm4b:s9+s2], $0xD00, $0x38;
	[tilespmem:$0x1E600] =	vst v63  }
0x15f: {  	_ =	swait.ge [sflag:s12], $0xD00  }
0x160: {  	[sflag:s12] =	ssyncset.done $0x0  }
0x161: {  	[sflag:s12] =	ssyncadd.s32 $0xFFFFF300  }
.LBB2_9:
0x162: {  	_ =	swait.ge [sflag:s21], $0x3100  }
0x163: {  	[sflag:s21] =	ssyncset.done $0x0  }
0x164: {  	[sflag:s21] =	ssyncadd.s32 $0xFFFFCF00  }
.LBB2_10:
0x165: {  	s0 =	smul.u32 $0xD0, s0  }
0x166: {  	s24 =	simm.s32 $0x0;
	p1 =	por $0x1, $0x1  }
0x167: {  	s1 =	simm.s32 $0x8;
	s6 =	simm.s32 $0x1;
	[dreg:$0x2] =	wrdreg s0  }
0x168: {  	s1 =	smov.u32 @p1 s24;
	s6 =	simm.s32 @!p0 $0x0;
	s0 =	rddreg [dreg:$0x2]  }
0x169: {  	s1 =	sadd.s32 s0, s1;
	s0 =	smul.u32 $0xD000, s6  }
0x16a: {  	v19 =	vmov s1  }
0x16b: {  	s26 =	sor.u32 $0x1, s1;
	v19 =	vand.u32 $0xFFFFFFFC, v19;
	s25 =	sor.u32 $0x80, s0  }
0x16c: {  	v20 =	vmov s26;
	v21 =	vbroadcast v19, $0x0;
	s7 =	sadd.s32 $0xFFFFFF80, s25  }
0x16d: {  	s28 =	sand.u32 $0x300, s24;
	s26 =	sor.u32 $0x2, s1;
	s6 =	sand.u32 $0x1F000, s7  }
0x16e: {  	v23 =	vmov s26;
	s26 =	sor.u32 s28, s6  }
0x16f: {  	s1 =	sor.u32 $0x3, s1;
	v24 =	vld [tilespmem:s26+$0x1D00]  }
0x170: {  	v25 =	vmov s1;
	v26 =	vld [tilespmem:s26+$0x1500]  }
0x171: {  	v19 =	vld.idx.msk [tilespmem:v20+s13+$0x0], $0xffff  }
0x172: {  	v22 =	vld.idx.msk [tilespmem:v21+s13+$0x0], $0xffff  }
0x173: {  	v21 =	vld.idx.msk [tilespmem:v23+s13+$0x0], $0xffff  }
0x174: {  	v23 =	vld [tilespmem:s26+$0x1580]  }
0x175: {  	v20 =	vld.idx.msk [tilespmem:v25+s13+$0x0], $0xffff  }
0x176: {  	v25 =	vld [tilespmem:s26+$0x1D80]  }
0x177: {  	v24 =	vmul.f32 v24, v19;
	v26 =	vmul.f32 v26, v22;
	_ =	sdelay $0x1  }
0x178: {  	v23 =	vmul.f32 v23, v21;
	v24 =	vadd.f32 v24, v26  }
0x179: {  	v26 =	vadd.s32 s24, v1  }
0x17a: {  	v23 =	vadd.f32 v23, v24;
	v24 =	vmul.f32 v25, v20;
	_ =	sdelay $0x1  }
0x17b: {  	v23 =	vadd.f32 v24, v23;
	_ =	sdelay $0x1  }
0x17c: {  	[tilespmem:v26+s18+$0x0] =	vst.idx.msk $0xffff, v23  }
0x17d: {  	v23 =	vld [tilespmem:s26+$0x1510]  }
0x17e: {  	v24 =	vld [tilespmem:s26+$0x1D10];
	_ =	sdelay $0x1  }
0x17f: {  	v25 =	vld [tilespmem:s26+$0x1590];
	_ =	sdelay $0x1  }
0x180: {  	v26 =	vld [tilespmem:s26+$0x1D90]  }
0x181: {  	v23 =	vmul.f32 v23, v22;
	v24 =	vmul.f32 v24, v19;
	_ =	sdelay $0x1  }
0x182: {  	v25 =	vmul.f32 v25, v21;
	v23 =	vadd.f32 v24, v23  }
0x183: {  	v24 =	vadd.s32 s24, v4  }
0x184: {  	v26 =	vmul.f32 v26, v20;
	v23 =	vadd.f32 v25, v23;
	_ =	sdelay $0x1  }
0x185: {  	v23 =	vadd.f32 v26, v23;
	_ =	sdelay $0x1  }
0x186: {  	[tilespmem:v24+s18+$0x0] =	vst.idx.msk $0xffff, v23  }
0x187: {  	v23 =	vld [tilespmem:s26+$0x1520]  }
0x188: {  	v24 =	vld [tilespmem:s26+$0x1D20];
	_ =	sdelay $0x1  }
0x189: {  	v25 =	vld [tilespmem:s26+$0x15A0];
	_ =	sdelay $0x1  }
0x18a: {  	v26 =	vld [tilespmem:s26+$0x1DA0]  }
0x18b: {  	v23 =	vmul.f32 v23, v22;
	v24 =	vmul.f32 v24, v19;
	_ =	sdelay $0x1  }
0x18c: {  	v25 =	vmul.f32 v25, v21;
	v23 =	vadd.f32 v24, v23  }
0x18d: {  	v24 =	vadd.s32 s24, v5  }
0x18e: {  	v23 =	vadd.f32 v25, v23;
	v25 =	vmul.f32 v26, v20;
	_ =	sdelay $0x1  }
0x18f: {  	v23 =	vadd.f32 v25, v23;
	_ =	sdelay $0x1  }
0x190: {  	[tilespmem:v24+s18+$0x0] =	vst.idx.msk $0xffff, v23  }
0x191: {  	v23 =	vld [tilespmem:s26+$0x1530]  }
0x192: {  	v24 =	vld [tilespmem:s26+$0x1D30];
	_ =	sdelay $0x1  }
0x193: {  	v25 =	vld [tilespmem:s26+$0x15B0];
	_ =	sdelay $0x1  }
0x194: {  	v26 =	vld [tilespmem:s26+$0x1DB0]  }
0x195: {  	v23 =	vmul.f32 v23, v22;
	v24 =	vmul.f32 v24, v19;
	_ =	sdelay $0x1  }
0x196: {  	v23 =	vadd.f32 v24, v23;
	v24 =	vmul.f32 v25, v21  }
0x197: {  	v25 =	vadd.s32 s24, v6  }
0x198: {  	v23 =	vadd.f32 v24, v23;
	v24 =	vmul.f32 v26, v20;
	_ =	sdelay $0x1  }
0x199: {  	v23 =	vadd.f32 v24, v23;
	_ =	sdelay $0x1  }
0x19a: {  	[tilespmem:v25+s18+$0x0] =	vst.idx.msk $0xffff, v23  }
0x19b: {  	v23 =	vld [tilespmem:s26+$0x1540]  }
0x19c: {  	v24 =	vld [tilespmem:s26+$0x1D40];
	_ =	sdelay $0x1  }
0x19d: {  	v25 =	vld [tilespmem:s26+$0x15C0];
	_ =	sdelay $0x1  }
0x19e: {  	v26 =	vld [tilespmem:s26+$0x1DC0]  }
0x19f: {  	v23 =	vmul.f32 v23, v22;
	v24 =	vmul.f32 v24, v19;
	_ =	sdelay $0x1  }
0x1a0: {  	v23 =	vadd.f32 v24, v23;
	v24 =	vmul.f32 v25, v21  }
0x1a1: {  	v25 =	vadd.s32 s24, v7  }
0x1a2: {  	v23 =	vadd.f32 v24, v23;
	v24 =	vmul.f32 v26, v20;
	_ =	sdelay $0x1  }
0x1a3: {  	v23 =	vadd.f32 v24, v23;
	_ =	sdelay $0x1  }
0x1a4: {  	[tilespmem:v25+s18+$0x0] =	vst.idx.msk $0xffff, v23  }
0x1a5: {  	v23 =	vld [tilespmem:s26+$0x1550]  }
0x1a6: {  	v24 =	vld [tilespmem:s26+$0x1D50];
	_ =	sdelay $0x1  }
0x1a7: {  	v25 =	vld [tilespmem:s26+$0x15D0];
	_ =	sdelay $0x1  }
0x1a8: {  	v26 =	vld [tilespmem:s26+$0x1DD0]  }
0x1a9: {  	v23 =	vmul.f32 v23, v22;
	v24 =	vmul.f32 v24, v19;
	_ =	sdelay $0x1  }
0x1aa: {  	v25 =	vmul.f32 v25, v21;
	v23 =	vadd.f32 v24, v23  }
0x1ab: {  	v24 =	vadd.s32 s24, v8  }
0x1ac: {  	v26 =	vmul.f32 v26, v20;
	v23 =	vadd.f32 v25, v23;
	_ =	sdelay $0x1  }
0x1ad: {  	v23 =	vadd.f32 v26, v23;
	_ =	sdelay $0x1  }
0x1ae: {  	[tilespmem:v24+s18+$0x0] =	vst.idx.msk $0xffff, v23  }
0x1af: {  	v23 =	vld [tilespmem:s26+$0x1560]  }
0x1b0: {  	v24 =	vld [tilespmem:s26+$0x1D60];
	_ =	sdelay $0x1  }
0x1b1: {  	v25 =	vld [tilespmem:s26+$0x15E0];
	_ =	sdelay $0x1  }
0x1b2: {  	v26 =	vld [tilespmem:s26+$0x1DE0]  }
0x1b3: {  	v23 =	vmul.f32 v23, v22;
	v24 =	vmul.f32 v24, v19;
	_ =	sdelay $0x1  }
0x1b4: {  	v25 =	vmul.f32 v25, v21;
	v23 =	vadd.f32 v24, v23  }
0x1b5: {  	v24 =	vadd.s32 s24, v9  }
0x1b6: {  	v26 =	vmul.f32 v26, v20;
	v23 =	vadd.f32 v25, v23;
	_ =	sdelay $0x1  }
0x1b7: {  	v23 =	vadd.f32 v26, v23;
	_ =	sdelay $0x1  }
0x1b8: {  	[tilespmem:v24+s18+$0x0] =	vst.idx.msk $0xffff, v23  }
0x1b9: {  	v23 =	vld [tilespmem:s26+$0x1570]  }
0x1ba: {  	v24 =	vld [tilespmem:s26+$0x1D70];
	_ =	sdelay $0x1  }
0x1bb: {  	v25 =	vld [tilespmem:s26+$0x15F0];
	_ =	sdelay $0x1  }
0x1bc: {  	v26 =	vld [tilespmem:s26+$0x1DF0]  }
0x1bd: {  	v23 =	vmul.f32 v23, v22;
	v24 =	vmul.f32 v24, v19;
	_ =	sdelay $0x1  }
0x1be: {  	v25 =	vmul.f32 v25, v21;
	v23 =	vadd.f32 v24, v23  }
0x1bf: {  	v24 =	vadd.s32 s24, v10  }
0x1c0: {  	v26 =	vmul.f32 v26, v20;
	v23 =	vadd.f32 v25, v23;
	_ =	sdelay $0x1  }
0x1c1: {  	s7 =	sand.u32 $0x3, s24;
	v23 =	vadd.f32 v26, v23  }
0x1c2: {  	s1 =	sshll.u32 s7, $0x8  }
0x1c3: {  	s6 =	sadd.s32 s1, s0;
	[tilespmem:v24+s18+$0x0] =	vst.idx.msk $0xffff, v23  }
0x1c4: {  	s1 =	sor.u32 $0xC00, s6;
	v23 =	vld [tilespmem:s26+$0x1900]  }
0x1c5: {  	v24 =	vld [tilespmem:s1+$0x1500];
	_ =	sdelay $0x1  }
0x1c6: {  	s1 =	sadd.s32 $0x80, s6;
	v25 =	vld [tilespmem:s26+$0x1980]  }
0x1c7: {  	s28 =	sor.u32 $0xC00, s1  }
0x1c8: {  	v26 =	vld [tilespmem:s28+$0x1500]  }
0x1c9: {  	v23 =	vmul.f32 v23, v22;
	v24 =	vmul.f32 v24, v19;
	_ =	sdelay $0x1  }
0x1ca: {  	v25 =	vmul.f32 v25, v21;
	v23 =	vadd.f32 v24, v23  }
0x1cb: {  	v24 =	vadd.s32 s24, v11  }
0x1cc: {  	v26 =	vmul.f32 v26, v20;
	v23 =	vadd.f32 v25, v23;
	_ =	sdelay $0x1  }
0x1cd: {  	v23 =	vadd.f32 v26, v23;
	_ =	sdelay $0x1  }
0x1ce: {  	[tilespmem:v24+s18+$0x0] =	vst.idx.msk $0xffff, v23  }
0x1cf: {  	s28 =	sor.u32 $0xC10, s6;
	v23 =	vld [tilespmem:s26+$0x1910]  }
0x1d0: {  	v24 =	vld [tilespmem:s28+$0x1500];
	_ =	sdelay $0x1  }
0x1d1: {  	v25 =	vld [tilespmem:s26+$0x1990]  }
0x1d2: {  	s28 =	sor.u32 $0xC10, s1  }
0x1d3: {  	v26 =	vld [tilespmem:s28+$0x1500]  }
0x1d4: {  	v23 =	vmul.f32 v23, v22;
	v24 =	vmul.f32 v24, v19;
	_ =	sdelay $0x1  }
0x1d5: {  	v25 =	vmul.f32 v25, v21;
	v23 =	vadd.f32 v24, v23  }
0x1d6: {  	v24 =	vadd.s32 s24, v12  }
0x1d7: {  	v26 =	vmul.f32 v26, v20;
	v23 =	vadd.f32 v25, v23;
	_ =	sdelay $0x1  }
0x1d8: {  	v23 =	vadd.f32 v26, v23;
	_ =	sdelay $0x1  }
0x1d9: {  	[tilespmem:v24+s18+$0x0] =	vst.idx.msk $0xffff, v23  }
0x1da: {  	s28 =	sor.u32 $0xC20, s6;
	v23 =	vld [tilespmem:s26+$0x1920]  }
0x1db: {  	v24 =	vld [tilespmem:s28+$0x1500];
	_ =	sdelay $0x1  }
0x1dc: {  	v25 =	vld [tilespmem:s26+$0x19A0]  }
0x1dd: {  	s28 =	sor.u32 $0xC20, s1  }
0x1de: {  	v26 =	vld [tilespmem:s28+$0x1500]  }
0x1df: {  	v23 =	vmul.f32 v23, v22;
	v24 =	vmul.f32 v24, v19;
	_ =	sdelay $0x1  }
0x1e0: {  	v25 =	vmul.f32 v25, v21;
	v23 =	vadd.f32 v24, v23  }
0x1e1: {  	v24 =	vadd.s32 s24, v13  }
0x1e2: {  	v26 =	vmul.f32 v26, v20;
	v23 =	vadd.f32 v25, v23;
	_ =	sdelay $0x1  }
0x1e3: {  	v23 =	vadd.f32 v26, v23;
	_ =	sdelay $0x1  }
0x1e4: {  	[tilespmem:v24+s18+$0x0] =	vst.idx.msk $0xffff, v23  }
0x1e5: {  	s28 =	sor.u32 $0xC30, s6;
	v23 =	vld [tilespmem:s26+$0x1930]  }
0x1e6: {  	v24 =	vld [tilespmem:s28+$0x1500];
	_ =	sdelay $0x1  }
0x1e7: {  	v25 =	vld [tilespmem:s26+$0x19B0]  }
0x1e8: {  	s28 =	sor.u32 $0xC30, s1  }
0x1e9: {  	v26 =	vld [tilespmem:s28+$0x1500]  }
0x1ea: {  	v23 =	vmul.f32 v23, v22;
	v24 =	vmul.f32 v24, v19;
	_ =	sdelay $0x1  }
0x1eb: {  	v25 =	vmul.f32 v25, v21;
	v23 =	vadd.f32 v24, v23  }
0x1ec: {  	v24 =	vadd.s32 s24, v14  }
0x1ed: {  	v26 =	vmul.f32 v26, v20;
	v23 =	vadd.f32 v25, v23;
	_ =	sdelay $0x1  }
0x1ee: {  	v23 =	vadd.f32 v26, v23;
	_ =	sdelay $0x1  }
0x1ef: {  	[tilespmem:v24+s18+$0x0] =	vst.idx.msk $0xffff, v23  }
0x1f0: {  	s28 =	sor.u32 $0xC40, s6;
	v23 =	vld [tilespmem:s26+$0x1940]  }
0x1f1: {  	v24 =	vld [tilespmem:s28+$0x1500];
	_ =	sdelay $0x1  }
0x1f2: {  	v25 =	vld [tilespmem:s26+$0x19C0]  }
0x1f3: {  	s28 =	sor.u32 $0xC40, s1  }
0x1f4: {  	v26 =	vld [tilespmem:s28+$0x1500]  }
0x1f5: {  	v23 =	vmul.f32 v23, v22;
	v24 =	vmul.f32 v24, v19;
	_ =	sdelay $0x1  }
0x1f6: {  	v25 =	vmul.f32 v25, v21;
	v23 =	vadd.f32 v24, v23  }
0x1f7: {  	v24 =	vadd.s32 s24, v15  }
0x1f8: {  	v26 =	vmul.f32 v26, v20;
	v23 =	vadd.f32 v25, v23;
	_ =	sdelay $0x1  }
0x1f9: {  	v23 =	vadd.f32 v26, v23;
	_ =	sdelay $0x1  }
0x1fa: {  	[tilespmem:v24+s18+$0x0] =	vst.idx.msk $0xffff, v23  }
0x1fb: {  	s28 =	sor.u32 $0xC50, s6;
	v23 =	vld [tilespmem:s26+$0x1950]  }
0x1fc: {  	v24 =	vld [tilespmem:s28+$0x1500];
	_ =	sdelay $0x1  }
0x1fd: {  	v25 =	vld [tilespmem:s26+$0x19D0]  }
0x1fe: {  	s28 =	sor.u32 $0xC50, s1  }
0x1ff: {  	v26 =	vld [tilespmem:s28+$0x1500]  }
0x200: {  	v23 =	vmul.f32 v23, v22;
	v24 =	vmul.f32 v24, v19;
	_ =	sdelay $0x1  }
0x201: {  	v25 =	vmul.f32 v25, v21;
	v23 =	vadd.f32 v24, v23  }
0x202: {  	v24 =	vadd.s32 s24, v16  }
0x203: {  	v26 =	vmul.f32 v26, v20;
	v23 =	vadd.f32 v25, v23;
	_ =	sdelay $0x1  }
0x204: {  	v23 =	vadd.f32 v26, v23;
	_ =	sdelay $0x1  }
0x205: {  	[tilespmem:v24+s18+$0x0] =	vst.idx.msk $0xffff, v23  }
0x206: {  	s28 =	sor.u32 $0xC60, s6;
	v23 =	vld [tilespmem:s26+$0x1960]  }
0x207: {  	v24 =	vld [tilespmem:s28+$0x1500];
	_ =	sdelay $0x1  }
0x208: {  	v25 =	vld [tilespmem:s26+$0x19E0]  }
0x209: {  	s28 =	sor.u32 $0xC60, s1  }
0x20a: {  	v26 =	vld [tilespmem:s28+$0x1500]  }
0x20b: {  	v23 =	vmul.f32 v23, v22;
	v24 =	vmul.f32 v24, v19;
	_ =	sdelay $0x1  }
0x20c: {  	v25 =	vmul.f32 v25, v21;
	v27 =	vadd.f32 v24, v23  }
0x20d: {  	s29 =	simm.s32 $0x1;
	s31 =	simm.s32 $0x1  }
0x20e: {  	s30 =	sadd.s32 $0x400, s0;
	s0 =	simm.s32 $0x0;
	s28 =	simm.s32 $0x0;
	v24 =	vmul.f32 v26, v20;
	v23 =	vadd.s32 s24, v17;
	v25 =	vadd.f32 v25, v27  }
.LBB2_11:
0x20f: {  	_ =	sdelay $0x1  }
0x210: {  	v24 =	vadd.f32 v24, v25;
	_ =	sdelay $0x1  }
0x211: {  	[tilespmem:v23+s18+$0x0] =	vst.idx.msk $0xffff, v24  }
0x212: {  	s6 =	sor.u32 $0xC70, s6;
	v23 =	vld [tilespmem:s26+$0x1970]  }
0x213: {  	v24 =	vld [tilespmem:s6+$0x1500];
	_ =	sdelay $0x1  }
0x214: {  	v25 =	vld [tilespmem:s26+$0x19F0]  }
0x215: {  	s1 =	sor.u32 $0xC70, s1  }
0x216: {  	v26 =	vld [tilespmem:s1+$0x1500]  }
0x217: {  	s0 =	sadd.s32 $0x4, s0;
	s7 =	smov.u32 s29;
	v22 =	vmul.f32 v23, v22;
	v19 =	vmul.f32 v24, v19  }
0x218: {  	p2 =	slt.u32 s7, $0x18;
	s6 =	sadd.s32 $0x8, s0  }
0x219: {  	s26 =	rddreg [dreg:$0x2];
	s6 =	smov.u32 @p2 s0;
	v21 =	vmul.f32 v25, v21;
	v19 =	vadd.f32 v19, v22  }
0x21a: {  	s1 =	sadd.s32 s26, s6;
	v22 =	vadd.s32 s28, v18  }
0x21b: {  	s25 =	sadd.s32 $0x400, s25;
	s6 =	sor.u32 $0x1, s1;
	v20 =	vmul.f32 v26, v20;
	v23 =	vmov s1;
	v19 =	vadd.f32 v21, v19  }
0x21c: {  	s24 =	sadd.s32 $0x100, s24;
	v24 =	vmov s6;
	s6 =	sadd.s32 $0xFFFFFF80, s25;
	v23 =	vand.u32 $0xFFFFFFFC, v23  }
0x21d: {  	s28 =	smov.u32 s7;
	s7 =	sor.u32 $0x2, s1;
	s1 =	sor.u32 $0x3, s1;
	v21 =	vbroadcast v23, $0x0;
	v19 =	vadd.f32 v20, v19  }
0x21e: {  	s26 =	sand.u32 $0x300, s24;
	v23 =	vmov s1;
	s1 =	sand.u32 $0x1F000, s6  }
0x21f: {  	s26 =	sor.u32 s26, s1;
	[tilespmem:v22+s18+$0x0] =	vst.idx.msk $0xffff, v19  }
0x220: {  	v20 =	vmov s7;
	v25 =	vld [tilespmem:s26+$0x1D00]  }
0x221: {  	v19 =	vld.idx.msk [tilespmem:v24+s13+$0x0], $0xffff  }
0x222: {  	v24 =	vld [tilespmem:s26+$0x1500]  }
0x223: {  	v22 =	vld.idx.msk [tilespmem:v21+s13+$0x0], $0xffff  }
0x224: {  	v26 =	vld [tilespmem:s26+$0x1580]  }
0x225: {  	v21 =	vld.idx.msk [tilespmem:v20+s13+$0x0], $0xffff  }
0x226: {  	v20 =	vld.idx.msk [tilespmem:v23+s13+$0x0], $0xffff  }
0x227: {  	v23 =	vld [tilespmem:s26+$0x1D80]  }
0x228: {  	v25 =	vmul.f32 v25, v19;
	v24 =	vmul.f32 v24, v22;
	_ =	sdelay $0x1  }
0x229: {  	v24 =	vadd.f32 v25, v24;
	v25 =	vmul.f32 v26, v21  }
0x22a: {  	v26 =	vadd.s32 s28, v1  }
0x22b: {  	v23 =	vmul.f32 v23, v20;
	v24 =	vadd.f32 v25, v24;
	_ =	sdelay $0x1  }
0x22c: {  	v23 =	vadd.f32 v23, v24;
	_ =	sdelay $0x1  }
0x22d: {  	[tilespmem:v26+s18+$0x0] =	vst.idx.msk $0xffff, v23  }
0x22e: {  	v23 =	vld [tilespmem:s26+$0x1510]  }
0x22f: {  	v24 =	vld [tilespmem:s26+$0x1D10];
	_ =	sdelay $0x1  }
0x230: {  	v25 =	vld [tilespmem:s26+$0x1590];
	_ =	sdelay $0x1  }
0x231: {  	v26 =	vld [tilespmem:s26+$0x1D90]  }
0x232: {  	v23 =	vmul.f32 v23, v22;
	v24 =	vmul.f32 v24, v19;
	_ =	sdelay $0x1  }
0x233: {  	v25 =	vmul.f32 v25, v21;
	v23 =	vadd.f32 v24, v23  }
0x234: {  	v24 =	vadd.s32 s28, v4  }
0x235: {  	v26 =	vmul.f32 v26, v20;
	v23 =	vadd.f32 v25, v23;
	_ =	sdelay $0x1  }
0x236: {  	v23 =	vadd.f32 v26, v23;
	_ =	sdelay $0x1  }
0x237: {  	[tilespmem:v24+s18+$0x0] =	vst.idx.msk $0xffff, v23  }
0x238: {  	v24 =	vld [tilespmem:s26+$0x1520]  }
0x239: {  	v25 =	vld [tilespmem:s26+$0x1D20];
	_ =	sdelay $0x1  }
0x23a: {  	v23 =	vld [tilespmem:s26+$0x15A0];
	_ =	sdelay $0x1  }
0x23b: {  	v26 =	vld [tilespmem:s26+$0x1DA0]  }
0x23c: {  	v24 =	vmul.f32 v24, v22;
	v25 =	vmul.f32 v25, v19;
	_ =	sdelay $0x1  }
0x23d: {  	v23 =	vmul.f32 v23, v21;
	v24 =	vadd.f32 v25, v24  }
0x23e: {  	v25 =	vadd.s32 s28, v5  }
0x23f: {  	v23 =	vadd.f32 v23, v24;
	v24 =	vmul.f32 v26, v20;
	_ =	sdelay $0x1  }
0x240: {  	v23 =	vadd.f32 v24, v23;
	_ =	sdelay $0x1  }
0x241: {  	[tilespmem:v25+s18+$0x0] =	vst.idx.msk $0xffff, v23  }
0x242: {  	v23 =	vld [tilespmem:s26+$0x1530]  }
0x243: {  	v24 =	vld [tilespmem:s26+$0x1D30];
	_ =	sdelay $0x1  }
0x244: {  	v25 =	vld [tilespmem:s26+$0x15B0];
	_ =	sdelay $0x1  }
0x245: {  	v26 =	vld [tilespmem:s26+$0x1DB0]  }
0x246: {  	v23 =	vmul.f32 v23, v22;
	v24 =	vmul.f32 v24, v19;
	_ =	sdelay $0x1  }
0x247: {  	v23 =	vadd.f32 v24, v23;
	v24 =	vmul.f32 v25, v21  }
0x248: {  	v25 =	vadd.s32 s28, v6  }
0x249: {  	v23 =	vadd.f32 v24, v23;
	v24 =	vmul.f32 v26, v20;
	_ =	sdelay $0x1  }
0x24a: {  	v23 =	vadd.f32 v24, v23;
	_ =	sdelay $0x1  }
0x24b: {  	[tilespmem:v25+s18+$0x0] =	vst.idx.msk $0xffff, v23  }
0x24c: {  	v23 =	vld [tilespmem:s26+$0x1540]  }
0x24d: {  	v24 =	vld [tilespmem:s26+$0x1D40];
	_ =	sdelay $0x1  }
0x24e: {  	v25 =	vld [tilespmem:s26+$0x15C0];
	_ =	sdelay $0x1  }
0x24f: {  	v26 =	vld [tilespmem:s26+$0x1DC0]  }
0x250: {  	v23 =	vmul.f32 v23, v22;
	v24 =	vmul.f32 v24, v19;
	_ =	sdelay $0x1  }
0x251: {  	v23 =	vadd.f32 v24, v23;
	v24 =	vmul.f32 v25, v21  }
0x252: {  	v25 =	vadd.s32 s28, v7  }
0x253: {  	v23 =	vadd.f32 v24, v23;
	v24 =	vmul.f32 v26, v20;
	_ =	sdelay $0x1  }
0x254: {  	v23 =	vadd.f32 v24, v23;
	_ =	sdelay $0x1  }
0x255: {  	[tilespmem:v25+s18+$0x0] =	vst.idx.msk $0xffff, v23  }
0x256: {  	v23 =	vld [tilespmem:s26+$0x1550]  }
0x257: {  	v24 =	vld [tilespmem:s26+$0x1D50];
	_ =	sdelay $0x1  }
0x258: {  	v25 =	vld [tilespmem:s26+$0x15D0];
	_ =	sdelay $0x1  }
0x259: {  	v26 =	vld [tilespmem:s26+$0x1DD0]  }
0x25a: {  	v23 =	vmul.f32 v23, v22;
	v24 =	vmul.f32 v24, v19;
	_ =	sdelay $0x1  }
0x25b: {  	v25 =	vmul.f32 v25, v21;
	v23 =	vadd.f32 v24, v23  }
0x25c: {  	v27 =	vadd.s32 s28, v8  }
0x25d: {  	v24 =	vmul.f32 v26, v20;
	v23 =	vadd.f32 v25, v23;
	_ =	sdelay $0x1  }
0x25e: {  	v23 =	vadd.f32 v24, v23;
	_ =	sdelay $0x1  }
0x25f: {  	[tilespmem:v27+s18+$0x0] =	vst.idx.msk $0xffff, v23  }
0x260: {  	v24 =	vld [tilespmem:s26+$0x1560]  }
0x261: {  	v25 =	vld [tilespmem:s26+$0x1D60];
	_ =	sdelay $0x1  }
0x262: {  	v26 =	vld [tilespmem:s26+$0x15E0];
	_ =	sdelay $0x1  }
0x263: {  	v23 =	vld [tilespmem:s26+$0x1DE0]  }
0x264: {  	v24 =	vmul.f32 v24, v22;
	v25 =	vmul.f32 v25, v19;
	_ =	sdelay $0x1  }
0x265: {  	v26 =	vmul.f32 v26, v21;
	v24 =	vadd.f32 v25, v24  }
0x266: {  	v25 =	vadd.s32 s28, v9  }
0x267: {  	v23 =	vmul.f32 v23, v20;
	v24 =	vadd.f32 v26, v24;
	_ =	sdelay $0x1  }
0x268: {  	v23 =	vadd.f32 v23, v24;
	_ =	sdelay $0x1  }
0x269: {  	[tilespmem:v25+s18+$0x0] =	vst.idx.msk $0xffff, v23  }
0x26a: {  	v23 =	vld [tilespmem:s26+$0x1570]  }
0x26b: {  	v24 =	vld [tilespmem:s26+$0x1D70];
	_ =	sdelay $0x1  }
0x26c: {  	v25 =	vld [tilespmem:s26+$0x15F0]  }
0x26d: {  	v26 =	vld [tilespmem:s26+$0x1DF0];
	_ =	sdelay $0x1  }
0x26e: {  	v23 =	vmul.f32 v23, v22;
	v24 =	vmul.f32 v24, v19;
	_ =	sdelay $0x1  }
0x26f: {  	v25 =	vmul.f32 v25, v21;
	v23 =	vadd.f32 v24, v23  }
0x270: {  	v24 =	vmul.f32 v26, v20;
	v26 =	vadd.s32 s28, v10  }
0x271: {  	v23 =	vadd.f32 v25, v23;
	_ =	sdelay $0x1  }
0x272: {  	s7 =	sand.u32 $0x3, s31;
	v23 =	vadd.f32 v24, v23  }
0x273: {  	s1 =	sshll.u32 s7, $0x8  }
0x274: {  	s6 =	sadd.s32 s1, s30;
	[tilespmem:v26+s18+$0x0] =	vst.idx.msk $0xffff, v23  }
0x275: {  	s7 =	sor.u32 $0xC00, s6;
	v23 =	vld [tilespmem:s26+$0x1900]  }
0x276: {  	v24 =	vld [tilespmem:s7+$0x1500]  }
0x277: {  	s1 =	sadd.s32 $0x80, s6  }
0x278: {  	v25 =	vld [tilespmem:s26+$0x1980];
	s7 =	sor.u32 $0xC00, s1  }
0x279: {  	v26 =	vld [tilespmem:s7+$0x1500];
	_ =	sdelay $0x1  }
0x27a: {  	v23 =	vmul.f32 v23, v22;
	v24 =	vmul.f32 v24, v19;
	_ =	sdelay $0x1  }
0x27b: {  	v25 =	vmul.f32 v25, v21;
	v23 =	vadd.f32 v24, v23  }
0x27c: {  	v24 =	vmul.f32 v26, v20;
	v26 =	vadd.s32 s28, v11  }
0x27d: {  	v23 =	vadd.f32 v25, v23;
	_ =	sdelay $0x1  }
0x27e: {  	v23 =	vadd.f32 v24, v23;
	_ =	sdelay $0x1  }
0x27f: {  	[tilespmem:v26+s18+$0x0] =	vst.idx.msk $0xffff, v23  }
0x280: {  	s7 =	sor.u32 $0xC10, s6;
	v23 =	vld [tilespmem:s26+$0x1910]  }
0x281: {  	v24 =	vld [tilespmem:s7+$0x1500];
	_ =	sdelay $0x1  }
0x282: {  	v25 =	vld [tilespmem:s26+$0x1990];
	s7 =	sor.u32 $0xC10, s1  }
0x283: {  	v26 =	vld [tilespmem:s7+$0x1500];
	_ =	sdelay $0x1  }
0x284: {  	v23 =	vmul.f32 v23, v22;
	v24 =	vmul.f32 v24, v19;
	_ =	sdelay $0x1  }
0x285: {  	v25 =	vmul.f32 v25, v21;
	v23 =	vadd.f32 v24, v23  }
0x286: {  	v24 =	vmul.f32 v26, v20;
	v26 =	vadd.s32 s28, v12  }
0x287: {  	v23 =	vadd.f32 v25, v23;
	_ =	sdelay $0x1  }
0x288: {  	v23 =	vadd.f32 v24, v23;
	_ =	sdelay $0x1  }
0x289: {  	[tilespmem:v26+s18+$0x0] =	vst.idx.msk $0xffff, v23  }
0x28a: {  	s7 =	sor.u32 $0xC20, s6;
	v23 =	vld [tilespmem:s26+$0x1920]  }
0x28b: {  	v24 =	vld [tilespmem:s7+$0x1500];
	_ =	sdelay $0x1  }
0x28c: {  	v25 =	vld [tilespmem:s26+$0x19A0];
	s7 =	sor.u32 $0xC20, s1  }
0x28d: {  	v26 =	vld [tilespmem:s7+$0x1500];
	_ =	sdelay $0x1  }
0x28e: {  	v23 =	vmul.f32 v23, v22;
	v24 =	vmul.f32 v24, v19;
	_ =	sdelay $0x1  }
0x28f: {  	v25 =	vmul.f32 v25, v21;
	v23 =	vadd.f32 v24, v23  }
0x290: {  	v24 =	vmul.f32 v26, v20;
	v26 =	vadd.s32 s28, v13  }
0x291: {  	v23 =	vadd.f32 v25, v23;
	_ =	sdelay $0x1  }
0x292: {  	v23 =	vadd.f32 v24, v23;
	_ =	sdelay $0x1  }
0x293: {  	[tilespmem:v26+s18+$0x0] =	vst.idx.msk $0xffff, v23  }
0x294: {  	s7 =	sor.u32 $0xC30, s6;
	v23 =	vld [tilespmem:s26+$0x1930]  }
0x295: {  	v24 =	vld [tilespmem:s7+$0x1500];
	_ =	sdelay $0x1  }
0x296: {  	v25 =	vld [tilespmem:s26+$0x19B0];
	s7 =	sor.u32 $0xC30, s1  }
0x297: {  	v26 =	vld [tilespmem:s7+$0x1500];
	_ =	sdelay $0x1  }
0x298: {  	v23 =	vmul.f32 v23, v22;
	v24 =	vmul.f32 v24, v19;
	_ =	sdelay $0x1  }
0x299: {  	v25 =	vmul.f32 v25, v21;
	v23 =	vadd.f32 v24, v23  }
0x29a: {  	v24 =	vmul.f32 v26, v20;
	v26 =	vadd.s32 s28, v14  }
0x29b: {  	v23 =	vadd.f32 v25, v23;
	_ =	sdelay $0x1  }
0x29c: {  	v23 =	vadd.f32 v24, v23;
	_ =	sdelay $0x1  }
0x29d: {  	[tilespmem:v26+s18+$0x0] =	vst.idx.msk $0xffff, v23  }
0x29e: {  	s7 =	sor.u32 $0xC40, s6;
	v23 =	vld [tilespmem:s26+$0x1940]  }
0x29f: {  	v24 =	vld [tilespmem:s7+$0x1500];
	_ =	sdelay $0x1  }
0x2a0: {  	v25 =	vld [tilespmem:s26+$0x19C0];
	s7 =	sor.u32 $0xC40, s1  }
0x2a1: {  	v26 =	vld [tilespmem:s7+$0x1500];
	_ =	sdelay $0x1  }
0x2a2: {  	v23 =	vmul.f32 v23, v22;
	v24 =	vmul.f32 v24, v19;
	_ =	sdelay $0x1  }
0x2a3: {  	v25 =	vmul.f32 v25, v21;
	v23 =	vadd.f32 v24, v23  }
0x2a4: {  	v24 =	vmul.f32 v26, v20;
	v26 =	vadd.s32 s28, v15  }
0x2a5: {  	v23 =	vadd.f32 v25, v23;
	_ =	sdelay $0x1  }
0x2a6: {  	v23 =	vadd.f32 v24, v23;
	_ =	sdelay $0x1  }
0x2a7: {  	[tilespmem:v26+s18+$0x0] =	vst.idx.msk $0xffff, v23  }
0x2a8: {  	s7 =	sor.u32 $0xC50, s6;
	v23 =	vld [tilespmem:s26+$0x1950]  }
0x2a9: {  	v24 =	vld [tilespmem:s7+$0x1500];
	_ =	sdelay $0x1  }
0x2aa: {  	v25 =	vld [tilespmem:s26+$0x19D0];
	s7 =	sor.u32 $0xC50, s1  }
0x2ab: {  	v26 =	vld [tilespmem:s7+$0x1500];
	_ =	sdelay $0x1  }
0x2ac: {  	v23 =	vmul.f32 v23, v22;
	v24 =	vmul.f32 v24, v19;
	_ =	sdelay $0x1  }
0x2ad: {  	v25 =	vmul.f32 v25, v21;
	v23 =	vadd.f32 v24, v23  }
0x2ae: {  	v24 =	vmul.f32 v26, v20;
	v26 =	vadd.s32 s28, v16  }
0x2af: {  	v23 =	vadd.f32 v25, v23;
	_ =	sdelay $0x1  }
0x2b0: {  	v23 =	vadd.f32 v24, v23;
	_ =	sdelay $0x1  }
0x2b1: {  	[tilespmem:v26+s18+$0x0] =	vst.idx.msk $0xffff, v23  }
0x2b2: {  	s7 =	sor.u32 $0xC60, s6;
	v23 =	vld [tilespmem:s26+$0x1960]  }
0x2b3: {  	v24 =	vld [tilespmem:s7+$0x1500];
	_ =	sdelay $0x1  }
0x2b4: {  	v25 =	vld [tilespmem:s26+$0x19E0]  }
0x2b5: {  	s7 =	sor.u32 $0xC60, s1  }
0x2b6: {  	p1 =	sne.s32 s29, $0x30;
	v26 =	vld [tilespmem:s7+$0x1500]  }
.Ltmp5:
0x2b7: {  	v23 =	vmul.f32 v23, v22;
	v24 =	vmul.f32 v24, v19;
	(pc) =	sbr.rel @p1 .LBB2_11-.Ltmp5, $3  }
0x2b8: {  	_ = 	snop  }
0x2b9: {  	v25 =	vmul.f32 v25, v21;
	v27 =	vadd.f32 v24, v23;
	_ =	sdelay $0x1  }
0x2ba: {  	s29 =	sadd.s32 $0x1, s29;
	s31 =	sadd.s32 $0x1, s31;
	s30 =	sadd.s32 $0x400, s30;
	v24 =	vmul.f32 v26, v20;
	v23 =	vadd.s32 s28, v17;
	v25 =	vadd.f32 v25, v27  }
0x2bb: {  	_ =	sdelay $0x1  }
0x2bc: {  	v24 =	vadd.f32 v24, v25;
	_ =	sdelay $0x1  }
0x2bd: {  	[tilespmem:v23+s18+$0x0] =	vst.idx.msk $0xffff, v24  }
0x2be: {  	s0 =	sor.u32 $0xC70, s6;
	v23 =	vld [tilespmem:s26+$0x1970]  }
0x2bf: {  	v24 =	vld [tilespmem:s0+$0x1500];
	_ =	sdelay $0x1  }
0x2c0: {  	v62 =	vld [tilespmem:s26+$0x19F0]  }
0x2c1: {  	s29 =	sor.u32 $0xC70, s1  }
0x2c2: {  	v26 =	vld [tilespmem:s29+$0x1500]  }
0x2c3: {  	v22 =	vmul.f32 v23, v22;
	v19 =	vmul.f32 v24, v19;
	_ =	sdelay $0x1  }
0x2c4: {  	s30 =	sadd.s32 s5, s23;
	v21 =	vmul.f32 v62, v21;
	v19 =	vadd.f32 v19, v22  }
0x2c5: {  	v63 =	vadd.s32 s28, v18;
	s31 =	sshll.u32 s23, $0x7;
	s23 =	sadd.s32 $0x1, s23;
	s0 =	sshrl.u32 s30, $0x3  }
0x2c6: {  	p1 =	sne.s32 s23, $0x20;
	s0 =	smul.u32 $0x18800, s0;
	v20 =	vmul.f32 v26, v20;
	v19 =	vadd.f32 v21, v19  }
.Ltmp6:
0x2c7: {  	s1 =	sand.u32 $0x380, s31;
	(pc) =	sbr.rel @p1 .LBB2_2-.Ltmp6, $4  }
0x2c8: {  	s0 =	sor.u32 s1, s0;
	v19 =	vadd.f32 v20, v19  }
0x2c9: {  	s0 =	sshrl.u32 s0, $0x3  }
0x2ca: {  	p0 =	por !p0, !p0;
	s0 =	sadd.s32 s4, s0;
	[tilespmem:v63+s18+$0x0] =	vst.idx.msk $0xffff, v19  }
0x2cb: {  	[hbm4b:s0+s19] =	stream.strided.scatter [tilespmem:s18], [sflag:$0x3], $0x3100, s20, s19, $0x38;
	[tilespmem:$0x1E600] =	vst v63  }
0x2cc: {  	_ =	swait.ge [sflag:s21], $0x3100  }
0x2cd: {  	s22 =	sadd.s32 $0x1, s22;
	s0 =	rddreg [dreg:$0x5]  }
0x2ce: {  	p0 =	sne.s32 s22, s0  }
.Ltmp7:
0x2cf: {  	_ = 	snop;
	(pc) =	sbr.rel @p0 .LBB2_1-.Ltmp7, $3  }
0x2d0: {  	_ =	sdelay $0x1  }
0x2d1: {  	[sflag:s21] =	ssyncset.done $0x0  }
0x2d2: {  	[sflag:s21] =	ssyncadd.s32 $0xFFFFCF00  }
0x2d3: {  	_ =	sfence.sel $0x180000  }
0x2d4: {  	[bflag:$0x0] =	sbarrier.arrive $0xFFFF  }
0x2d5: {  	_ =	strace $0x90000047  }
0x2d6: {  	s0 =	stileid.u32;
	[bflag:$0x2] =	sbarrier.arrive $0xFFFF  }
0x2d7: {  	p0 =	sne.s32 s0, $0x0;
	s0 =	rddreg [dreg:$0x1]  }
0x2d8: {  	s0 =	sadd.s32 @!p0 $0x100000, s0  }
0x2d9: {  	[sflag:s0] =	ssyncadd.tile.s32 @!p0 $0x1;
	_ =	shalt  }
.Lfunc_end2:
_tile_overlayer_lowered:
.L_overlay_start_2:
0x2da: {  	(tag) =	ssettag $0x2  }
0x2db: {  	s0 =	rddreg [dreg:$0x0];
	s2 =	stileid.u32  }
0x2dc: {  	s1 =	rddreg [dreg:$0x1];
	p0 =	sne.s32 s2, $0x0  }
0x2dd: {  	s3 =	rddreg [dreg:$0x2];
	[bflag:$0x3] =	sbarrier.arrive $0xFFFF;
	s2 =	simm.s32 @!p0 $0x1C04  }
0x2de: {  	[timem:s3], [sflag:s2] =	dma.local @!p0 [hbm:s0], s1  }
0x2df: {  	s0 =	simm.s32 @!p0 $0x4  }
0x2e0: {  	_ =	swait.ge @!p0 [sflag:s0], s1  }
0x2e1: {  	s1 =	ssub.s32 @!p0 $0x0, s1;
	[sflag:s0] =	ssyncset.done @!p0 $0x0  }
0x2e2: {  	[sflag:s0] =	ssyncadd.s32 @!p0 s1  }
0x2e3: {  	[bflag:$0x3] =	sbarrier.arrive $0xFFFF  }
0x2e4: {  	_ =	shalt  }

// kernel: sparse-core-data-format-call.cloned.1.call-start
scs
called_computation_lowered:
.L_overlay_start_0:
0x0: {  	s2 =	sld [smem:$0x3FD9]  }
0x1: {  	s3 =	sld [smem:$0x3FFE];
	_ =	sdelay $0x1  }
0x2: {  	s1 =	srdreg.scid  }
0x3: {  	s0 =	sand.u32 $0x1, s1  }
0x4: {  	s18 =	sshll.u32 s0, $0xA;
	s2 =	sadd.s32 s3, s2  }
0x5: {  	s2 =	sadd.s32 s2, s18  }
0x6: {  	[smem:$0x3FC3] =	sst s2  }
0x7: {  	_ = 	snop  }
0x8: {  	s2 =	sld [smem:$0x3FD0];
	(tm) =	ssettm $0x1  }
0x9: {  	s19 =	sld [smem:$0x3FFB];
	_ =	sdelay $0x3  }
0xa: {  	_ =	strace s19  }
0xb: {  	s3 =	sld [smem:$0x3FFC];
	_ =	sdelay $0x3  }
0xc: {  	_ =	strace s3  }
0xd: {  	s3 =	sld [smem:$0x3FFD];
	_ =	sdelay $0x3  }
0xe: {  	_ =	strace s3  }
0xf: {  	_ =	strace $0x8FFFFFFF  }
0x10: {  	s20 =	sld [smem:$0x3FDB];
	_ =	sdelay $0x1  }
0x11: {  	s4 =	simm.s32 $_scs_section_size  }
0x12: {  	s5 =	simm.s32 $_size__tile_overlayer_lowered;
	s6 =	simm.s32 $_tile_overlayer_lowered  }
0x13: {  	s23 =	simm.s32 $0x1BFF;
	s22 =	sshll.u32 s6, $0x1;
	s3 =	sadd.s32 s4, s20  }
0x14: {  	s7 =	simm.s32 $0x0;
	s21 =	sshll.u32 s5, $0x1;
	s5 =	sadd.s32 s22, s3  }
0x15: {  	[timem:s7], [sflag:s23] =	dma.local [hbm:s5], s21  }
0x16: {  	_ =	swait.ge [sflag:s23], s21  }
0x17: {  	s4 =	ssub.s32 $0x0, s21;
	[sflag:s23] =	ssyncset.done $0x0  }
0x18: {  	[sflag:s23] =	ssyncadd.s32 s4;
	_ =	sdelay $0x1  }
0x19: {  	s24 =	simm.s32 $0x1B8B  }
0x1a: {  	_ =	swait.ge [sflag:s24], $0x1  }
0x1b: {  	[sflag:s24] =	ssyncset.done $0x0  }
0x1c: {  	s26 =	simm.s32 $0x1B8E;
	s25 =	sld [smem:$0x3FFE];
	[sflag:s24] =	ssyncadd.s32 $0xFFFFFFFF  }
0x1d: {  	s27 =	simm.s32 $execute0_lowered;
	[smem:$0x3FD2] =	sst s26  }
0x1e: {  	s5 =	sshll.u32 s27, $0x1;
	_ =	strace $0x80000049;
	[dreg:$0x1] =	wrdreg $0xFFFFFFFF  }
0x1f: {  	s28 =	simm.s32 $_size_execute0_lowered;
	s3 =	sadd.s32 s3, s5;
	[dreg:$0x0] =	wrdreg $0x0  }
0x20: {  	s5 =	sshll.u32 s28, $0x1;
	[dreg:$0x2] =	wrdreg s3  }
0x21: {  	[dreg:$0x3] =	wrdreg s5  }
0x22: {  	[dreg:$0x4] =	wrdreg $0xC0  }
0x23: {  	_ =	task [dreg:s7], $0x5FFFF  }
0x24: {  	[dreg:$0x1] =	wrdreg $0xFFFFFFFF  }
0x25: {  	[dreg:$0x0] =	wrdreg $0x60  }
0x26: {  	[dreg:$0x2] =	wrdreg s25  }
0x27: {  	[dreg:$0x3] =	wrdreg s2  }
0x28: {  	[dreg:$0x4] =	wrdreg $0x9  }
0x29: {  	_ =	task.clear_ibuf [dreg:s7], $0x5FFFF;
	_ =	strace $0x90000049  }
0x2a: {  	s29 =	simm.s32 $0x9;
	_ =	strace $0x8000004B  }
0x2b: {  	_ =	swait.ge [sflag:s29], $0x1  }
0x2c: {  	[sflag:s29] =	ssyncadd.s32 $0xFFFFFFFF  }
0x2d: {  	_ =	strace $0x9000004B  }
0x2e: {  	_ =	sfence  }
0x2f: {  	s30 =	sld [smem:$0x0];
	_ =	sdelay $0x2  }
0x30: {  	s31 =	sshll.u32 s1, $0xD;
	s1 =	sshrl.u32 s1, $0x2  }
0x31: {  	s3 =	sand.u32 $0x4000, s31;
	s1 =	sadd.s32 s1, s30  }
0x32: {  	s0 =	sor.u32 s3, s0;
	s1 =	sshll.u32 s1, $0x11  }
0x33: {  	s0 =	sor.u32 s1, s0  }
0x34: {  	s0 =	sadd.s32 $0x8F2B, s0  }
0x35: {  	[sflag:s0] =	ssyncadd.remote.s32 $0x1  }
0x36: {  	_ =	sfence.sel $0xFFFF  }
0x37: {  	[dreg:$0x0] =	wrdreg $0xFFFFFFFF;
	(pc) =	sbr.abs _section_cstart, $3  }
0x38: {  	[dreg:$0x1] =	wrdreg $0xFFFFFFFF  }
0x39: {  	_ =	task.clear_ibuf [dreg:s7], $0x2FFFF;
	_ =	strace $0x9FFFFFFF  }
0x3a: {  	(tm) =	ssettm $0x7FFFFFFF  }
0x3b: {  	_ =	shalt  }
tec
execute0_lowered:
.L_overlay_start_1:
0x0: {  	(tag) =	ssettag $0x1  }
0x1: {  	s0 =	stileid.u32  }
0x2: {  	s1 =	srdreg.scid;
	s6 =	rddreg [dreg:$0x0]  }
0x3: {  	s9 =	simm.s32 $0x1;
	s31 =	simm.s32 $0x2;
	s17 =	simm.s32 $0x0  }
0x4: {  	s2 =	sshll.u32 s0, $0x7;
	s3 =	sshll.u32 s0, $0x5;
	s4 =	sshll.u32 s1, $0x9  }
0x5: {  	s10 =	simm.s32 $0x800;
	s1 =	sand.u32 $0x80, s2;
	s24 =	sor.u32 s3, s4  }
0x6: {  	s26 =	sshrl.u32 s0, $0x1;
	s25 =	ssub.s32 $0x100, s1;
	s2 =	sand.u32 $0x380, s24  }
0x7: {  	s3 =	sand.u32 $0x1, s26;
	s5 =	sshrl.u32 s25, $0x7;
	s8 =	ssub.s32 $0x400, s2  }
0x8: {  	s7 =	sshrl.u32 s25, $0x8;
	s5 =	sand.u32 $0x1, s5;
	s28 =	sand.u32 $0x380, s8  }
0x9: {  	s29 =	ssub.s32 $0x4, s3;
	s27 =	sadd.s32 s7, s5;
	p0 =	sne.s32 s28, $0x0  }
0xa: {  	s8 =	sshrl.u32 s8, $0xA;
	s9 =	simm.s32 @!p0 $0x0;
	s7 =	smul.u32 s27, s29  }
0xb: {  	s15 =	simm.s32 $0x0;
	s18 =	simm.s32 $0x0;
	s8 =	sadd.s32 s9, s8  }
0xc: {  	s16 =	simm.s32 $0x0;
	s11 =	simm.s32 $0x0;
	s7 =	smul.u32 s8, s7  }
.Ltmp0:
0xd: {  	s14 =	simm.s32 $0x0;
	s4 =	rddreg [dreg:$0x2];
	(pc) =	sbr.rel .LBB1_1-.Ltmp0, $4  }
0xe: {  	s12 =	smov.u32 s3;
	s30 =	sadd.s32 s2, s6;
	s6 =	simm.s32 $0x1  }
0xf: {  	s5 =	rddreg [dreg:$0x1];
	_ =	strace $0x8000004A;
	s7 =	smul.u32 $0x7, s7  }
0x10: {  	s13 =	smov.u32 s1;
	[sflag:s6] =	ssyncpa.u1 $0x0;
	p0 =	por $0x0, $0x0  }
0x11: {  	[sflag:s31] =	ssyncpa.u1 $0x0;
	s8 =	sadd.s32 $0x1600, s30;
	s9 =	sadd.s32 $0x1, s7  }
.LBB1_4:
0x12: {  	v5 =	vld [tilespmem:s22+$0xFFFFFFD0];
	[tilespmem:s21+$0x2040 ss:$0x81] =	vst.msk $0xffff, v1  }
0x13: {  	v58 =	vld [tilespmem:s22+$0xFFFFFFE0];
	[tilespmem:s21+$0x2850 ss:$0x81] =	vst.msk $0xffff, v2  }
0x14: {  	s23 =	sshra.s32 s23, $0x2;
	v59 =	vld [tilespmem:s22+$0xFFFFFFF0];
	[tilespmem:s21+$0x3060 ss:$0x81] =	vst.msk $0xffff, v3  }
0x15: {  	v60 =	vld [tilespmem:s22+$0x0];
	[tilespmem:s21+$0x0 ss:$0x81] =	vst.msk $0xffff, v0;
	s20 =	sadd.s32 s23, s20  }
0x16: {  	v61 =	vld [tilespmem:s22+$0x10];
	[tilespmem:s20+$0x3870 ss:$0x81] =	vst.msk $0xffff, v4  }
0x17: {  	v62 =	vld [tilespmem:s22+$0x20];
	[tilespmem:s20+$0x810 ss:$0x81] =	vst.msk $0xffff, v5  }
0x18: {  	v63 =	vld [tilespmem:s22+$0xFFFFFFC0];
	s18 =	smul.u32 $0x38000, s18;
	[tilespmem:s20+$0x1020 ss:$0x81] =	vst.msk $0xffff, v58  }
0x19: {  	s17 =	sshll.u32 s17, $0x5;
	s28 =	sand.u32 $0x7F80, s16;
	s29 =	sshrl.u32 s16, $0x3;
	[tilespmem:s20+$0x1830 ss:$0x81] =	vst.msk $0xffff, v59  }
0x1a: {  	s15 =	sshll.u32 s15, $0xF;
	s30 =	sand.u32 $0xF, s29;
	s18 =	sadd.s32 s5, s18;
	[tilespmem:s20+$0x2040 ss:$0x81] =	vst.msk $0xffff, v60  }
0x1b: {  	s31 =	sand.u32 $0x7, s16;
	s17 =	sadd.s32 s28, s17;
	s18 =	sadd.s32 s30, s18;
	[tilespmem:s20+$0x2850 ss:$0x81] =	vst.msk $0xffff, v61  }
0x1c: {  	s16 =	sshll.u32 s31, $0x12;
	s17 =	sand.u32 $0x7F80, s17;
	s15 =	sadd.s32 s15, s18;
	[tilespmem:s20+$0x3060 ss:$0x81] =	vst.msk $0xffff, v62  }
0x1d: {  	s16 =	sor.u32 $0x400, s16;
	[tilespmem:s20+$0x0 ss:$0x81] =	vst.msk $0xffff, v63;
	s15 =	sadd.s32 s17, s15  }
0x1e: {  	[hbm4b:s15+s16] =	stream.strided.scatter [tilespmem:s19], [sflag:$0x2], $0x4000, s10, s16, $0x20;
	[tilespmem:$0x10100] =	vst v63  }
.LBB1_5:
0x1f: {  	s19 =	sadd.s32 $0x1, s11  }
0x20: {  	s15 =	sadd.s32 $0x2, s12;
	s20 =	smov.u32 s12;
	p2 =	sgt.s32 s19, $0x6  }
0x21: {  	s20 =	smov.u32 @p2 s15  }
0x22: {  	s21 =	smov.u32 s13;
	s15 =	sadd.s32 $0x100, s13;
	p3 =	sgt.s32 s20, $0x6  }
0x23: {  	s21 =	smov.u32 @p3 s15  }
0x24: {  	s19 =	simm.s32 @p2 $0x0;
	p2 =	sgt.s32 s21, $0xFF  }
0x25: {  	p1 =	slt.u32 s14, $0x2;
	s21 =	smov.u32 @p2 s1;
	p2 =	sne.s32 s14, s9  }
.Ltmp1:
0x26: {  	s18 =	smov.u32 s12;
	s17 =	simm.s32 @!p1 $0x2;
	(pc) =	sbr.rel @!p2 .LBB1_6-.Ltmp1, $4  }
0x27: {  	s16 =	smov.u32 s13;
	p0 =	por !p0, !p0;
	_ =	swait.ge @!p1 [sflag:s17], $0x4000  }
0x28: {  	[sflag:s17] =	ssyncset.done @!p1 $0x0;
	s20 =	smov.u32 @p3 s3;
	s15 =	smov.u32 s11  }
0x29: {  	[sflag:s17] =	ssyncadd.s32 @!p1 $0xFFFFC000;
	s17 =	smov.u32 s2;
	s11 =	smov.u32 s19  }
0x2a: {  	s12 =	smov.u32 s20;
	s14 =	sadd.s32 $0x1, s14;
	s13 =	smov.u32 s21  }
.LBB1_1:
0x2b: {  	p1 =	sge.u32 s14, s7  }
0x2c: {  	s20 =	smul.u32 @!p1 $0x1C00, s13  }
0x2d: {  	s31 =	sadd.s32 $0xFFFFFFFF, s14;
	s19 =	sxor.u32 @!p1 $0xFFFFFFFF, s14;
	s21 =	sshll.u32 @!p1 s12, $0xA  }
0x2e: {  	s22 =	sshll.u32 @!p1 s11, $0x4;
	s19 =	sshll.u32 @!p1 s19, $0xE;
	s20 =	sadd.s32 @!p1 s20, s8  }
0x2f: {  	s22 =	sand.u32 @!p1 $0x70, s22;
	s19 =	sand.u32 @!p1 $0x4000, s19;
	s20 =	sadd.s32 @!p1 s21, s20  }
0x30: {  	s21 =	simm.s32 @!p1 $0x80;
	s20 =	sadd.s32 @!p1 s22, s20;
	s22 =	simm.s32 @!p1 $0xE000  }
0x31: {  	[tilespmem:s19], [sflag:$0x1] =	stream.strided.gather @!p1 [hbm4b:s20+s21], $0x4000, s22, s21, $0x38;
	[tilespmem:$0x10100] =	vst v63  }
0x32: {  	p1 =	sge.u32 s31, s7  }
.Ltmp2:
0x33: {  	_ = 	snop;
	(pc) =	sbr.rel @p1 .LBB1_5-.Ltmp2, $1  }
0x34: {  	_ =	sdelay $0x3  }
0x35: {  	s19 =	simm.s32 $0x1  }
0x36: {  	_ =	swait.ge [sflag:s6], $0x4000;
	s19 =	simm.s32 @!p0 $0x0  }
0x37: {  	[sflag:s6] =	ssyncset.done $0x0;
	s20 =	sshll.u32 s19, $0xE  }
0x38: {  	[sflag:s6] =	ssyncadd.s32 $0xFFFFC000;
	s22 =	sor.u32 $0x40, s20  }
0x39: {  	s19 =	smul.u32 $0x10200, s19;
	v0 =	vld [tilespmem:s22+$0x30]  }
0x3a: {  	v3 =	vld [tilespmem:s22+$0xFFFFFFD0]  }
0x3b: {  	s19 =	sshrl.u32 s19, $0x2;
	v4 =	vld [tilespmem:s22+$0xFFFFFFE0]  }
0x3c: {  	v5 =	vld [tilespmem:s22+$0xFFFFFFF0];
	s20 =	sor.u32 $0x8000, s19  }
0x3d: {  	s31 =	sand.u32 $0x1, s14;
	v1 =	vld [tilespmem:s22+$0x0];
	s21 =	sadd.s32 $0x0, s20  }
0x3e: {  	v2 =	vld [tilespmem:s22+$0x10];
	s19 =	smul.u32 $0x10200, s31;
	[tilespmem:s21+$0x3870 ss:$0x81] =	vst.msk $0xffff, v0  }
0x3f: {  	[tilespmem:s21+$0x810 ss:$0x81] =	vst.msk $0xffff, v3;
	v3 =	vld [tilespmem:s22+$0x20]  }
0x40: {  	s19 =	sshrl.u32 s19, $0x2;
	v0 =	vld [tilespmem:s22+$0xFFFFFFC0];
	[tilespmem:s21+$0x1020 ss:$0x81] =	vst.msk $0xffff, v4;
	s22 =	sadd.s32 $0x80, s22  }
0x41: {  	s23 =	simm.s32 $0x4;
	s24 =	simm.s32 $0x8;
	s19 =	sor.u32 $0x8000, s19;
	[tilespmem:s21+$0x1830 ss:$0x81] =	vst.msk $0xffff, v5;
	v4 =	vld [tilespmem:s22+$0x30]  }
.LBB1_3:
0x42: {  	p1 =	sne.s32 s24, $0x1FC;
	v5 =	vld [tilespmem:s22+$0xFFFFFFD0];
	[tilespmem:s21+$0x2040 ss:$0x81] =	vst.msk $0xffff, v1  }
0x43: {  	v6 =	vld [tilespmem:s22+$0xFFFFFFE0];
	[tilespmem:s21+$0x2850 ss:$0x81] =	vst.msk $0xffff, v2  }
0x44: {  	s25 =	sshra.s32 s23, $0x2;
	s23 =	smov.u32 s24;
	v7 =	vld [tilespmem:s22+$0xFFFFFFF0];
	[tilespmem:s21+$0x3060 ss:$0x81] =	vst.msk $0xffff, v3  }
.Ltmp3:
0x45: {  	v1 =	vld [tilespmem:s22+$0x0];
	[tilespmem:s21+$0x0 ss:$0x81] =	vst.msk $0xffff, v0;
	s21 =	sadd.s32 s25, s20;
	(pc) =	sbr.rel @p1 .LBB1_3-.Ltmp3, $4  }
0x46: {  	v2 =	vld [tilespmem:s22+$0x10];
	[tilespmem:s21+$0x3870 ss:$0x81] =	vst.msk $0xffff, v4  }
0x47: {  	[tilespmem:s21+$0x810 ss:$0x81] =	vst.msk $0xffff, v5;
	v3 =	vld [tilespmem:s22+$0x20]  }
0x48: {  	v0 =	vld [tilespmem:s22+$0xFFFFFFC0];
	[tilespmem:s21+$0x1020 ss:$0x81] =	vst.msk $0xffff, v6;
	s22 =	sadd.s32 $0x80, s22  }
0x49: {  	s24 =	sadd.s32 $0x4, s24;
	v4 =	vld [tilespmem:s22+$0x30];
	[tilespmem:s21+$0x1830 ss:$0x81] =	vst.msk $0xffff, v7  }
.Ltmp4:
0x4a: {  	_ = 	snop;
	(pc) =	sbr.rel .LBB1_4-.Ltmp4, $1  }
0x4b: {  	_ =	sdelay $0x3  }
.LBB1_6:
0x4c: {  	_ =	sfence.sel $0x180000  }
0x4d: {  	s1 =	simm.s32 $0x1;
	[bflag:$0x0] =	sbarrier.arrive $0xFFFF  }
0x4e: {  	s31 =	simm.s32 $0x2;
	[sflag:s1] =	ssyncpa.u1 $0x1  }
0x4f: {  	[sflag:s31] =	ssyncpa.u1 $0x1  }
0x50: {  	p0 =	sne.s32 s0, $0x0;
	_ =	strace $0x9000004A  }
0x51: {  	s0 =	sadd.s32 @!p0 $0x100000, s4;
	[bflag:$0x2] =	sbarrier.arrive $0xFFFF  }
0x52: {  	[sflag:s0] =	ssyncadd.tile.s32 @!p0 $0x1;
	_ =	shalt  }
.Lfunc_end1:
_tile_overlayer_lowered:
.L_overlay_start_2:
0x53: {  	(tag) =	ssettag $0x2  }
0x54: {  	s0 =	rddreg [dreg:$0x0];
	s2 =	stileid.u32  }
0x55: {  	s1 =	rddreg [dreg:$0x1];
	p0 =	sne.s32 s2, $0x0  }
0x56: {  	s3 =	rddreg [dreg:$0x2];
	[bflag:$0x3] =	sbarrier.arrive $0xFFFF;
	s2 =	simm.s32 @!p0 $0x1C01  }
0x57: {  	[timem:s3], [sflag:s2] =	dma.local @!p0 [hbm:s0], s1  }
0x58: {  	s0 =	simm.s32 @!p0 $0x1  }
0x59: {  	_ =	swait.ge @!p0 [sflag:s0], s1  }
0x5a: {  	s1 =	ssub.s32 @!p0 $0x0, s1;
	[sflag:s0] =	ssyncset.done @!p0 $0x0  }
0x5b: {  	[sflag:s0] =	ssyncadd.s32 @!p0 s1  }
0x5c: {  	[bflag:$0x3] =	sbarrier.arrive $0xFFFF  }
0x5d: {  	_ =	shalt  }

</sc_bundles>
